<compile_context>
chip_gen: v7x
topology: tpu7x:2x2x1
jax: 0.10.2.dev20260603
libtpu: 0.0.44.dev20260713+nightly
codegen_flags: <defaults>
</compile_context>

<pallas_src>
import functools

import jax
import jax.numpy as jnp
from jax import lax
from jax.experimental import pallas as pl
from jax.experimental.pallas import tpu as pltpu
from jax.experimental.pallas import tpu_sc as plsc

N = 50000
H = 64
HH = 32
G = 512
NC = 2
NS = 16
CH = 384
KSUB = 3
ACC_ROWS = 50048
ACC_PER_TILE = ACC_ROWS // NS
LAST_ROWS = N - 15 * ACC_PER_TILE
BLK = 2000
NB = N // BLK



def _sc_agg_body(epad, t3, srcdst, zer, out, accum, idx, rows, gsems, ssems):
    nrow = epad // 128
    tile_rows = nrow // NS
    iters = tile_rows // KSUB
    c = lax.axis_index("c")
    s = lax.axis_index("s")
    pltpu.sync_copy(zer.at[pl.ds(s * ACC_PER_TILE, ACC_PER_TILE)],
                    accum.at[pl.ds(s * ACC_PER_TILE, ACC_PER_TILE)])
    plsc.subcore_barrier()
    row0 = s * tile_rows

    def idx_load(b, g):
        pltpu.sync_copy(srcdst.at[pl.ds(row0 + g * KSUB, KSUB)], idx.at[b])

    def gather(b, j):
        return (t3.at[c].at[idx.at[b, j, 0]],
                rows.at[b, pl.ds(j * 128, 128)], gsems.at[b])

    def scatter(b, j):
        return (rows.at[b, pl.ds(j * 128, 128)], accum.at[idx.at[b, j, 1]],
                ssems.at[b])

    def fire_gathers(b):
        for j in range(KSUB):
            pltpu.async_copy(*gather(b, j))

    def fire_scatters(b):
        for j in range(KSUB):
            pltpu.make_async_copy(*gather(b, j)).wait()
            pltpu.async_copy(*scatter(b, j), add=True)

    def wait_scatters(b):
        for j in range(KSUB):
            pltpu.make_async_copy(*scatter(b, j)).wait()

    idx_load(0, 0)
    fire_gathers(0)

    def body(g, carry):
        b = g % 2
        nb = 1 - b

        @pl.when(g >= 1)
        def _():
            wait_scatters(nb)

        @pl.when(g + 1 < iters)
        def _():
            idx_load(nb, g + 1)
            fire_gathers(nb)

        fire_scatters(b)
        return carry

    lax.fori_loop(0, iters, body, 0)
    wait_scatters((iters - 1) % 2)
    plsc.subcore_barrier()

    @pl.when(s < NS - 1)
    def _():
        pltpu.sync_copy(accum.at[pl.ds(s * ACC_PER_TILE, ACC_PER_TILE)],
                        out.at[pl.ds(c * N + s * ACC_PER_TILE, ACC_PER_TILE)])

    @pl.when(s == NS - 1)
    def _():
        pltpu.sync_copy(accum.at[pl.ds((NS - 1) * ACC_PER_TILE, LAST_ROWS)],
                        out.at[pl.ds(c * N + (NS - 1) * ACC_PER_TILE,
                                     LAST_ROWS)])


def _make_sc_agg(epad):
    return pl.kernel(
        functools.partial(_sc_agg_body, epad),
        out_type=jax.ShapeDtypeStruct((2 * N, HH), jnp.float32),
        mesh=plsc.VectorSubcoreMesh(core_axis_name="c", subcore_axis_name="s"),
        compiler_params=pltpu.CompilerParams(use_tc_tiling_on_sc=False),
        scratch_types=[
            pltpu.VMEM_SHARED((ACC_ROWS, HH), jnp.float32),
            pltpu.VMEM((2, KSUB, 2, 128), jnp.int32),
            pltpu.VMEM((2, CH, HH), jnp.float32),
            pltpu.SemaphoreType.DMA((2,)),
            pltpu.SemaphoreType.DMA((2,)),
        ],
    )


def _t0_body(x_ref, w_ref, out_ref):
    t = jnp.dot(x_ref[...], w_ref[...], preferred_element_type=jnp.float32)
    out_ref[0] = t[:, :HH]
    out_ref[1] = t[:, HH:]


def _k2_body(t_ref, a_ref, b1_ref, w2_ref, b2_ref, v_ref, st_ref, ssum, ssq):
    i = pl.program_id(0)
    tb = jnp.concatenate([t_ref[0], t_ref[1]], axis=1)
    ab = jnp.concatenate([a_ref[0], a_ref[1]], axis=1)
    u = jnp.maximum(tb + ab + b1_ref[...], 0.0)
    v = jnp.dot(u, w2_ref[...], preferred_element_type=jnp.float32) + b2_ref[...]
    v_ref[...] = v

    @pl.when(i == 0)
    def _():
        ssum[...] = jnp.zeros_like(ssum)
        ssq[...] = jnp.zeros_like(ssq)

    ssum[...] += jnp.sum(v, axis=0, keepdims=True)
    ssq[...] += jnp.sum(v * v, axis=0, keepdims=True)

    @pl.when(i == pl.num_programs(0) - 1)
    def _():
        st_ref[0:1] = ssum[...]
        st_ref[1:2] = ssq[...]


def _bn(v, st_ref, g_ref, be_ref):
    mean = st_ref[0:1] * (1.0 / N)
    var = st_ref[1:2] * (1.0 / N) - mean * mean
    scale = g_ref[...] * lax.rsqrt(var + 1e-5)
    shift = be_ref[...] - mean * scale
    return jnp.maximum(v * scale + shift, 0.0)


def _k3_body(v_ref, st_ref, g_ref, be_ref, w1n_ref, out_ref):
    h = _bn(v_ref[...], st_ref, g_ref, be_ref)
    t = jnp.dot(h, w1n_ref[...], preferred_element_type=jnp.float32)
    out_ref[0] = t[:, :HH]
    out_ref[1] = t[:, HH:]


def _k3p_body(v_ref, st_ref, g_ref, be_ref, batch_ref, ps_ref, cnt_ref,
              pacc, cacc):
    i = pl.program_id(0)
    h = _bn(v_ref[...], st_ref, g_ref, be_ref)
    ids = lax.broadcasted_iota(jnp.int32, (BLK, G), 1)
    oh = (batch_ref[0, 0][:, None] == ids).astype(jnp.float32)

    @pl.when(i == 0)
    def _():
        pacc[...] = jnp.zeros_like(pacc)
        cacc[...] = jnp.zeros_like(cacc)

    dn = (((0,), (0,)), ((), ()))
    pacc[...] += lax.dot_general(oh, h, dn, preferred_element_type=jnp.float32)
    cacc[...] += lax.dot_general(oh, jnp.ones((BLK, 1), jnp.float32), dn,
                                 preferred_element_type=jnp.float32)

    @pl.when(i == pl.num_programs(0) - 1)
    def _():
        ps_ref[...] = pacc[...]
        cnt_ref[...] = cacc[...]


def _fin_body(ps_ref, cnt_ref, wp_ref, bp_ref, out_ref):
    inv = 1.0 / jnp.maximum(cnt_ref[...], 1.0)
    pooled = ps_ref[...] * inv
    o = jnp.dot(pooled, wp_ref[...], preferred_element_type=jnp.float32)
    o = o + bp_ref[...]
    nrm = jnp.sqrt(jnp.sum(o * o, axis=1, keepdims=True))
    out_ref[...] = o / jnp.maximum(nrm, 1e-12)


def _spec(shape, imap):
    return pl.BlockSpec(shape, imap)


_t0 = pl.pallas_call(
    _t0_body,
    grid=(NB,),
    in_specs=[_spec((BLK, 128), lambda i: (i, 0)),
              _spec((128, H), lambda i: (0, 0))],
    out_specs=_spec((2, BLK, HH), lambda i: (0, i, 0)),
    out_shape=jax.ShapeDtypeStruct((2, N, HH), jnp.float32),
)

_k2 = pl.pallas_call(
    _k2_body,
    grid=(NB,),
    in_specs=[_spec((2, BLK, HH), lambda i: (0, i, 0)),
              _spec((2, BLK, HH), lambda i: (0, i, 0)),
              _spec((1, H), lambda i: (0, 0)),
              _spec((H, H), lambda i: (0, 0)),
              _spec((1, H), lambda i: (0, 0))],
    out_specs=[_spec((BLK, H), lambda i: (i, 0)),
               _spec((2, H), lambda i: (0, 0))],
    out_shape=[jax.ShapeDtypeStruct((N, H), jnp.float32),
               jax.ShapeDtypeStruct((2, H), jnp.float32)],
    scratch_shapes=[pltpu.VMEM((1, H), jnp.float32),
                    pltpu.VMEM((1, H), jnp.float32)],
)

_k3 = pl.pallas_call(
    _k3_body,
    grid=(NB,),
    in_specs=[_spec((BLK, H), lambda i: (i, 0)),
              _spec((2, H), lambda i: (0, 0)),
              _spec((1, H), lambda i: (0, 0)),
              _spec((1, H), lambda i: (0, 0)),
              _spec((H, H), lambda i: (0, 0))],
    out_specs=_spec((2, BLK, HH), lambda i: (0, i, 0)),
    out_shape=jax.ShapeDtypeStruct((2, N, HH), jnp.float32),
)

_k3p = pl.pallas_call(
    _k3p_body,
    grid=(NB,),
    in_specs=[_spec((BLK, H), lambda i: (i, 0)),
              _spec((2, H), lambda i: (0, 0)),
              _spec((1, H), lambda i: (0, 0)),
              _spec((1, H), lambda i: (0, 0)),
              _spec((1, 1, BLK), lambda i: (i, 0, 0))],
    out_specs=[_spec((G, H), lambda i: (0, 0)),
               _spec((G, 1), lambda i: (0, 0))],
    out_shape=[jax.ShapeDtypeStruct((G, H), jnp.float32),
               jax.ShapeDtypeStruct((G, 1), jnp.float32)],
    scratch_shapes=[pltpu.VMEM((G, H), jnp.float32),
                    pltpu.VMEM((G, 1), jnp.float32)],
)

_fin = pl.pallas_call(
    _fin_body,
    in_specs=[_spec((G, H), lambda: (0, 0)),
              _spec((G, 1), lambda: (0, 0)),
              _spec((H, H), lambda: (0, 0)),
              _spec((1, H), lambda: (0, 0))],
    out_specs=_spec((G, H), lambda: (0, 0)),
    out_shape=jax.ShapeDtypeStruct((G, H), jnp.float32),
)


def kernel(x, edge_index, batch, W1_0, b1_0, W2_0, b2_0, g_0, be_0,
           W1_1, b1_1, W2_1, b2_1, g_1, be_1, W1_2, b1_2, W2_2, b2_2,
           g_2, be_2, Wp, bp):
    E = edge_index.shape[1]
    chunk = 2 * NS * CH
    epad = -(-E // chunk) * chunk
    pad = epad - E
    src = edge_index[0]
    dst = edge_index[1]
    ar = jnp.arange(pad, dtype=jnp.int32)
    src_p = jnp.concatenate([src, ar % N]).reshape(epad // 128, 1, 128)
    dst_p = jnp.concatenate([dst, N + ar % (ACC_ROWS - N)]
                            ).reshape(epad // 128, 1, 128)
    srcdst = jnp.concatenate([src_p, dst_p], axis=1)
    zer = jnp.zeros((ACC_ROWS, HH), jnp.float32)
    sc_agg = _make_sc_agg(epad)

    b1s = (b1_0.reshape(1, H), b1_1.reshape(1, H), b1_2.reshape(1, H))
    b2s = (b2_0.reshape(1, H), b2_1.reshape(1, H), b2_2.reshape(1, H))
    gs = (g_0.reshape(1, H), g_1.reshape(1, H), g_2.reshape(1, H))
    bes = (be_0.reshape(1, H), be_1.reshape(1, H), be_2.reshape(1, H))
    W2s = (W2_0, W2_1, W2_2)
    W1n = (W1_1, W1_2)

    t = _t0(x, W1_0)
    for l in range(3):
        agg2 = sc_agg(t, srcdst, zer)
        agg = agg2.reshape(2, N, HH)
        v, st = _k2(t, agg, b1s[l], W2s[l], b2s[l])
        if l < 2:
            t = _k3(v, st, gs[l], bes[l], W1n[l])
        else:
            ps, cnt = _k3p(v, st, gs[l], bes[l], batch.reshape(NB, 1, BLK))
    return _fin(ps, cnt, Wp, bp.reshape(1, H))

# --- scband reference (transcript-rebuilt; emitter-appended) ---
"""Pipeline reference for scband-ginencoder-7258494730854 (READ-ONLY COPY).

The authoritative reference and input builder live on the scoring server;
editing this copy changes nothing except your own understanding.
"""

import jax, jax.numpy as jnp
import numpy as np

N = 50000
E = 800000
IN_DIM = 128
H = 64
OUT = 64
G = 512

def _lin(key, fan_in, fan_out):
    return jax.random.normal(key, (fan_in, fan_out), jnp.float32) / np.sqrt(fan_in)

def setup_inputs(seed: int = 0):
    key = jax.random.key(seed)
    ks = jax.random.split(key, 32)
    inp = {}
    inp["x"] = jax.random.normal(ks[0], (N, IN_DIM), jnp.float32)
    inp["edge_index"] = jax.random.randint(ks[1], (2, E), 0, N, dtype=jnp.int32)
    inp["batch"] = jnp.sort(jax.random.randint(ks[2], (N,), 0, G, dtype=jnp.int32))
    dims = [(IN_DIM, H), (H, H), (H, H)]
    ki = 3
    for l, (di, dh) in enumerate(dims):
        inp[f"W1_{l}"] = _lin(ks[ki], di, dh); ki += 1
        inp[f"b1_{l}"] = jnp.zeros((dh,), jnp.float32)
        inp[f"W2_{l}"] = _lin(ks[ki], dh, dh); ki += 1
        inp[f"b2_{l}"] = jnp.zeros((dh,), jnp.float32)
        inp[f"g_{l}"] = jnp.ones((dh,), jnp.float32)
        inp[f"be_{l}"] = jnp.zeros((dh,), jnp.float32)
    inp["Wp"] = _lin(ks[ki], H, OUT); ki += 1
    inp["bp"] = jnp.zeros((OUT,), jnp.float32)
    return inp

def _gin_layer(x, src, dst, W1, b1, W2, b2, g, be):
    # GINConv with eps=0: h = MLP((1+eps)*x + sum_{j in N(i)} x_j)
    agg = jax.ops.segment_sum(x[src], dst, num_segments=N)
    h = x + agg
    h = jnp.maximum(h @ W1 + b1, 0.0) @ W2 + b2
    # BatchNorm1d (training-mode batch statistics, eps=1e-5)
    mean = h.mean(axis=0)
    var = h.var(axis=0)
    h = (h - mean) / jnp.sqrt(var + 1e-5) * g + be
    return jnp.maximum(h, 0.0)

def reference(x, edge_index, batch, W1_0, b1_0, W2_0, b2_0, g_0, be_0, W1_1, b1_1, W2_1, b2_1, g_1, be_1, W1_2, b1_2, W2_2, b2_2, g_2, be_2, Wp, bp):
    src = edge_index[0]
    dst = edge_index[1]
    h = _gin_layer(x, src, dst, W1_0, b1_0, W2_0, b2_0, g_0, be_0)
    h = _gin_layer(h, src, dst, W1_1, b1_1, W2_1, b2_1, g_1, be_1)
    h = _gin_layer(h, src, dst, W1_2, b1_2, W2_2, b2_2, g_2, be_2)
    # global_mean_pool
    sums = jax.ops.segment_sum(h, batch, num_segments=G)
    counts = jax.ops.segment_sum(jnp.ones((h.shape[0],), jnp.float32), batch, num_segments=G)
    pooled = sums / jnp.maximum(counts, 1.0)[:, None]
    out = pooled @ Wp + bp
    # F.normalize(p=2, dim=-1)
    nrm = jnp.sqrt(jnp.sum(out * out, axis=-1, keepdims=True))
    return out / jnp.maximum(nrm, 1e-12)

if __name__ == "__main__":
    import jax
    _d = setup_inputs()
    print(jax.jit(kernel)(*tuple(_d.values())))

</pallas_src>

<mosaic_0001>
#map = affine_map<(d0, d1) -> (0, 0, 0)>
#map1 = affine_map<(d0, d1) -> (0, 0)>
module attributes {stable_mosaic.version = 14 : i64} {
  func.func @_sc_agg_body(%arg0: i32, %arg1: i32, %arg2: memref<2x50000x32xf32, #tpu.memory_space<hbm>>, %arg3: memref<6336x2x128xi32, #tpu.memory_space<hbm>>, %arg4: memref<50048x32xf32, #tpu.memory_space<hbm>>, %arg5: memref<100000x32xf32, #tpu.memory_space<hbm>>, %arg6: memref<50048x32xf32, #tpu.memory_space<vmem_shared>>, %arg7: memref<2x3x2x128xi32, #tpu.memory_space<vmem>>, %arg8: memref<2x384x32xf32, #tpu.memory_space<vmem>>, %arg9: memref<2x!tpu.dma_semaphore, #tpu.memory_space<semaphore_mem>>, %arg10: memref<2x!tpu.dma_semaphore, #tpu.memory_space<semaphore_mem>>) attributes {dimension_semantics = [#tpu.dimension_semantics<core_parallel>, #tpu.dimension_semantics<subcore_parallel>], iteration_bounds = array<i64: 2, 16>, scalar_prefetch = 0 : i64, scratch_operands = 5 : i64, tpu.core_type = #tpu.core_type<sc_vector_subcore>, window_params = [{transform_indices = #map}, {transform_indices = #map}, {transform_indices = #map1}, {transform_indices = #map1}]} {
    %mul3A = arith.constant 3128 : i32
    %mul3A_0 = arith.muli %arg1, %mul3A : i32
    %mul3A_1 = arith.constant 3128 : i32
    %mul3A_2 = arith.muli %arg1, %mul3A_1 : i32
    "tpu.region"() ({
      %run_scoped3A_130 = tpu.sem_alloc : memref<!tpu.dma_semaphore, #tpu.memory_space<semaphore_mem>>
      %dma_start3A_131 = arith.constant 0 : i32
      %dma_start3A_132 = tpu.memref_slice %arg6[%mul3A_2, %dma_start3A_131] : memref<50048x32xf32, #tpu.memory_space<vmem_shared>> -> memref<3128x32xf32, #tpu.memory_space<vmem_shared>>
      %dma_start3A_133 = arith.constant 0 : i32
      %dma_start3A_134 = tpu.memref_slice %arg4[%mul3A_0, %dma_start3A_133] : memref<50048x32xf32, #tpu.memory_space<hbm>> -> memref<3128x32xf32, #tpu.memory_space<hbm>>
      tpu.enqueue_dma source(%dma_start3A_134 : memref<3128x32xf32, #tpu.memory_space<hbm>>) target(%dma_start3A_132 : memref<3128x32xf32, #tpu.memory_space<vmem_shared>>) target_semaphore(%run_scoped3A_130 : memref<!tpu.dma_semaphore, #tpu.memory_space<semaphore_mem>>)
      %dma_wait3A_135 = arith.constant 0 : i32
      %dma_wait3A_136 = tpu.memref_slice %arg6[%mul3A_2, %dma_wait3A_135] : memref<50048x32xf32, #tpu.memory_space<vmem_shared>> -> memref<3128x32xf32, #tpu.memory_space<vmem_shared>>
      %dma_wait3A_137 = arith.constant 0 : i32
      %dma_wait3A_138 = tpu.memref_slice %arg4[%mul3A_0, %dma_wait3A_137] : memref<50048x32xf32, #tpu.memory_space<hbm>> -> memref<3128x32xf32, #tpu.memory_space<hbm>>
      tpu.wait_dma2 semaphore(%run_scoped3A_130 : memref<!tpu.dma_semaphore, #tpu.memory_space<semaphore_mem>>) src(%dma_wait3A_138 : memref<3128x32xf32, #tpu.memory_space<hbm>>) dst(%dma_wait3A_136 : memref<3128x32xf32, #tpu.memory_space<vmem_shared>>)
      tpu.yield
    }) : () -> ()
    %barrier3A = arith.constant 0 : index
    tpu.barrier barrier_id(%barrier3A)
    %mul3A_3 = arith.constant 396 : i32
    %mul3A_4 = arith.muli %arg1, %mul3A_3 : i32
    %add3A = arith.constant 0 : i32
    %add3A_5 = arith.addi %mul3A_4, %add3A : i32
    %run_scoped3A = arith.constant 0 : i32
    "tpu.region"() ({
      %run_scoped3A_130 = tpu.sem_alloc : memref<!tpu.dma_semaphore, #tpu.memory_space<semaphore_mem>>
      %dma_start3A_131 = arith.constant 0 : i32
      %dma_start3A_132 = arith.constant 0 : i32
      %dma_start3A_133 = arith.constant 0 : i32
      %dma_start3A_134 = tpu.memref_slice %arg7[%run_scoped3A, %dma_start3A_131, %dma_start3A_132, %dma_start3A_133] : memref<2x3x2x128xi32, #tpu.memory_space<vmem>> -> memref<1x3x2x128xi32, #tpu.memory_space<vmem>>
      %dma_start3A_135 = tpu.memref_squeeze %dma_start3A_134 : memref<1x3x2x128xi32, #tpu.memory_space<vmem>> -> memref<3x2x128xi32, #tpu.memory_space<vmem>>
      %dma_start3A_136 = arith.constant 0 : i32
      %dma_start3A_137 = arith.constant 0 : i32
      %dma_start3A_138 = tpu.memref_slice %arg3[%add3A_5, %dma_start3A_136, %dma_start3A_137] : memref<6336x2x128xi32, #tpu.memory_space<hbm>> -> memref<3x2x128xi32, #tpu.memory_space<hbm>>
      %dma_start3A_139 = arith.constant 0 : i32
      %dma_start3A_140 = arith.constant 0 : i32
      %dma_start3A_141 = arith.constant 0 : i32
      %dma_start3A_142 = tpu.memref_slice %arg7[%run_scoped3A, %dma_start3A_139, %dma_start3A_140, %dma_start3A_141] : memref<2x3x2x128xi32, #tpu.memory_space<vmem>> -> memref<1x3x2x128xi32, #tpu.memory_space<vmem>>
      %dma_start3A_143 = tpu.memref_squeeze %dma_start3A_142 : memref<1x3x2x128xi32, #tpu.memory_space<vmem>> -> memref<3x2x128xi32, #tpu.memory_space<vmem>>
      %dma_start3A_144 = arith.constant 0 : i32
      %dma_start3A_145 = arith.constant 0 : i32
      %dma_start3A_146 = tpu.memref_slice %arg3[%add3A_5, %dma_start3A_144, %dma_start3A_145] : memref<6336x2x128xi32, #tpu.memory_space<hbm>> -> memref<3x2x128xi32, #tpu.memory_space<hbm>>
      tpu.enqueue_dma source(%dma_start3A_146 : memref<3x2x128xi32, #tpu.memory_space<hbm>>) target(%dma_start3A_143 : memref<3x2x128xi32, #tpu.memory_space<vmem>>) target_semaphore(%run_scoped3A_130 : memref<!tpu.dma_semaphore, #tpu.memory_space<semaphore_mem>>)
      %dma_wait3A_147 = arith.constant 0 : i32
      %dma_wait3A_148 = arith.constant 0 : i32
      %dma_wait3A_149 = arith.constant 0 : i32
      %dma_wait3A_150 = tpu.memref_slice %arg7[%run_scoped3A, %dma_wait3A_147, %dma_wait3A_148, %dma_wait3A_149] : memref<2x3x2x128xi32, #tpu.memory_space<vmem>> -> memref<1x3x2x128xi32, #tpu.memory_space<vmem>>
      %dma_wait3A_151 = tpu.memref_squeeze %dma_wait3A_150 : memref<1x3x2x128xi32, #tpu.memory_space<vmem>> -> memref<3x2x128xi32, #tpu.memory_space<vmem>>
      %dma_wait3A_152 = arith.constant 0 : i32
      %dma_wait3A_153 = arith.constant 0 : i32
      %dma_wait3A_154 = tpu.memref_slice %arg3[%add3A_5, %dma_wait3A_152, %dma_wait3A_153] : memref<6336x2x128xi32, #tpu.memory_space<hbm>> -> memref<3x2x128xi32, #tpu.memory_space<hbm>>
      %dma_wait3A_155 = arith.constant 0 : i32
      %dma_wait3A_156 = arith.constant 0 : i32
      %dma_wait3A_157 = arith.constant 0 : i32
      %dma_wait3A_158 = tpu.memref_slice %arg7[%run_scoped3A, %dma_wait3A_155, %dma_wait3A_156, %dma_wait3A_157] : memref<2x3x2x128xi32, #tpu.memory_space<vmem>> -> memref<1x3x2x128xi32, #tpu.memory_space<vmem>>
      %dma_wait3A_159 = tpu.memref_squeeze %dma_wait3A_158 : memref<1x3x2x128xi32, #tpu.memory_space<vmem>> -> memref<3x2x128xi32, #tpu.memory_space<vmem>>
      %dma_wait3A_160 = arith.constant 0 : i32
      %dma_wait3A_161 = arith.constant 0 : i32
      %dma_wait3A_162 = tpu.memref_slice %arg3[%add3A_5, %dma_wait3A_160, %dma_wait3A_161] : memref<6336x2x128xi32, #tpu.memory_space<hbm>> -> memref<3x2x128xi32, #tpu.memory_space<hbm>>
      tpu.wait_dma2 semaphore(%run_scoped3A_130 : memref<!tpu.dma_semaphore, #tpu.memory_space<semaphore_mem>>) src(%dma_wait3A_162 : memref<3x2x128xi32, #tpu.memory_space<hbm>>) dst(%dma_wait3A_159 : memref<3x2x128xi32, #tpu.memory_space<vmem>>)
      tpu.yield
    }) : () -> ()
    %dma_start3A = arith.constant 0 : i32
    %dma_start3A_6 = arith.constant 0 : i32
    %dma_start3A_7 = arith.constant 0 : i32
    %dma_start3A_8 = arith.constant 0 : i32
    %dma_start3A_9 = arith.constant 0 : i32
    %dma_start3A_10 = arith.constant 0 : i32
    %dma_start3A_11 = arith.constant 0 : i32
    %dma_start3A_12 = tpu.memref_slice %arg8[%dma_start3A_8, %dma_start3A_10, %dma_start3A_11] : memref<2x384x32xf32, #tpu.memory_space<vmem>> -> memref<1x128x32xf32, #tpu.memory_space<vmem>>
    %dma_start3A_13 = tpu.memref_squeeze %dma_start3A_12 : memref<1x128x32xf32, #tpu.memory_space<vmem>> -> memref<128x32xf32, #tpu.memory_space<vmem>>
    %dma_start3A_14 = arith.constant 0 : i32
    %dma_start3A_15 = tpu.memref_slice %arg7[%dma_start3A, %dma_start3A_6, %dma_start3A_7, %dma_start3A_14] : memref<2x3x2x128xi32, #tpu.memory_space<vmem>> -> memref<1x1x1x128xi32, #tpu.memory_space<vmem>>
    %dma_start3A_16 = tpu.memref_squeeze %dma_start3A_15 : memref<1x1x1x128xi32, #tpu.memory_space<vmem>> -> memref<128xi32, #tpu.memory_space<vmem>>
    %dma_start3A_17 = arith.constant 0 : i32
    %dma_start3A_18 = arith.constant 0 : i32
    %dma_start3A_19 = tpu.memref_slice %arg2[%arg0, %dma_start3A_17, %dma_start3A_18] : memref<2x50000x32xf32, #tpu.memory_space<hbm>> -> memref<1x50000x32xf32, #tpu.memory_space<hbm>>
    %dma_start3A_20 = tpu.memref_squeeze %dma_start3A_19 : memref<1x50000x32xf32, #tpu.memory_space<hbm>> -> memref<50000x32xf32, #tpu.memory_space<hbm>>
    %dma_start3A_21 = arith.constant 0 : i32
    %dma_start3A_22 = arith.constant 0 : i32
    %dma_start3A_23 = tpu.memref_slice %dma_start3A_20[%dma_start3A_21, %dma_start3A_22] : memref<50000x32xf32, #tpu.memory_space<hbm>> -> memref<50000x32xf32, #tpu.memory_space<hbm>>
    %dma_start3A_24 = tpu.memref_slice %arg9[%dma_start3A_9] : memref<2x!tpu.dma_semaphore, #tpu.memory_space<semaphore_mem>> -> memref<1x!tpu.dma_semaphore, #tpu.memory_space<semaphore_mem>>
    %dma_start3A_25 = tpu.memref_squeeze %dma_start3A_24 : memref<1x!tpu.dma_semaphore, #tpu.memory_space<semaphore_mem>> -> memref<!tpu.dma_semaphore, #tpu.memory_space<semaphore_mem>>
    tpu.enqueue_indirect_dma source(%dma_start3A_23 : memref<50000x32xf32, #tpu.memory_space<hbm>>) target(%dma_start3A_13 : memref<128x32xf32, #tpu.memory_space<vmem>>) offsets(%dma_start3A_16 : memref<128xi32, #tpu.memory_space<vmem>>) semaphore(%dma_start3A_25 : memref<!tpu.dma_semaphore, #tpu.memory_space<semaphore_mem>>)
    %dma_start3A_26 = arith.constant 0 : i32
    %dma_start3A_27 = arith.constant 1 : i32
    %dma_start3A_28 = arith.constant 0 : i32
    %dma_start3A_29 = arith.constant 0 : i32
    %dma_start3A_30 = arith.constant 0 : i32
    %dma_start3A_31 = arith.constant 128 : i32
    %dma_start3A_32 = arith.constant 0 : i32
    %dma_start3A_33 = tpu.memref_slice %arg8[%dma_start3A_29, %dma_start3A_31, %dma_start3A_32] : memref<2x384x32xf32, #tpu.memory_space<vmem>> -> memref<1x128x32xf32, #tpu.memory_space<vmem>>
    %dma_start3A_34 = tpu.memref_squeeze %dma_start3A_33 : memref<1x128x32xf32, #tpu.memory_space<vmem>> -> memref<128x32xf32, #tpu.memory_space<vmem>>
    %dma_start3A_35 = arith.constant 0 : i32
    %dma_start3A_36 = tpu.memref_slice %arg7[%dma_start3A_26, %dma_start3A_27, %dma_start3A_28, %dma_start3A_35] : memref<2x3x2x128xi32, #tpu.memory_space<vmem>> -> memref<1x1x1x128xi32, #tpu.memory_space<vmem>>
    %dma_start3A_37 = tpu.memref_squeeze %dma_start3A_36 : memref<1x1x1x128xi32, #tpu.memory_space<vmem>> -> memref<128xi32, #tpu.memory_space<vmem>>
    %dma_start3A_38 = arith.constant 0 : i32
    %dma_start3A_39 = arith.constant 0 : i32
    %dma_start3A_40 = tpu.memref_slice %arg2[%arg0, %dma_start3A_38, %dma_start3A_39] : memref<2x50000x32xf32, #tpu.memory_space<hbm>> -> memref<1x50000x32xf32, #tpu.memory_space<hbm>>
    %dma_start3A_41 = tpu.memref_squeeze %dma_start3A_40 : memref<1x50000x32xf32, #tpu.memory_space<hbm>> -> memref<50000x32xf32, #tpu.memory_space<hbm>>
    %dma_start3A_42 = arith.constant 0 : i32
    %dma_start3A_43 = arith.constant 0 : i32
    %dma_start3A_44 = tpu.memref_slice %dma_start3A_41[%dma_start3A_42, %dma_start3A_43] : memref<50000x32xf32, #tpu.memory_space<hbm>> -> memref<50000x32xf32, #tpu.memory_space<hbm>>
    %dma_start3A_45 = tpu.memref_slice %arg9[%dma_start3A_30] : memref<2x!tpu.dma_semaphore, #tpu.memory_space<semaphore_mem>> -> memref<1x!tpu.dma_semaphore, #tpu.memory_space<semaphore_mem>>
    %dma_start3A_46 = tpu.memref_squeeze %dma_start3A_45 : memref<1x!tpu.dma_semaphore, #tpu.memory_space<semaphore_mem>> -> memref<!tpu.dma_semaphore, #tpu.memory_space<semaphore_mem>>
    tpu.enqueue_indirect_dma source(%dma_start3A_44 : memref<50000x32xf32, #tpu.memory_space<hbm>>) target(%dma_start3A_34 : memref<128x32xf32, #tpu.memory_space<vmem>>) offsets(%dma_start3A_37 : memref<128xi32, #tpu.memory_space<vmem>>) semaphore(%dma_start3A_46 : memref<!tpu.dma_semaphore, #tpu.memory_space<semaphore_mem>>)
    %dma_start3A_47 = arith.constant 0 : i32
    %dma_start3A_48 = arith.constant 2 : i32
    %dma_start3A_49 = arith.constant 0 : i32
    %dma_start3A_50 = arith.constant 0 : i32
    %dma_start3A_51 = arith.constant 0 : i32
    %dma_start3A_52 = arith.constant 256 : i32
    %dma_start3A_53 = arith.constant 0 : i32
    %dma_start3A_54 = tpu.memref_slice %arg8[%dma_start3A_50, %dma_start3A_52, %dma_start3A_53] : memref<2x384x32xf32, #tpu.memory_space<vmem>> -> memref<1x128x32xf32, #tpu.memory_space<vmem>>
    %dma_start3A_55 = tpu.memref_squeeze %dma_start3A_54 : memref<1x128x32xf32, #tpu.memory_space<vmem>> -> memref<128x32xf32, #tpu.memory_space<vmem>>
    %dma_start3A_56 = arith.constant 0 : i32
    %dma_start3A_57 = tpu.memref_slice %arg7[%dma_start3A_47, %dma_start3A_48, %dma_start3A_49, %dma_start3A_56] : memref<2x3x2x128xi32, #tpu.memory_space<vmem>> -> memref<1x1x1x128xi32, #tpu.memory_space<vmem>>
    %dma_start3A_58 = tpu.memref_squeeze %dma_start3A_57 : memref<1x1x1x128xi32, #tpu.memory_space<vmem>> -> memref<128xi32, #tpu.memory_space<vmem>>
    %dma_start3A_59 = arith.constant 0 : i32
    %dma_start3A_60 = arith.constant 0 : i32
    %dma_start3A_61 = tpu.memref_slice %arg2[%arg0, %dma_start3A_59, %dma_start3A_60] : memref<2x50000x32xf32, #tpu.memory_space<hbm>> -> memref<1x50000x32xf32, #tpu.memory_space<hbm>>
    %dma_start3A_62 = tpu.memref_squeeze %dma_start3A_61 : memref<1x50000x32xf32, #tpu.memory_space<hbm>> -> memref<50000x32xf32, #tpu.memory_space<hbm>>
    %dma_start3A_63 = arith.constant 0 : i32
    %dma_start3A_64 = arith.constant 0 : i32
    %dma_start3A_65 = tpu.memref_slice %dma_start3A_62[%dma_start3A_63, %dma_start3A_64] : memref<50000x32xf32, #tpu.memory_space<hbm>> -> memref<50000x32xf32, #tpu.memory_space<hbm>>
    %dma_start3A_66 = tpu.memref_slice %arg9[%dma_start3A_51] : memref<2x!tpu.dma_semaphore, #tpu.memory_space<semaphore_mem>> -> memref<1x!tpu.dma_semaphore, #tpu.memory_space<semaphore_mem>>
    %dma_start3A_67 = tpu.memref_squeeze %dma_start3A_66 : memref<1x!tpu.dma_semaphore, #tpu.memory_space<semaphore_mem>> -> memref<!tpu.dma_semaphore, #tpu.memory_space<semaphore_mem>>
    tpu.enqueue_indirect_dma source(%dma_start3A_65 : memref<50000x32xf32, #tpu.memory_space<hbm>>) target(%dma_start3A_55 : memref<128x32xf32, #tpu.memory_space<vmem>>) offsets(%dma_start3A_58 : memref<128xi32, #tpu.memory_space<vmem>>) semaphore(%dma_start3A_67 : memref<!tpu.dma_semaphore, #tpu.memory_space<semaphore_mem>>)
    %scan3A = arith.constant 0 : i32
    %scan3A_68 = arith.constant 0 : i32
    %scan3A_69 = arith.constant 132 : i32
    %scan3A_70 = arith.addi %scan3A_68, %scan3A_69 : i32
    %scan3A_71 = arith.constant 1 : i32
    scf.for %scan3A_130 = %scan3A_68 to %scan3A_70 step %scan3A_71  : i32 {
      %jit3A = arith.constant 2 : i32
      %eq3A_131 = arith.constant 0 : i32
      %eq3A_132 = arith.cmpi eq, %jit3A, %eq3A_131 : i32
      %jit3A_133 = arith.constant 1 : i32
      %select_n3A = arith.select %eq3A_132, %jit3A_133, %jit3A : i32
      %rem3A = arith.remsi %scan3A_130, %select_n3A : i32
      %ne3A = arith.constant 0 : i32
      %ne3A_134 = arith.cmpi ne, %rem3A, %ne3A : i32
      %lt3A_135 = arith.constant 0 : i32
      %lt3A_136 = arith.cmpi slt, %rem3A, %lt3A_135 : i32
      %lt3A_137 = arith.constant 0 : i32
      %lt3A_138 = arith.cmpi slt, %select_n3A, %lt3A_137 : i32
      %ne3A_139 = arith.xori %lt3A_136, %lt3A_138 : i1
      %and3A = arith.andi %ne3A_139, %ne3A_134 : i1
      %add3A_140 = arith.addi %rem3A, %select_n3A : i32
      %select_n3A_141 = arith.select %and3A, %add3A_140, %rem3A : i32
      %sub3A = arith.constant 1 : i32
      %sub3A_142 = arith.subi %sub3A, %select_n3A_141 : i32
      %ge3A = arith.constant 1 : i32
      %ge3A_143 = arith.cmpi sge, %scan3A_130, %ge3A : i32
      %convert_element_type3A_144 = arith.extui %ge3A_143 : i1 to i32
      %cond3A_145 = arith.constant 0 : i32
      %cond3A_146 = arith.cmpi ne, %convert_element_type3A_144, %cond3A_145 : i32
      scf.if %cond3A_146 {
        %dma_wait3A_250 = arith.constant 0 : i32
        %dma_wait3A_251 = arith.constant 1 : i32
        %dma_wait3A_252 = arith.constant 0 : i32
        %dma_wait3A_253 = arith.constant 0 : i32
        %dma_wait3A_254 = tpu.memref_slice %arg8[%sub3A_142, %dma_wait3A_252, %dma_wait3A_253] : memref<2x384x32xf32, #tpu.memory_space<vmem>> -> memref<1x128x32xf32, #tpu.memory_space<vmem>>
        %dma_wait3A_255 = tpu.memref_squeeze %dma_wait3A_254 : memref<1x128x32xf32, #tpu.memory_space<vmem>> -> memref<128x32xf32, #tpu.memory_space<vmem>>
        %dma_wait3A_256 = arith.constant 0 : i32
        %dma_wait3A_257 = tpu.memref_slice %arg7[%sub3A_142, %dma_wait3A_250, %dma_wait3A_251, %dma_wait3A_256] : memref<2x3x2x128xi32, #tpu.memory_space<vmem>> -> memref<1x1x1x128xi32, #tpu.memory_space<vmem>>
        %dma_wait3A_258 = tpu.memref_squeeze %dma_wait3A_257 : memref<1x1x1x128xi32, #tpu.memory_space<vmem>> -> memref<128xi32, #tpu.memory_space<vmem>>
        %dma_wait3A_259 = arith.constant 0 : i32
        %dma_wait3A_260 = arith.constant 0 : i32
        %dma_wait3A_261 = tpu.memref_slice %arg6[%dma_wait3A_259, %dma_wait3A_260] : memref<50048x32xf32, #tpu.memory_space<vmem_shared>> -> memref<50048x32xf32, #tpu.memory_space<vmem_shared>>
        %dma_wait3A_262 = tpu.memref_slice %arg10[%sub3A_142] : memref<2x!tpu.dma_semaphore, #tpu.memory_space<semaphore_mem>> -> memref<1x!tpu.dma_semaphore, #tpu.memory_space<semaphore_mem>>
        %dma_wait3A_263 = tpu.memref_squeeze %dma_wait3A_262 : memref<1x!tpu.dma_semaphore, #tpu.memory_space<semaphore_mem>> -> memref<!tpu.dma_semaphore, #tpu.memory_space<semaphore_mem>>
        tpu.wait_indirect_dma semaphore(%dma_wait3A_263 : memref<!tpu.dma_semaphore, #tpu.memory_space<semaphore_mem>>) src(%dma_wait3A_255 : memref<128x32xf32, #tpu.memory_space<vmem>>) dst(%dma_wait3A_261 : memref<50048x32xf32, #tpu.memory_space<vmem_shared>>)
        %dma_wait3A_264 = arith.constant 1 : i32
        %dma_wait3A_265 = arith.constant 1 : i32
        %dma_wait3A_266 = arith.constant 128 : i32
        %dma_wait3A_267 = arith.constant 0 : i32
        %dma_wait3A_268 = tpu.memref_slice %arg8[%sub3A_142, %dma_wait3A_266, %dma_wait3A_267] : memref<2x384x32xf32, #tpu.memory_space<vmem>> -> memref<1x128x32xf32, #tpu.memory_space<vmem>>
        %dma_wait3A_269 = tpu.memref_squeeze %dma_wait3A_268 : memref<1x128x32xf32, #tpu.memory_space<vmem>> -> memref<128x32xf32, #tpu.memory_space<vmem>>
        %dma_wait3A_270 = arith.constant 0 : i32
        %dma_wait3A_271 = tpu.memref_slice %arg7[%sub3A_142, %dma_wait3A_264, %dma_wait3A_265, %dma_wait3A_270] : memref<2x3x2x128xi32, #tpu.memory_space<vmem>> -> memref<1x1x1x128xi32, #tpu.memory_space<vmem>>
        %dma_wait3A_272 = tpu.memref_squeeze %dma_wait3A_271 : memref<1x1x1x128xi32, #tpu.memory_space<vmem>> -> memref<128xi32, #tpu.memory_space<vmem>>
        %dma_wait3A_273 = arith.constant 0 : i32
        %dma_wait3A_274 = arith.constant 0 : i32
        %dma_wait3A_275 = tpu.memref_slice %arg6[%dma_wait3A_273, %dma_wait3A_274] : memref<50048x32xf32, #tpu.memory_space<vmem_shared>> -> memref<50048x32xf32, #tpu.memory_space<vmem_shared>>
        %dma_wait3A_276 = tpu.memref_slice %arg10[%sub3A_142] : memref<2x!tpu.dma_semaphore, #tpu.memory_space<semaphore_mem>> -> memref<1x!tpu.dma_semaphore, #tpu.memory_space<semaphore_mem>>
        %dma_wait3A_277 = tpu.memref_squeeze %dma_wait3A_276 : memref<1x!tpu.dma_semaphore, #tpu.memory_space<semaphore_mem>> -> memref<!tpu.dma_semaphore, #tpu.memory_space<semaphore_mem>>
        tpu.wait_indirect_dma semaphore(%dma_wait3A_277 : memref<!tpu.dma_semaphore, #tpu.memory_space<semaphore_mem>>) src(%dma_wait3A_269 : memref<128x32xf32, #tpu.memory_space<vmem>>) dst(%dma_wait3A_275 : memref<50048x32xf32, #tpu.memory_space<vmem_shared>>)
        %dma_wait3A_278 = arith.constant 2 : i32
        %dma_wait3A_279 = arith.constant 1 : i32
        %dma_wait3A_280 = arith.constant 256 : i32
        %dma_wait3A_281 = arith.constant 0 : i32
        %dma_wait3A_282 = tpu.memref_slice %arg8[%sub3A_142, %dma_wait3A_280, %dma_wait3A_281] : memref<2x384x32xf32, #tpu.memory_space<vmem>> -> memref<1x128x32xf32, #tpu.memory_space<vmem>>
        %dma_wait3A_283 = tpu.memref_squeeze %dma_wait3A_282 : memref<1x128x32xf32, #tpu.memory_space<vmem>> -> memref<128x32xf32, #tpu.memory_space<vmem>>
        %dma_wait3A_284 = arith.constant 0 : i32
        %dma_wait3A_285 = tpu.memref_slice %arg7[%sub3A_142, %dma_wait3A_278, %dma_wait3A_279, %dma_wait3A_284] : memref<2x3x2x128xi32, #tpu.memory_space<vmem>> -> memref<1x1x1x128xi32, #tpu.memory_space<vmem>>
        %dma_wait3A_286 = tpu.memref_squeeze %dma_wait3A_285 : memref<1x1x1x128xi32, #tpu.memory_space<vmem>> -> memref<128xi32, #tpu.memory_space<vmem>>
        %dma_wait3A_287 = arith.constant 0 : i32
        %dma_wait3A_288 = arith.constant 0 : i32
        %dma_wait3A_289 = tpu.memref_slice %arg6[%dma_wait3A_287, %dma_wait3A_288] : memref<50048x32xf32, #tpu.memory_space<vmem_shared>> -> memref<50048x32xf32, #tpu.memory_space<vmem_shared>>
        %dma_wait3A_290 = tpu.memref_slice %arg10[%sub3A_142] : memref<2x!tpu.dma_semaphore, #tpu.memory_space<semaphore_mem>> -> memref<1x!tpu.dma_semaphore, #tpu.memory_space<semaphore_mem>>
        %dma_wait3A_291 = tpu.memref_squeeze %dma_wait3A_290 : memref<1x!tpu.dma_semaphore, #tpu.memory_space<semaphore_mem>> -> memref<!tpu.dma_semaphore, #tpu.memory_space<semaphore_mem>>
        tpu.wait_indirect_dma semaphore(%dma_wait3A_291 : memref<!tpu.dma_semaphore, #tpu.memory_space<semaphore_mem>>) src(%dma_wait3A_283 : memref<128x32xf32, #tpu.memory_space<vmem>>) dst(%dma_wait3A_289 : memref<50048x32xf32, #tpu.memory_space<vmem_shared>>)
      } else {
      }
      %add3A_147 = arith.constant 1 : i32
      %add3A_148 = arith.addi %scan3A_130, %add3A_147 : i32
      %lt3A_149 = arith.constant 132 : i32
      %lt3A_150 = arith.cmpi slt, %add3A_148, %lt3A_149 : i32
      %convert_element_type3A_151 = arith.extui %lt3A_150 : i1 to i32
      %cond3A_152 = arith.constant 0 : i32
      %cond3A_153 = arith.cmpi ne, %convert_element_type3A_151, %cond3A_152 : i32
      scf.if %cond3A_153 {
        %add3A_250 = arith.constant 1 : i32
        %add3A_251 = arith.addi %scan3A_130, %add3A_250 : i32
        %mul3A_252 = arith.constant 3 : i32
        %mul3A_253 = arith.muli %add3A_251, %mul3A_252 : i32
        %add3A_254 = arith.addi %mul3A_4, %mul3A_253 : i32
        "tpu.region"() ({
          %run_scoped3A_309 = tpu.sem_alloc : memref<!tpu.dma_semaphore, #tpu.memory_space<semaphore_mem>>
          %dma_start3A_310 = arith.constant 0 : i32
          %dma_start3A_311 = arith.constant 0 : i32
          %dma_start3A_312 = arith.constant 0 : i32
          %dma_start3A_313 = tpu.memref_slice %arg7[%sub3A_142, %dma_start3A_310, %dma_start3A_311, %dma_start3A_312] : memref<2x3x2x128xi32, #tpu.memory_space<vmem>> -> memref<1x3x2x128xi32, #tpu.memory_space<vmem>>
          %dma_start3A_314 = tpu.memref_squeeze %dma_start3A_313 : memref<1x3x2x128xi32, #tpu.memory_space<vmem>> -> memref<3x2x128xi32, #tpu.memory_space<vmem>>
          %dma_start3A_315 = arith.constant 0 : i32
          %dma_start3A_316 = arith.constant 0 : i32
          %dma_start3A_317 = tpu.memref_slice %arg3[%add3A_254, %dma_start3A_315, %dma_start3A_316] : memref<6336x2x128xi32, #tpu.memory_space<hbm>> -> memref<3x2x128xi32, #tpu.memory_space<hbm>>
          %dma_start3A_318 = arith.constant 0 : i32
          %dma_start3A_319 = arith.constant 0 : i32
          %dma_start3A_320 = arith.constant 0 : i32
          %dma_start3A_321 = tpu.memref_slice %arg7[%sub3A_142, %dma_start3A_318, %dma_start3A_319, %dma_start3A_320] : memref<2x3x2x128xi32, #tpu.memory_space<vmem>> -> memref<1x3x2x128xi32, #tpu.memory_space<vmem>>
          %dma_start3A_322 = tpu.memref_squeeze %dma_start3A_321 : memref<1x3x2x128xi32, #tpu.memory_space<vmem>> -> memref<3x2x128xi32, #tpu.memory_space<vmem>>
          %dma_start3A_323 = arith.constant 0 : i32
          %dma_start3A_324 = arith.constant 0 : i32
          %dma_start3A_325 = tpu.memref_slice %arg3[%add3A_254, %dma_start3A_323, %dma_start3A_324] : memref<6336x2x128xi32, #tpu.memory_space<hbm>> -> memref<3x2x128xi32, #tpu.memory_space<hbm>>
          tpu.enqueue_dma source(%dma_start3A_325 : memref<3x2x128xi32, #tpu.memory_space<hbm>>) target(%dma_start3A_322 : memref<3x2x128xi32, #tpu.memory_space<vmem>>) target_semaphore(%run_scoped3A_309 : memref<!tpu.dma_semaphore, #tpu.memory_space<semaphore_mem>>)
          %dma_wait3A_326 = arith.constant 0 : i32
          %dma_wait3A_327 = arith.constant 0 : i32
          %dma_wait3A_328 = arith.constant 0 : i32
          %dma_wait3A_329 = tpu.memref_slice %arg7[%sub3A_142, %dma_wait3A_326, %dma_wait3A_327, %dma_wait3A_328] : memref<2x3x2x128xi32, #tpu.memory_space<vmem>> -> memref<1x3x2x128xi32, #tpu.memory_space<vmem>>
          %dma_wait3A_330 = tpu.memref_squeeze %dma_wait3A_329 : memref<1x3x2x128xi32, #tpu.memory_space<vmem>> -> memref<3x2x128xi32, #tpu.memory_space<vmem>>
          %dma_wait3A_331 = arith.constant 0 : i32
          %dma_wait3A_332 = arith.constant 0 : i32
          %dma_wait3A_333 = tpu.memref_slice %arg3[%add3A_254, %dma_wait3A_331, %dma_wait3A_332] : memref<6336x2x128xi32, #tpu.memory_space<hbm>> -> memref<3x2x128xi32, #tpu.memory_space<hbm>>
          %dma_wait3A_334 = arith.constant 0 : i32
          %dma_wait3A_335 = arith.constant 0 : i32
          %dma_wait3A_336 = arith.constant 0 : i32
          %dma_wait3A_337 = tpu.memref_slice %arg7[%sub3A_142, %dma_wait3A_334, %dma_wait3A_335, %dma_wait3A_336] : memref<2x3x2x128xi32, #tpu.memory_space<vmem>> -> memref<1x3x2x128xi32, #tpu.memory_space<vmem>>
          %dma_wait3A_338 = tpu.memref_squeeze %dma_wait3A_337 : memref<1x3x2x128xi32, #tpu.memory_space<vmem>> -> memref<3x2x128xi32, #tpu.memory_space<vmem>>
          %dma_wait3A_339 = arith.constant 0 : i32
          %dma_wait3A_340 = arith.constant 0 : i32
          %dma_wait3A_341 = tpu.memref_slice %arg3[%add3A_254, %dma_wait3A_339, %dma_wait3A_340] : memref<6336x2x128xi32, #tpu.memory_space<hbm>> -> memref<3x2x128xi32, #tpu.memory_space<hbm>>
          tpu.wait_dma2 semaphore(%run_scoped3A_309 : memref<!tpu.dma_semaphore, #tpu.memory_space<semaphore_mem>>) src(%dma_wait3A_341 : memref<3x2x128xi32, #tpu.memory_space<hbm>>) dst(%dma_wait3A_338 : memref<3x2x128xi32, #tpu.memory_space<vmem>>)
          tpu.yield
        }) : () -> ()
        %dma_start3A_255 = arith.constant 0 : i32
        %dma_start3A_256 = arith.constant 0 : i32
        %dma_start3A_257 = arith.constant 0 : i32
        %dma_start3A_258 = arith.constant 0 : i32
        %dma_start3A_259 = tpu.memref_slice %arg8[%sub3A_142, %dma_start3A_257, %dma_start3A_258] : memref<2x384x32xf32, #tpu.memory_space<vmem>> -> memref<1x128x32xf32, #tpu.memory_space<vmem>>
        %dma_start3A_260 = tpu.memref_squeeze %dma_start3A_259 : memref<1x128x32xf32, #tpu.memory_space<vmem>> -> memref<128x32xf32, #tpu.memory_space<vmem>>
        %dma_start3A_261 = arith.constant 0 : i32
        %dma_start3A_262 = tpu.memref_slice %arg7[%sub3A_142, %dma_start3A_255, %dma_start3A_256, %dma_start3A_261] : memref<2x3x2x128xi32, #tpu.memory_space<vmem>> -> memref<1x1x1x128xi32, #tpu.memory_space<vmem>>
        %dma_start3A_263 = tpu.memref_squeeze %dma_start3A_262 : memref<1x1x1x128xi32, #tpu.memory_space<vmem>> -> memref<128xi32, #tpu.memory_space<vmem>>
        %dma_start3A_264 = arith.constant 0 : i32
        %dma_start3A_265 = arith.constant 0 : i32
        %dma_start3A_266 = tpu.memref_slice %arg2[%arg0, %dma_start3A_264, %dma_start3A_265] : memref<2x50000x32xf32, #tpu.memory_space<hbm>> -> memref<1x50000x32xf32, #tpu.memory_space<hbm>>
        %dma_start3A_267 = tpu.memref_squeeze %dma_start3A_266 : memref<1x50000x32xf32, #tpu.memory_space<hbm>> -> memref<50000x32xf32, #tpu.memory_space<hbm>>
        %dma_start3A_268 = arith.constant 0 : i32
        %dma_start3A_269 = arith.constant 0 : i32
        %dma_start3A_270 = tpu.memref_slice %dma_start3A_267[%dma_start3A_268, %dma_start3A_269] : memref<50000x32xf32, #tpu.memory_space<hbm>> -> memref<50000x32xf32, #tpu.memory_space<hbm>>
        %dma_start3A_271 = tpu.memref_slice %arg9[%sub3A_142] : memref<2x!tpu.dma_semaphore, #tpu.memory_space<semaphore_mem>> -> memref<1x!tpu.dma_semaphore, #tpu.memory_space<semaphore_mem>>
        %dma_start3A_272 = tpu.memref_squeeze %dma_start3A_271 : memref<1x!tpu.dma_semaphore, #tpu.memory_space<semaphore_mem>> -> memref<!tpu.dma_semaphore, #tpu.memory_space<semaphore_mem>>
        tpu.enqueue_indirect_dma source(%dma_start3A_270 : memref<50000x32xf32, #tpu.memory_space<hbm>>) target(%dma_start3A_260 : memref<128x32xf32, #tpu.memory_space<vmem>>) offsets(%dma_start3A_263 : memref<128xi32, #tpu.memory_space<vmem>>) semaphore(%dma_start3A_272 : memref<!tpu.dma_semaphore, #tpu.memory_space<semaphore_mem>>)
        %dma_start3A_273 = arith.constant 1 : i32
        %dma_start3A_274 = arith.constant 0 : i32
        %dma_start3A_275 = arith.constant 128 : i32
        %dma_start3A_276 = arith.constant 0 : i32
        %dma_start3A_277 = tpu.memref_slice %arg8[%sub3A_142, %dma_start3A_275, %dma_start3A_276] : memref<2x384x32xf32, #tpu.memory_space<vmem>> -> memref<1x128x32xf32, #tpu.memory_space<vmem>>
        %dma_start3A_278 = tpu.memref_squeeze %dma_start3A_277 : memref<1x128x32xf32, #tpu.memory_space<vmem>> -> memref<128x32xf32, #tpu.memory_space<vmem>>
        %dma_start3A_279 = arith.constant 0 : i32
        %dma_start3A_280 = tpu.memref_slice %arg7[%sub3A_142, %dma_start3A_273, %dma_start3A_274, %dma_start3A_279] : memref<2x3x2x128xi32, #tpu.memory_space<vmem>> -> memref<1x1x1x128xi32, #tpu.memory_space<vmem>>
        %dma_start3A_281 = tpu.memref_squeeze %dma_start3A_280 : memref<1x1x1x128xi32, #tpu.memory_space<vmem>> -> memref<128xi32, #tpu.memory_space<vmem>>
        %dma_start3A_282 = arith.constant 0 : i32
        %dma_start3A_283 = arith.constant 0 : i32
        %dma_start3A_284 = tpu.memref_slice %arg2[%arg0, %dma_start3A_282, %dma_start3A_283] : memref<2x50000x32xf32, #tpu.memory_space<hbm>> -> memref<1x50000x32xf32, #tpu.memory_space<hbm>>
        %dma_start3A_285 = tpu.memref_squeeze %dma_start3A_284 : memref<1x50000x32xf32, #tpu.memory_space<hbm>> -> memref<50000x32xf32, #tpu.memory_space<hbm>>
        %dma_start3A_286 = arith.constant 0 : i32
        %dma_start3A_287 = arith.constant 0 : i32
        %dma_start3A_288 = tpu.memref_slice %dma_start3A_285[%dma_start3A_286, %dma_start3A_287] : memref<50000x32xf32, #tpu.memory_space<hbm>> -> memref<50000x32xf32, #tpu.memory_space<hbm>>
        %dma_start3A_289 = tpu.memref_slice %arg9[%sub3A_142] : memref<2x!tpu.dma_semaphore, #tpu.memory_space<semaphore_mem>> -> memref<1x!tpu.dma_semaphore, #tpu.memory_space<semaphore_mem>>
        %dma_start3A_290 = tpu.memref_squeeze %dma_start3A_289 : memref<1x!tpu.dma_semaphore, #tpu.memory_space<semaphore_mem>> -> memref<!tpu.dma_semaphore, #tpu.memory_space<semaphore_mem>>
        tpu.enqueue_indirect_dma source(%dma_start3A_288 : memref<50000x32xf32, #tpu.memory_space<hbm>>) target(%dma_start3A_278 : memref<128x32xf32, #tpu.memory_space<vmem>>) offsets(%dma_start3A_281 : memref<128xi32, #tpu.memory_space<vmem>>) semaphore(%dma_start3A_290 : memref<!tpu.dma_semaphore, #tpu.memory_space<semaphore_mem>>)
        %dma_start3A_291 = arith.constant 2 : i32
        %dma_start3A_292 = arith.constant 0 : i32
        %dma_start3A_293 = arith.constant 256 : i32
        %dma_start3A_294 = arith.constant 0 : i32
        %dma_start3A_295 = tpu.memref_slice %arg8[%sub3A_142, %dma_start3A_293, %dma_start3A_294] : memref<2x384x32xf32, #tpu.memory_space<vmem>> -> memref<1x128x32xf32, #tpu.memory_space<vmem>>
        %dma_start3A_296 = tpu.memref_squeeze %dma_start3A_295 : memref<1x128x32xf32, #tpu.memory_space<vmem>> -> memref<128x32xf32, #tpu.memory_space<vmem>>
        %dma_start3A_297 = arith.constant 0 : i32
        %dma_start3A_298 = tpu.memref_slice %arg7[%sub3A_142, %dma_start3A_291, %dma_start3A_292, %dma_start3A_297] : memref<2x3x2x128xi32, #tpu.memory_space<vmem>> -> memref<1x1x1x128xi32, #tpu.memory_space<vmem>>
        %dma_start3A_299 = tpu.memref_squeeze %dma_start3A_298 : memref<1x1x1x128xi32, #tpu.memory_space<vmem>> -> memref<128xi32, #tpu.memory_space<vmem>>
        %dma_start3A_300 = arith.constant 0 : i32
        %dma_start3A_301 = arith.constant 0 : i32
        %dma_start3A_302 = tpu.memref_slice %arg2[%arg0, %dma_start3A_300, %dma_start3A_301] : memref<2x50000x32xf32, #tpu.memory_space<hbm>> -> memref<1x50000x32xf32, #tpu.memory_space<hbm>>
        %dma_start3A_303 = tpu.memref_squeeze %dma_start3A_302 : memref<1x50000x32xf32, #tpu.memory_space<hbm>> -> memref<50000x32xf32, #tpu.memory_space<hbm>>
        %dma_start3A_304 = arith.constant 0 : i32
        %dma_start3A_305 = arith.constant 0 : i32
        %dma_start3A_306 = tpu.memref_slice %dma_start3A_303[%dma_start3A_304, %dma_start3A_305] : memref<50000x32xf32, #tpu.memory_space<hbm>> -> memref<50000x32xf32, #tpu.memory_space<hbm>>
        %dma_start3A_307 = tpu.memref_slice %arg9[%sub3A_142] : memref<2x!tpu.dma_semaphore, #tpu.memory_space<semaphore_mem>> -> memref<1x!tpu.dma_semaphore, #tpu.memory_space<semaphore_mem>>
        %dma_start3A_308 = tpu.memref_squeeze %dma_start3A_307 : memref<1x!tpu.dma_semaphore, #tpu.memory_space<semaphore_mem>> -> memref<!tpu.dma_semaphore, #tpu.memory_space<semaphore_mem>>
        tpu.enqueue_indirect_dma source(%dma_start3A_306 : memref<50000x32xf32, #tpu.memory_space<hbm>>) target(%dma_start3A_296 : memref<128x32xf32, #tpu.memory_space<vmem>>) offsets(%dma_start3A_299 : memref<128xi32, #tpu.memory_space<vmem>>) semaphore(%dma_start3A_308 : memref<!tpu.dma_semaphore, #tpu.memory_space<semaphore_mem>>)
      } else {
      }
      %dma_wait3A_154 = arith.constant 0 : i32
      %dma_wait3A_155 = arith.constant 0 : i32
      %dma_wait3A_156 = arith.constant 0 : i32
      %dma_wait3A_157 = arith.constant 0 : i32
      %dma_wait3A_158 = tpu.memref_slice %arg8[%select_n3A_141, %dma_wait3A_156, %dma_wait3A_157] : memref<2x384x32xf32, #tpu.memory_space<vmem>> -> memref<1x128x32xf32, #tpu.memory_space<vmem>>
      %dma_wait3A_159 = tpu.memref_squeeze %dma_wait3A_158 : memref<1x128x32xf32, #tpu.memory_space<vmem>> -> memref<128x32xf32, #tpu.memory_space<vmem>>
      %dma_wait3A_160 = arith.constant 0 : i32
      %dma_wait3A_161 = tpu.memref_slice %arg7[%select_n3A_141, %dma_wait3A_154, %dma_wait3A_155, %dma_wait3A_160] : memref<2x3x2x128xi32, #tpu.memory_space<vmem>> -> memref<1x1x1x128xi32, #tpu.memory_space<vmem>>
      %dma_wait3A_162 = tpu.memref_squeeze %dma_wait3A_161 : memref<1x1x1x128xi32, #tpu.memory_space<vmem>> -> memref<128xi32, #tpu.memory_space<vmem>>
      %dma_wait3A_163 = arith.constant 0 : i32
      %dma_wait3A_164 = arith.constant 0 : i32
      %dma_wait3A_165 = tpu.memref_slice %arg2[%arg0, %dma_wait3A_163, %dma_wait3A_164] : memref<2x50000x32xf32, #tpu.memory_space<hbm>> -> memref<1x50000x32xf32, #tpu.memory_space<hbm>>
      %dma_wait3A_166 = tpu.memref_squeeze %dma_wait3A_165 : memref<1x50000x32xf32, #tpu.memory_space<hbm>> -> memref<50000x32xf32, #tpu.memory_space<hbm>>
      %dma_wait3A_167 = arith.constant 0 : i32
      %dma_wait3A_168 = arith.constant 0 : i32
      %dma_wait3A_169 = tpu.memref_slice %dma_wait3A_166[%dma_wait3A_167, %dma_wait3A_168] : memref<50000x32xf32, #tpu.memory_space<hbm>> -> memref<50000x32xf32, #tpu.memory_space<hbm>>
      %dma_wait3A_170 = tpu.memref_slice %arg9[%select_n3A_141] : memref<2x!tpu.dma_semaphore, #tpu.memory_space<semaphore_mem>> -> memref<1x!tpu.dma_semaphore, #tpu.memory_space<semaphore_mem>>
      %dma_wait3A_171 = tpu.memref_squeeze %dma_wait3A_170 : memref<1x!tpu.dma_semaphore, #tpu.memory_space<semaphore_mem>> -> memref<!tpu.dma_semaphore, #tpu.memory_space<semaphore_mem>>
      tpu.wait_indirect_dma semaphore(%dma_wait3A_171 : memref<!tpu.dma_semaphore, #tpu.memory_space<semaphore_mem>>) src(%dma_wait3A_169 : memref<50000x32xf32, #tpu.memory_space<hbm>>) dst(%dma_wait3A_159 : memref<128x32xf32, #tpu.memory_space<vmem>>)
      %dma_start3A_172 = arith.constant 0 : i32
      %dma_start3A_173 = arith.constant 1 : i32
      %dma_start3A_174 = arith.constant 0 : i32
      %dma_start3A_175 = arith.constant 0 : i32
      %dma_start3A_176 = tpu.memref_slice %arg8[%select_n3A_141, %dma_start3A_174, %dma_start3A_175] : memref<2x384x32xf32, #tpu.memory_space<vmem>> -> memref<1x128x32xf32, #tpu.memory_space<vmem>>
      %dma_start3A_177 = tpu.memref_squeeze %dma_start3A_176 : memref<1x128x32xf32, #tpu.memory_space<vmem>> -> memref<128x32xf32, #tpu.memory_space<vmem>>
      %dma_start3A_178 = arith.constant 0 : i32
      %dma_start3A_179 = tpu.memref_slice %arg7[%select_n3A_141, %dma_start3A_172, %dma_start3A_173, %dma_start3A_178] : memref<2x3x2x128xi32, #tpu.memory_space<vmem>> -> memref<1x1x1x128xi32, #tpu.memory_space<vmem>>
      %dma_start3A_180 = tpu.memref_squeeze %dma_start3A_179 : memref<1x1x1x128xi32, #tpu.memory_space<vmem>> -> memref<128xi32, #tpu.memory_space<vmem>>
      %dma_start3A_181 = arith.constant 0 : i32
      %dma_start3A_182 = arith.constant 0 : i32
      %dma_start3A_183 = tpu.memref_slice %arg6[%dma_start3A_181, %dma_start3A_182] : memref<50048x32xf32, #tpu.memory_space<vmem_shared>> -> memref<50048x32xf32, #tpu.memory_space<vmem_shared>>
      %dma_start3A_184 = tpu.memref_slice %arg10[%select_n3A_141] : memref<2x!tpu.dma_semaphore, #tpu.memory_space<semaphore_mem>> -> memref<1x!tpu.dma_semaphore, #tpu.memory_space<semaphore_mem>>
      %dma_start3A_185 = tpu.memref_squeeze %dma_start3A_184 : memref<1x!tpu.dma_semaphore, #tpu.memory_space<semaphore_mem>> -> memref<!tpu.dma_semaphore, #tpu.memory_space<semaphore_mem>>
      tpu.enqueue_indirect_dma source(%dma_start3A_177 : memref<128x32xf32, #tpu.memory_space<vmem>>) target(%dma_start3A_183 : memref<50048x32xf32, #tpu.memory_space<vmem_shared>>) offsets(%dma_start3A_180 : memref<128xi32, #tpu.memory_space<vmem>>) semaphore(%dma_start3A_185 : memref<!tpu.dma_semaphore, #tpu.memory_space<semaphore_mem>>) {add = true}
      %dma_wait3A_186 = arith.constant 1 : i32
      %dma_wait3A_187 = arith.constant 0 : i32
      %dma_wait3A_188 = arith.constant 128 : i32
      %dma_wait3A_189 = arith.constant 0 : i32
      %dma_wait3A_190 = tpu.memref_slice %arg8[%select_n3A_141, %dma_wait3A_188, %dma_wait3A_189] : memref<2x384x32xf32, #tpu.memory_space<vmem>> -> memref<1x128x32xf32, #tpu.memory_space<vmem>>
      %dma_wait3A_191 = tpu.memref_squeeze %dma_wait3A_190 : memref<1x128x32xf32, #tpu.memory_space<vmem>> -> memref<128x32xf32, #tpu.memory_space<vmem>>
      %dma_wait3A_192 = arith.constant 0 : i32
      %dma_wait3A_193 = tpu.memref_slice %arg7[%select_n3A_141, %dma_wait3A_186, %dma_wait3A_187, %dma_wait3A_192] : memref<2x3x2x128xi32, #tpu.memory_space<vmem>> -> memref<1x1x1x128xi32, #tpu.memory_space<vmem>>
      %dma_wait3A_194 = tpu.memref_squeeze %dma_wait3A_193 : memref<1x1x1x128xi32, #tpu.memory_space<vmem>> -> memref<128xi32, #tpu.memory_space<vmem>>
      %dma_wait3A_195 = arith.constant 0 : i32
      %dma_wait3A_196 = arith.constant 0 : i32
      %dma_wait3A_197 = tpu.memref_slice %arg2[%arg0, %dma_wait3A_195, %dma_wait3A_196] : memref<2x50000x32xf32, #tpu.memory_space<hbm>> -> memref<1x50000x32xf32, #tpu.memory_space<hbm>>
      %dma_wait3A_198 = tpu.memref_squeeze %dma_wait3A_197 : memref<1x50000x32xf32, #tpu.memory_space<hbm>> -> memref<50000x32xf32, #tpu.memory_space<hbm>>
      %dma_wait3A_199 = arith.constant 0 : i32
      %dma_wait3A_200 = arith.constant 0 : i32
      %dma_wait3A_201 = tpu.memref_slice %dma_wait3A_198[%dma_wait3A_199, %dma_wait3A_200] : memref<50000x32xf32, #tpu.memory_space<hbm>> -> memref<50000x32xf32, #tpu.memory_space<hbm>>
      %dma_wait3A_202 = tpu.memref_slice %arg9[%select_n3A_141] : memref<2x!tpu.dma_semaphore, #tpu.memory_space<semaphore_mem>> -> memref<1x!tpu.dma_semaphore, #tpu.memory_space<semaphore_mem>>
      %dma_wait3A_203 = tpu.memref_squeeze %dma_wait3A_202 : memref<1x!tpu.dma_semaphore, #tpu.memory_space<semaphore_mem>> -> memref<!tpu.dma_semaphore, #tpu.memory_space<semaphore_mem>>
      tpu.wait_indirect_dma semaphore(%dma_wait3A_203 : memref<!tpu.dma_semaphore, #tpu.memory_space<semaphore_mem>>) src(%dma_wait3A_201 : memref<50000x32xf32, #tpu.memory_space<hbm>>) dst(%dma_wait3A_191 : memref<128x32xf32, #tpu.memory_space<vmem>>)
      %dma_start3A_204 = arith.constant 1 : i32
      %dma_start3A_205 = arith.constant 1 : i32
      %dma_start3A_206 = arith.constant 128 : i32
      %dma_start3A_207 = arith.constant 0 : i32
      %dma_start3A_208 = tpu.memref_slice %arg8[%select_n3A_141, %dma_start3A_206, %dma_start3A_207] : memref<2x384x32xf32, #tpu.memory_space<vmem>> -> memref<1x128x32xf32, #tpu.memory_space<vmem>>
      %dma_start3A_209 = tpu.memref_squeeze %dma_start3A_208 : memref<1x128x32xf32, #tpu.memory_space<vmem>> -> memref<128x32xf32, #tpu.memory_space<vmem>>
      %dma_start3A_210 = arith.constant 0 : i32
      %dma_start3A_211 = tpu.memref_slice %arg7[%select_n3A_141, %dma_start3A_204, %dma_start3A_205, %dma_start3A_210] : memref<2x3x2x128xi32, #tpu.memory_space<vmem>> -> memref<1x1x1x128xi32, #tpu.memory_space<vmem>>
      %dma_start3A_212 = tpu.memref_squeeze %dma_start3A_211 : memref<1x1x1x128xi32, #tpu.memory_space<vmem>> -> memref<128xi32, #tpu.memory_space<vmem>>
      %dma_start3A_213 = arith.constant 0 : i32
      %dma_start3A_214 = arith.constant 0 : i32
      %dma_start3A_215 = tpu.memref_slice %arg6[%dma_start3A_213, %dma_start3A_214] : memref<50048x32xf32, #tpu.memory_space<vmem_shared>> -> memref<50048x32xf32, #tpu.memory_space<vmem_shared>>
      %dma_start3A_216 = tpu.memref_slice %arg10[%select_n3A_141] : memref<2x!tpu.dma_semaphore, #tpu.memory_space<semaphore_mem>> -> memref<1x!tpu.dma_semaphore, #tpu.memory_space<semaphore_mem>>
      %dma_start3A_217 = tpu.memref_squeeze %dma_start3A_216 : memref<1x!tpu.dma_semaphore, #tpu.memory_space<semaphore_mem>> -> memref<!tpu.dma_semaphore, #tpu.memory_space<semaphore_mem>>
      tpu.enqueue_indirect_dma source(%dma_start3A_209 : memref<128x32xf32, #tpu.memory_space<vmem>>) target(%dma_start3A_215 : memref<50048x32xf32, #tpu.memory_space<vmem_shared>>) offsets(%dma_start3A_212 : memref<128xi32, #tpu.memory_space<vmem>>) semaphore(%dma_start3A_217 : memref<!tpu.dma_semaphore, #tpu.memory_space<semaphore_mem>>) {add = true}
      %dma_wait3A_218 = arith.constant 2 : i32
      %dma_wait3A_219 = arith.constant 0 : i32
      %dma_wait3A_220 = arith.constant 256 : i32
      %dma_wait3A_221 = arith.constant 0 : i32
      %dma_wait3A_222 = tpu.memref_slice %arg8[%select_n3A_141, %dma_wait3A_220, %dma_wait3A_221] : memref<2x384x32xf32, #tpu.memory_space<vmem>> -> memref<1x128x32xf32, #tpu.memory_space<vmem>>
      %dma_wait3A_223 = tpu.memref_squeeze %dma_wait3A_222 : memref<1x128x32xf32, #tpu.memory_space<vmem>> -> memref<128x32xf32, #tpu.memory_space<vmem>>
      %dma_wait3A_224 = arith.constant 0 : i32
      %dma_wait3A_225 = tpu.memref_slice %arg7[%select_n3A_141, %dma_wait3A_218, %dma_wait3A_219, %dma_wait3A_224] : memref<2x3x2x128xi32, #tpu.memory_space<vmem>> -> memref<1x1x1x128xi32, #tpu.memory_space<vmem>>
      %dma_wait3A_226 = tpu.memref_squeeze %dma_wait3A_225 : memref<1x1x1x128xi32, #tpu.memory_space<vmem>> -> memref<128xi32, #tpu.memory_space<vmem>>
      %dma_wait3A_227 = arith.constant 0 : i32
      %dma_wait3A_228 = arith.constant 0 : i32
      %dma_wait3A_229 = tpu.memref_slice %arg2[%arg0, %dma_wait3A_227, %dma_wait3A_228] : memref<2x50000x32xf32, #tpu.memory_space<hbm>> -> memref<1x50000x32xf32, #tpu.memory_space<hbm>>
      %dma_wait3A_230 = tpu.memref_squeeze %dma_wait3A_229 : memref<1x50000x32xf32, #tpu.memory_space<hbm>> -> memref<50000x32xf32, #tpu.memory_space<hbm>>
      %dma_wait3A_231 = arith.constant 0 : i32
      %dma_wait3A_232 = arith.constant 0 : i32
      %dma_wait3A_233 = tpu.memref_slice %dma_wait3A_230[%dma_wait3A_231, %dma_wait3A_232] : memref<50000x32xf32, #tpu.memory_space<hbm>> -> memref<50000x32xf32, #tpu.memory_space<hbm>>
      %dma_wait3A_234 = tpu.memref_slice %arg9[%select_n3A_141] : memref<2x!tpu.dma_semaphore, #tpu.memory_space<semaphore_mem>> -> memref<1x!tpu.dma_semaphore, #tpu.memory_space<semaphore_mem>>
      %dma_wait3A_235 = tpu.memref_squeeze %dma_wait3A_234 : memref<1x!tpu.dma_semaphore, #tpu.memory_space<semaphore_mem>> -> memref<!tpu.dma_semaphore, #tpu.memory_space<semaphore_mem>>
      tpu.wait_indirect_dma semaphore(%dma_wait3A_235 : memref<!tpu.dma_semaphore, #tpu.memory_space<semaphore_mem>>) src(%dma_wait3A_233 : memref<50000x32xf32, #tpu.memory_space<hbm>>) dst(%dma_wait3A_223 : memref<128x32xf32, #tpu.memory_space<vmem>>)
      %dma_start3A_236 = arith.constant 2 : i32
      %dma_start3A_237 = arith.constant 1 : i32
      %dma_start3A_238 = arith.constant 256 : i32
      %dma_start3A_239 = arith.constant 0 : i32
      %dma_start3A_240 = tpu.memref_slice %arg8[%select_n3A_141, %dma_start3A_238, %dma_start3A_239] : memref<2x384x32xf32, #tpu.memory_space<vmem>> -> memref<1x128x32xf32, #tpu.memory_space<vmem>>
      %dma_start3A_241 = tpu.memref_squeeze %dma_start3A_240 : memref<1x128x32xf32, #tpu.memory_space<vmem>> -> memref<128x32xf32, #tpu.memory_space<vmem>>
      %dma_start3A_242 = arith.constant 0 : i32
      %dma_start3A_243 = tpu.memref_slice %arg7[%select_n3A_141, %dma_start3A_236, %dma_start3A_237, %dma_start3A_242] : memref<2x3x2x128xi32, #tpu.memory_space<vmem>> -> memref<1x1x1x128xi32, #tpu.memory_space<vmem>>
      %dma_start3A_244 = tpu.memref_squeeze %dma_start3A_243 : memref<1x1x1x128xi32, #tpu.memory_space<vmem>> -> memref<128xi32, #tpu.memory_space<vmem>>
      %dma_start3A_245 = arith.constant 0 : i32
      %dma_start3A_246 = arith.constant 0 : i32
      %dma_start3A_247 = tpu.memref_slice %arg6[%dma_start3A_245, %dma_start3A_246] : memref<50048x32xf32, #tpu.memory_space<vmem_shared>> -> memref<50048x32xf32, #tpu.memory_space<vmem_shared>>
      %dma_start3A_248 = tpu.memref_slice %arg10[%select_n3A_141] : memref<2x!tpu.dma_semaphore, #tpu.memory_space<semaphore_mem>> -> memref<1x!tpu.dma_semaphore, #tpu.memory_space<semaphore_mem>>
      %dma_start3A_249 = tpu.memref_squeeze %dma_start3A_248 : memref<1x!tpu.dma_semaphore, #tpu.memory_space<semaphore_mem>> -> memref<!tpu.dma_semaphore, #tpu.memory_space<semaphore_mem>>
      tpu.enqueue_indirect_dma source(%dma_start3A_241 : memref<128x32xf32, #tpu.memory_space<vmem>>) target(%dma_start3A_247 : memref<50048x32xf32, #tpu.memory_space<vmem_shared>>) offsets(%dma_start3A_244 : memref<128xi32, #tpu.memory_space<vmem>>) semaphore(%dma_start3A_249 : memref<!tpu.dma_semaphore, #tpu.memory_space<semaphore_mem>>) {add = true}
    }
    %scan3A_72 = arith.constant 132 : i32
    %dma_wait3A = arith.constant 1 : i32
    %dma_wait3A_73 = arith.constant 1 : i32
    %dma_wait3A_74 = arith.constant 0 : i32
    %dma_wait3A_75 = arith.constant 1 : i32
    %dma_wait3A_76 = arith.constant 1 : i32
    %dma_wait3A_77 = arith.constant 0 : i32
    %dma_wait3A_78 = arith.constant 0 : i32
    %dma_wait3A_79 = tpu.memref_slice %arg8[%dma_wait3A, %dma_wait3A_77, %dma_wait3A_78] : memref<2x384x32xf32, #tpu.memory_space<vmem>> -> memref<1x128x32xf32, #tpu.memory_space<vmem>>
    %dma_wait3A_80 = tpu.memref_squeeze %dma_wait3A_79 : memref<1x128x32xf32, #tpu.memory_space<vmem>> -> memref<128x32xf32, #tpu.memory_space<vmem>>
    %dma_wait3A_81 = arith.constant 0 : i32
    %dma_wait3A_82 = tpu.memref_slice %arg7[%dma_wait3A_73, %dma_wait3A_74, %dma_wait3A_75, %dma_wait3A_81] : memref<2x3x2x128xi32, #tpu.memory_space<vmem>> -> memref<1x1x1x128xi32, #tpu.memory_space<vmem>>
    %dma_wait3A_83 = tpu.memref_squeeze %dma_wait3A_82 : memref<1x1x1x128xi32, #tpu.memory_space<vmem>> -> memref<128xi32, #tpu.memory_space<vmem>>
    %dma_wait3A_84 = arith.constant 0 : i32
    %dma_wait3A_85 = arith.constant 0 : i32
    %dma_wait3A_86 = tpu.memref_slice %arg6[%dma_wait3A_84, %dma_wait3A_85] : memref<50048x32xf32, #tpu.memory_space<vmem_shared>> -> memref<50048x32xf32, #tpu.memory_space<vmem_shared>>
    %dma_wait3A_87 = tpu.memref_slice %arg10[%dma_wait3A_76] : memref<2x!tpu.dma_semaphore, #tpu.memory_space<semaphore_mem>> -> memref<1x!tpu.dma_semaphore, #tpu.memory_space<semaphore_mem>>
    %dma_wait3A_88 = tpu.memref_squeeze %dma_wait3A_87 : memref<1x!tpu.dma_semaphore, #tpu.memory_space<semaphore_mem>> -> memref<!tpu.dma_semaphore, #tpu.memory_space<semaphore_mem>>
    tpu.wait_indirect_dma semaphore(%dma_wait3A_88 : memref<!tpu.dma_semaphore, #tpu.memory_space<semaphore_mem>>) src(%dma_wait3A_80 : memref<128x32xf32, #tpu.memory_space<vmem>>) dst(%dma_wait3A_86 : memref<50048x32xf32, #tpu.memory_space<vmem_shared>>)
    %dma_wait3A_89 = arith.constant 1 : i32
    %dma_wait3A_90 = arith.constant 1 : i32
    %dma_wait3A_91 = arith.constant 1 : i32
    %dma_wait3A_92 = arith.constant 1 : i32
    %dma_wait3A_93 = arith.constant 1 : i32
    %dma_wait3A_94 = arith.constant 128 : i32
    %dma_wait3A_95 = arith.constant 0 : i32
    %dma_wait3A_96 = tpu.memref_slice %arg8[%dma_wait3A_89, %dma_wait3A_94, %dma_wait3A_95] : memref<2x384x32xf32, #tpu.memory_space<vmem>> -> memref<1x128x32xf32, #tpu.memory_space<vmem>>
    %dma_wait3A_97 = tpu.memref_squeeze %dma_wait3A_96 : memref<1x128x32xf32, #tpu.memory_space<vmem>> -> memref<128x32xf32, #tpu.memory_space<vmem>>
    %dma_wait3A_98 = arith.constant 0 : i32
    %dma_wait3A_99 = tpu.memref_slice %arg7[%dma_wait3A_90, %dma_wait3A_91, %dma_wait3A_92, %dma_wait3A_98] : memref<2x3x2x128xi32, #tpu.memory_space<vmem>> -> memref<1x1x1x128xi32, #tpu.memory_space<vmem>>
    %dma_wait3A_100 = tpu.memref_squeeze %dma_wait3A_99 : memref<1x1x1x128xi32, #tpu.memory_space<vmem>> -> memref<128xi32, #tpu.memory_space<vmem>>
    %dma_wait3A_101 = arith.constant 0 : i32
    %dma_wait3A_102 = arith.constant 0 : i32
    %dma_wait3A_103 = tpu.memref_slice %arg6[%dma_wait3A_101, %dma_wait3A_102] : memref<50048x32xf32, #tpu.memory_space<vmem_shared>> -> memref<50048x32xf32, #tpu.memory_space<vmem_shared>>
    %dma_wait3A_104 = tpu.memref_slice %arg10[%dma_wait3A_93] : memref<2x!tpu.dma_semaphore, #tpu.memory_space<semaphore_mem>> -> memref<1x!tpu.dma_semaphore, #tpu.memory_space<semaphore_mem>>
    %dma_wait3A_105 = tpu.memref_squeeze %dma_wait3A_104 : memref<1x!tpu.dma_semaphore, #tpu.memory_space<semaphore_mem>> -> memref<!tpu.dma_semaphore, #tpu.memory_space<semaphore_mem>>
    tpu.wait_indirect_dma semaphore(%dma_wait3A_105 : memref<!tpu.dma_semaphore, #tpu.memory_space<semaphore_mem>>) src(%dma_wait3A_97 : memref<128x32xf32, #tpu.memory_space<vmem>>) dst(%dma_wait3A_103 : memref<50048x32xf32, #tpu.memory_space<vmem_shared>>)
    %dma_wait3A_106 = arith.constant 1 : i32
    %dma_wait3A_107 = arith.constant 1 : i32
    %dma_wait3A_108 = arith.constant 2 : i32
    %dma_wait3A_109 = arith.constant 1 : i32
    %dma_wait3A_110 = arith.constant 1 : i32
    %dma_wait3A_111 = arith.constant 256 : i32
    %dma_wait3A_112 = arith.constant 0 : i32
    %dma_wait3A_113 = tpu.memref_slice %arg8[%dma_wait3A_106, %dma_wait3A_111, %dma_wait3A_112] : memref<2x384x32xf32, #tpu.memory_space<vmem>> -> memref<1x128x32xf32, #tpu.memory_space<vmem>>
    %dma_wait3A_114 = tpu.memref_squeeze %dma_wait3A_113 : memref<1x128x32xf32, #tpu.memory_space<vmem>> -> memref<128x32xf32, #tpu.memory_space<vmem>>
    %dma_wait3A_115 = arith.constant 0 : i32
    %dma_wait3A_116 = tpu.memref_slice %arg7[%dma_wait3A_107, %dma_wait3A_108, %dma_wait3A_109, %dma_wait3A_115] : memref<2x3x2x128xi32, #tpu.memory_space<vmem>> -> memref<1x1x1x128xi32, #tpu.memory_space<vmem>>
    %dma_wait3A_117 = tpu.memref_squeeze %dma_wait3A_116 : memref<1x1x1x128xi32, #tpu.memory_space<vmem>> -> memref<128xi32, #tpu.memory_space<vmem>>
    %dma_wait3A_118 = arith.constant 0 : i32
    %dma_wait3A_119 = arith.constant 0 : i32
    %dma_wait3A_120 = tpu.memref_slice %arg6[%dma_wait3A_118, %dma_wait3A_119] : memref<50048x32xf32, #tpu.memory_space<vmem_shared>> -> memref<50048x32xf32, #tpu.memory_space<vmem_shared>>
    %dma_wait3A_121 = tpu.memref_slice %arg10[%dma_wait3A_110] : memref<2x!tpu.dma_semaphore, #tpu.memory_space<semaphore_mem>> -> memref<1x!tpu.dma_semaphore, #tpu.memory_space<semaphore_mem>>
    %dma_wait3A_122 = tpu.memref_squeeze %dma_wait3A_121 : memref<1x!tpu.dma_semaphore, #tpu.memory_space<semaphore_mem>> -> memref<!tpu.dma_semaphore, #tpu.memory_space<semaphore_mem>>
    tpu.wait_indirect_dma semaphore(%dma_wait3A_122 : memref<!tpu.dma_semaphore, #tpu.memory_space<semaphore_mem>>) src(%dma_wait3A_114 : memref<128x32xf32, #tpu.memory_space<vmem>>) dst(%dma_wait3A_120 : memref<50048x32xf32, #tpu.memory_space<vmem_shared>>)
    %barrier3A_123 = arith.constant 0 : index
    tpu.barrier barrier_id(%barrier3A_123)
    %lt3A = arith.constant 15 : i32
    %lt3A_124 = arith.cmpi slt, %arg1, %lt3A : i32
    %convert_element_type3A = arith.extui %lt3A_124 : i1 to i32
    %cond3A = arith.constant 0 : i32
    %cond3A_125 = arith.cmpi ne, %convert_element_type3A, %cond3A : i32
    scf.if %cond3A_125 {
      %mul3A_130 = arith.constant 3128 : i32
      %mul3A_131 = arith.muli %arg1, %mul3A_130 : i32
      %mul3A_132 = arith.constant 50000 : i32
      %mul3A_133 = arith.muli %arg0, %mul3A_132 : i32
      %mul3A_134 = arith.constant 3128 : i32
      %mul3A_135 = arith.muli %arg1, %mul3A_134 : i32
      %add3A_136 = arith.addi %mul3A_133, %mul3A_135 : i32
      "tpu.region"() ({
        %run_scoped3A_137 = tpu.sem_alloc : memref<!tpu.dma_semaphore, #tpu.memory_space<semaphore_mem>>
        %dma_start3A_138 = arith.constant 0 : i32
        %dma_start3A_139 = tpu.memref_slice %arg5[%add3A_136, %dma_start3A_138] : memref<100000x32xf32, #tpu.memory_space<hbm>> -> memref<3128x32xf32, #tpu.memory_space<hbm>>
        %dma_start3A_140 = arith.constant 0 : i32
        %dma_start3A_141 = tpu.memref_slice %arg6[%mul3A_131, %dma_start3A_140] : memref<50048x32xf32, #tpu.memory_space<vmem_shared>> -> memref<3128x32xf32, #tpu.memory_space<vmem_shared>>
        tpu.enqueue_dma source(%dma_start3A_141 : memref<3128x32xf32, #tpu.memory_space<vmem_shared>>) target(%dma_start3A_139 : memref<3128x32xf32, #tpu.memory_space<hbm>>) target_semaphore(%run_scoped3A_137 : memref<!tpu.dma_semaphore, #tpu.memory_space<semaphore_mem>>)
        %dma_wait3A_142 = arith.constant 0 : i32
        %dma_wait3A_143 = tpu.memref_slice %arg5[%add3A_136, %dma_wait3A_142] : memref<100000x32xf32, #tpu.memory_space<hbm>> -> memref<3128x32xf32, #tpu.memory_space<hbm>>
        %dma_wait3A_144 = arith.constant 0 : i32
        %dma_wait3A_145 = tpu.memref_slice %arg6[%mul3A_131, %dma_wait3A_144] : memref<50048x32xf32, #tpu.memory_space<vmem_shared>> -> memref<3128x32xf32, #tpu.memory_space<vmem_shared>>
        tpu.wait_dma2 semaphore(%run_scoped3A_137 : memref<!tpu.dma_semaphore, #tpu.memory_space<semaphore_mem>>) src(%dma_wait3A_145 : memref<3128x32xf32, #tpu.memory_space<vmem_shared>>) dst(%dma_wait3A_143 : memref<3128x32xf32, #tpu.memory_space<hbm>>)
        tpu.yield
      }) : () -> ()
    } else {
    }
    %eq3A = arith.constant 15 : i32
    %eq3A_126 = arith.cmpi eq, %arg1, %eq3A : i32
    %convert_element_type3A_127 = arith.extui %eq3A_126 : i1 to i32
    %cond3A_128 = arith.constant 0 : i32
    %cond3A_129 = arith.cmpi ne, %convert_element_type3A_127, %cond3A_128 : i32
    scf.if %cond3A_129 {
      %mul3A_130 = arith.constant 50000 : i32
      %mul3A_131 = arith.muli %arg0, %mul3A_130 : i32
      %add3A_132 = arith.constant 46920 : i32
      %add3A_133 = arith.addi %mul3A_131, %add3A_132 : i32
      "tpu.region"() ({
        %run_scoped3A_134 = tpu.sem_alloc : memref<!tpu.dma_semaphore, #tpu.memory_space<semaphore_mem>>
        %dma_start3A_135 = arith.constant 0 : i32
        %dma_start3A_136 = tpu.memref_slice %arg5[%add3A_133, %dma_start3A_135] : memref<100000x32xf32, #tpu.memory_space<hbm>> -> memref<3080x32xf32, #tpu.memory_space<hbm>>
        %dma_start3A_137 = arith.constant 46920 : i32
        %dma_start3A_138 = arith.constant 0 : i32
        %dma_start3A_139 = tpu.memref_slice %arg6[%dma_start3A_137, %dma_start3A_138] : memref<50048x32xf32, #tpu.memory_space<vmem_shared>> -> memref<3080x32xf32, #tpu.memory_space<vmem_shared>>
        tpu.enqueue_dma source(%dma_start3A_139 : memref<3080x32xf32, #tpu.memory_space<vmem_shared>>) target(%dma_start3A_136 : memref<3080x32xf32, #tpu.memory_space<hbm>>) target_semaphore(%run_scoped3A_134 : memref<!tpu.dma_semaphore, #tpu.memory_space<semaphore_mem>>)
        %dma_wait3A_140 = arith.constant 0 : i32
        %dma_wait3A_141 = tpu.memref_slice %arg5[%add3A_133, %dma_wait3A_140] : memref<100000x32xf32, #tpu.memory_space<hbm>> -> memref<3080x32xf32, #tpu.memory_space<hbm>>
        %dma_wait3A_142 = arith.constant 46920 : i32
        %dma_wait3A_143 = arith.constant 0 : i32
        %dma_wait3A_144 = tpu.memref_slice %arg6[%dma_wait3A_142, %dma_wait3A_143] : memref<50048x32xf32, #tpu.memory_space<vmem_shared>> -> memref<3080x32xf32, #tpu.memory_space<vmem_shared>>
        tpu.wait_dma2 semaphore(%run_scoped3A_134 : memref<!tpu.dma_semaphore, #tpu.memory_space<semaphore_mem>>) src(%dma_wait3A_144 : memref<3080x32xf32, #tpu.memory_space<vmem_shared>>) dst(%dma_wait3A_141 : memref<3080x32xf32, #tpu.memory_space<hbm>>)
        tpu.yield
      }) : () -> ()
    } else {
    }
    return
  }
}

#map = affine_map<(d0, d1) -> (0, 0, 0)>
#map1 = affine_map<(d0, d1) -> (0, 0)>
module attributes {stable_mosaic.version = 14 : i64} {
  func.func @_sc_agg_body(%arg0: i32, %arg1: i32, %arg2: memref<2x50000x32xf32, #tpu.memory_space<hbm>>, %arg3: memref<6336x2x128xi32, #tpu.memory_space<hbm>>, %arg4: memref<50048x32xf32, #tpu.memory_space<hbm>>, %arg5: memref<100000x32xf32, #tpu.memory_space<hbm>>, %arg6: memref<50048x32xf32, #tpu.memory_space<vmem_shared>>, %arg7: memref<2x3x2x128xi32, #tpu.memory_space<vmem>>, %arg8: memref<2x384x32xf32, #tpu.memory_space<vmem>>, %arg9: memref<2x!tpu.dma_semaphore, #tpu.memory_space<semaphore_mem>>, %arg10: memref<2x!tpu.dma_semaphore, #tpu.memory_space<semaphore_mem>>) attributes {dimension_semantics = [#tpu.dimension_semantics<core_parallel>, #tpu.dimension_semantics<subcore_parallel>], iteration_bounds = array<i64: 2, 16>, scalar_prefetch = 0 : i64, scratch_operands = 5 : i64, tpu.core_type = #tpu.core_type<sc_vector_subcore>, window_params = [{transform_indices = #map}, {transform_indices = #map}, {transform_indices = #map1}, {transform_indices = #map1}]} {
    %mul3A = arith.constant 3128 : i32
    %mul3A_0 = arith.muli %arg1, %mul3A : i32
    %mul3A_1 = arith.constant 3128 : i32
    %mul3A_2 = arith.muli %arg1, %mul3A_1 : i32
    "tpu.region"() ({
      %run_scoped3A_130 = tpu.sem_alloc : memref<!tpu.dma_semaphore, #tpu.memory_space<semaphore_mem>>
      %dma_start3A_131 = arith.constant 0 : i32
      %dma_start3A_132 = tpu.memref_slice %arg6[%mul3A_2, %dma_start3A_131] : memref<50048x32xf32, #tpu.memory_space<vmem_shared>> -> memref<3128x32xf32, #tpu.memory_space<vmem_shared>>
      %dma_start3A_133 = arith.constant 0 : i32
      %dma_start3A_134 = tpu.memref_slice %arg4[%mul3A_0, %dma_start3A_133] : memref<50048x32xf32, #tpu.memory_space<hbm>> -> memref<3128x32xf32, #tpu.memory_space<hbm>>
      tpu.enqueue_dma source(%dma_start3A_134 : memref<3128x32xf32, #tpu.memory_space<hbm>>) target(%dma_start3A_132 : memref<3128x32xf32, #tpu.memory_space<vmem_shared>>) target_semaphore(%run_scoped3A_130 : memref<!tpu.dma_semaphore, #tpu.memory_space<semaphore_mem>>)
      %dma_wait3A_135 = arith.constant 0 : i32
      %dma_wait3A_136 = tpu.memref_slice %arg6[%mul3A_2, %dma_wait3A_135] : memref<50048x32xf32, #tpu.memory_space<vmem_shared>> -> memref<3128x32xf32, #tpu.memory_space<vmem_shared>>
      %dma_wait3A_137 = arith.constant 0 : i32
      %dma_wait3A_138 = tpu.memref_slice %arg4[%mul3A_0, %dma_wait3A_137] : memref<50048x32xf32, #tpu.memory_space<hbm>> -> memref<3128x32xf32, #tpu.memory_space<hbm>>
      tpu.wait_dma2 semaphore(%run_scoped3A_130 : memref<!tpu.dma_semaphore, #tpu.memory_space<semaphore_mem>>) src(%dma_wait3A_138 : memref<3128x32xf32, #tpu.memory_space<hbm>>) dst(%dma_wait3A_136 : memref<3128x32xf32, #tpu.memory_space<vmem_shared>>)
      tpu.yield
    }) : () -> ()
    %barrier3A = arith.constant 0 : index
    tpu.barrier barrier_id(%barrier3A)
    %mul3A_3 = arith.constant 396 : i32
    %mul3A_4 = arith.muli %arg1, %mul3A_3 : i32
    %add3A = arith.constant 0 : i32
    %add3A_5 = arith.addi %mul3A_4, %add3A : i32
    %run_scoped3A = arith.constant 0 : i32
    "tpu.region"() ({
      %run_scoped3A_130 = tpu.sem_alloc : memref<!tpu.dma_semaphore, #tpu.memory_space<semaphore_mem>>
      %dma_start3A_131 = arith.constant 0 : i32
      %dma_start3A_132 = arith.constant 0 : i32
      %dma_start3A_133 = arith.constant 0 : i32
      %dma_start3A_134 = tpu.memref_slice %arg7[%run_scoped3A, %dma_start3A_131, %dma_start3A_132, %dma_start3A_133] : memref<2x3x2x128xi32, #tpu.memory_space<vmem>> -> memref<1x3x2x128xi32, #tpu.memory_space<vmem>>
      %dma_start3A_135 = tpu.memref_squeeze %dma_start3A_134 : memref<1x3x2x128xi32, #tpu.memory_space<vmem>> -> memref<3x2x128xi32, #tpu.memory_space<vmem>>
      %dma_start3A_136 = arith.constant 0 : i32
      %dma_start3A_137 = arith.constant 0 : i32
      %dma_start3A_138 = tpu.memref_slice %arg3[%add3A_5, %dma_start3A_136, %dma_start3A_137] : memref<6336x2x128xi32, #tpu.memory_space<hbm>> -> memref<3x2x128xi32, #tpu.memory_space<hbm>>
      %dma_start3A_139 = arith.constant 0 : i32
      %dma_start3A_140 = arith.constant 0 : i32
      %dma_start3A_141 = arith.constant 0 : i32
      %dma_start3A_142 = tpu.memref_slice %arg7[%run_scoped3A, %dma_start3A_139, %dma_start3A_140, %dma_start3A_141] : memref<2x3x2x128xi32, #tpu.memory_space<vmem>> -> memref<1x3x2x128xi32, #tpu.memory_space<vmem>>
      %dma_start3A_143 = tpu.memref_squeeze %dma_start3A_142 : memref<1x3x2x128xi32, #tpu.memory_space<vmem>> -> memref<3x2x128xi32, #tpu.memory_space<vmem>>
      %dma_start3A_144 = arith.constant 0 : i32
      %dma_start3A_145 = arith.constant 0 : i32
      %dma_start3A_146 = tpu.memref_slice %arg3[%add3A_5, %dma_start3A_144, %dma_start3A_145] : memref<6336x2x128xi32, #tpu.memory_space<hbm>> -> memref<3x2x128xi32, #tpu.memory_space<hbm>>
      tpu.enqueue_dma source(%dma_start3A_146 : memref<3x2x128xi32, #tpu.memory_space<hbm>>) target(%dma_start3A_143 : memref<3x2x128xi32, #tpu.memory_space<vmem>>) target_semaphore(%run_scoped3A_130 : memref<!tpu.dma_semaphore, #tpu.memory_space<semaphore_mem>>)
      %dma_wait3A_147 = arith.constant 0 : i32
      %dma_wait3A_148 = arith.constant 0 : i32
      %dma_wait3A_149 = arith.constant 0 : i32
      %dma_wait3A_150 = tpu.memref_slice %arg7[%run_scoped3A, %dma_wait3A_147, %dma_wait3A_148, %dma_wait3A_149] : memref<2x3x2x128xi32, #tpu.memory_space<vmem>> -> memref<1x3x2x128xi32, #tpu.memory_space<vmem>>
      %dma_wait3A_151 = tpu.memref_squeeze %dma_wait3A_150 : memref<1x3x2x128xi32, #tpu.memory_space<vmem>> -> memref<3x2x128xi32, #tpu.memory_space<vmem>>
      %dma_wait3A_152 = arith.constant 0 : i32
      %dma_wait3A_153 = arith.constant 0 : i32
      %dma_wait3A_154 = tpu.memref_slice %arg3[%add3A_5, %dma_wait3A_152, %dma_wait3A_153] : memref<6336x2x128xi32, #tpu.memory_space<hbm>> -> memref<3x2x128xi32, #tpu.memory_space<hbm>>
      %dma_wait3A_155 = arith.constant 0 : i32
      %dma_wait3A_156 = arith.constant 0 : i32
      %dma_wait3A_157 = arith.constant 0 : i32
      %dma_wait3A_158 = tpu.memref_slice %arg7[%run_scoped3A, %dma_wait3A_155, %dma_wait3A_156, %dma_wait3A_157] : memref<2x3x2x128xi32, #tpu.memory_space<vmem>> -> memref<1x3x2x128xi32, #tpu.memory_space<vmem>>
      %dma_wait3A_159 = tpu.memref_squeeze %dma_wait3A_158 : memref<1x3x2x128xi32, #tpu.memory_space<vmem>> -> memref<3x2x128xi32, #tpu.memory_space<vmem>>
      %dma_wait3A_160 = arith.constant 0 : i32
      %dma_wait3A_161 = arith.constant 0 : i32
      %dma_wait3A_162 = tpu.memref_slice %arg3[%add3A_5, %dma_wait3A_160, %dma_wait3A_161] : memref<6336x2x128xi32, #tpu.memory_space<hbm>> -> memref<3x2x128xi32, #tpu.memory_space<hbm>>
      tpu.wait_dma2 semaphore(%run_scoped3A_130 : memref<!tpu.dma_semaphore, #tpu.memory_space<semaphore_mem>>) src(%dma_wait3A_162 : memref<3x2x128xi32, #tpu.memory_space<hbm>>) dst(%dma_wait3A_159 : memref<3x2x128xi32, #tpu.memory_space<vmem>>)
      tpu.yield
    }) : () -> ()
    %dma_start3A = arith.constant 0 : i32
    %dma_start3A_6 = arith.constant 0 : i32
    %dma_start3A_7 = arith.constant 0 : i32
    %dma_start3A_8 = arith.constant 0 : i32
    %dma_start3A_9 = arith.constant 0 : i32
    %dma_start3A_10 = arith.constant 0 : i32
    %dma_start3A_11 = arith.constant 0 : i32
    %dma_start3A_12 = tpu.memref_slice %arg8[%dma_start3A_8, %dma_start3A_10, %dma_start3A_11] : memref<2x384x32xf32, #tpu.memory_space<vmem>> -> memref<1x128x32xf32, #tpu.memory_space<vmem>>
    %dma_start3A_13 = tpu.memref_squeeze %dma_start3A_12 : memref<1x128x32xf32, #tpu.memory_space<vmem>> -> memref<128x32xf32, #tpu.memory_space<vmem>>
    %dma_start3A_14 = arith.constant 0 : i32
    %dma_start3A_15 = tpu.memref_slice %arg7[%dma_start3A, %dma_start3A_6, %dma_start3A_7, %dma_start3A_14] : memref<2x3x2x128xi32, #tpu.memory_space<vmem>> -> memref<1x1x1x128xi32, #tpu.memory_space<vmem>>
    %dma_start3A_16 = tpu.memref_squeeze %dma_start3A_15 : memref<1x1x1x128xi32, #tpu.memory_space<vmem>> -> memref<128xi32, #tpu.memory_space<vmem>>
    %dma_start3A_17 = arith.constant 0 : i32
    %dma_start3A_18 = arith.constant 0 : i32
    %dma_start3A_19 = tpu.memref_slice %arg2[%arg0, %dma_start3A_17, %dma_start3A_18] : memref<2x50000x32xf32, #tpu.memory_space<hbm>> -> memref<1x50000x32xf32, #tpu.memory_space<hbm>>
    %dma_start3A_20 = tpu.memref_squeeze %dma_start3A_19 : memref<1x50000x32xf32, #tpu.memory_space<hbm>> -> memref<50000x32xf32, #tpu.memory_space<hbm>>
    %dma_start3A_21 = arith.constant 0 : i32
    %dma_start3A_22 = arith.constant 0 : i32
    %dma_start3A_23 = tpu.memref_slice %dma_start3A_20[%dma_start3A_21, %dma_start3A_22] : memref<50000x32xf32, #tpu.memory_space<hbm>> -> memref<50000x32xf32, #tpu.memory_space<hbm>>
    %dma_start3A_24 = tpu.memref_slice %arg9[%dma_start3A_9] : memref<2x!tpu.dma_semaphore, #tpu.memory_space<semaphore_mem>> -> memref<1x!tpu.dma_semaphore, #tpu.memory_space<semaphore_mem>>
    %dma_start3A_25 = tpu.memref_squeeze %dma_start3A_24 : memref<1x!tpu.dma_semaphore, #tpu.memory_space<semaphore_mem>> -> memref<!tpu.dma_semaphore, #tpu.memory_space<semaphore_mem>>
    tpu.enqueue_indirect_dma source(%dma_start3A_23 : memref<50000x32xf32, #tpu.memory_space<hbm>>) target(%dma_start3A_13 : memref<128x32xf32, #tpu.memory_space<vmem>>) offsets(%dma_start3A_16 : memref<128xi32, #tpu.memory_space<vmem>>) semaphore(%dma_start3A_25 : memref<!tpu.dma_semaphore, #tpu.memory_space<semaphore_mem>>)
    %dma_start3A_26 = arith.constant 0 : i32
    %dma_start3A_27 = arith.constant 1 : i32
    %dma_start3A_28 = arith.constant 0 : i32
    %dma_start3A_29 = arith.constant 0 : i32
    %dma_start3A_30 = arith.constant 0 : i32
    %dma_start3A_31 = arith.constant 128 : i32
    %dma_start3A_32 = arith.constant 0 : i32
    %dma_start3A_33 = tpu.memref_slice %arg8[%dma_start3A_29, %dma_start3A_31, %dma_start3A_32] : memref<2x384x32xf32, #tpu.memory_space<vmem>> -> memref<1x128x32xf32, #tpu.memory_space<vmem>>
    %dma_start3A_34 = tpu.memref_squeeze %dma_start3A_33 : memref<1x128x32xf32, #tpu.memory_space<vmem>> -> memref<128x32xf32, #tpu.memory_space<vmem>>
    %dma_start3A_35 = arith.constant 0 : i32
    %dma_start3A_36 = tpu.memref_slice %arg7[%dma_start3A_26, %dma_start3A_27, %dma_start3A_28, %dma_start3A_35] : memref<2x3x2x128xi32, #tpu.memory_space<vmem>> -> memref<1x1x1x128xi32, #tpu.memory_space<vmem>>
    %dma_start3A_37 = tpu.memref_squeeze %dma_start3A_36 : memref<1x1x1x128xi32, #tpu.memory_space<vmem>> -> memref<128xi32, #tpu.memory_space<vmem>>
    %dma_start3A_38 = arith.constant 0 : i32
    %dma_start3A_39 = arith.constant 0 : i32
    %dma_start3A_40 = tpu.memref_slice %arg2[%arg0, %dma_start3A_38, %dma_start3A_39] : memref<2x50000x32xf32, #tpu.memory_space<hbm>> -> memref<1x50000x32xf32, #tpu.memory_space<hbm>>
    %dma_start3A_41 = tpu.memref_squeeze %dma_start3A_40 : memref<1x50000x32xf32, #tpu.memory_space<hbm>> -> memref<50000x32xf32, #tpu.memory_space<hbm>>
    %dma_start3A_42 = arith.constant 0 : i32
    %dma_start3A_43 = arith.constant 0 : i32
    %dma_start3A_44 = tpu.memref_slice %dma_start3A_41[%dma_start3A_42, %dma_start3A_43] : memref<50000x32xf32, #tpu.memory_space<hbm>> -> memref<50000x32xf32, #tpu.memory_space<hbm>>
    %dma_start3A_45 = tpu.memref_slice %arg9[%dma_start3A_30] : memref<2x!tpu.dma_semaphore, #tpu.memory_space<semaphore_mem>> -> memref<1x!tpu.dma_semaphore, #tpu.memory_space<semaphore_mem>>
    %dma_start3A_46 = tpu.memref_squeeze %dma_start3A_45 : memref<1x!tpu.dma_semaphore, #tpu.memory_space<semaphore_mem>> -> memref<!tpu.dma_semaphore, #tpu.memory_space<semaphore_mem>>
    tpu.enqueue_indirect_dma source(%dma_start3A_44 : memref<50000x32xf32, #tpu.memory_space<hbm>>) target(%dma_start3A_34 : memref<128x32xf32, #tpu.memory_space<vmem>>) offsets(%dma_start3A_37 : memref<128xi32, #tpu.memory_space<vmem>>) semaphore(%dma_start3A_46 : memref<!tpu.dma_semaphore, #tpu.memory_space<semaphore_mem>>)
    %dma_start3A_47 = arith.constant 0 : i32
    %dma_start3A_48 = arith.constant 2 : i32
    %dma_start3A_49 = arith.constant 0 : i32
    %dma_start3A_50 = arith.constant 0 : i32
    %dma_start3A_51 = arith.constant 0 : i32
    %dma_start3A_52 = arith.constant 256 : i32
    %dma_start3A_53 = arith.constant 0 : i32
    %dma_start3A_54 = tpu.memref_slice %arg8[%dma_start3A_50, %dma_start3A_52, %dma_start3A_53] : memref<2x384x32xf32, #tpu.memory_space<vmem>> -> memref<1x128x32xf32, #tpu.memory_space<vmem>>
    %dma_start3A_55 = tpu.memref_squeeze %dma_start3A_54 : memref<1x128x32xf32, #tpu.memory_space<vmem>> -> memref<128x32xf32, #tpu.memory_space<vmem>>
    %dma_start3A_56 = arith.constant 0 : i32
    %dma_start3A_57 = tpu.memref_slice %arg7[%dma_start3A_47, %dma_start3A_48, %dma_start3A_49, %dma_start3A_56] : memref<2x3x2x128xi32, #tpu.memory_space<vmem>> -> memref<1x1x1x128xi32, #tpu.memory_space<vmem>>
    %dma_start3A_58 = tpu.memref_squeeze %dma_start3A_57 : memref<1x1x1x128xi32, #tpu.memory_space<vmem>> -> memref<128xi32, #tpu.memory_space<vmem>>
    %dma_start3A_59 = arith.constant 0 : i32
    %dma_start3A_60 = arith.constant 0 : i32
    %dma_start3A_61 = tpu.memref_slice %arg2[%arg0, %dma_start3A_59, %dma_start3A_60] : memref<2x50000x32xf32, #tpu.memory_space<hbm>> -> memref<1x50000x32xf32, #tpu.memory_space<hbm>>
    %dma_start3A_62 = tpu.memref_squeeze %dma_start3A_61 : memref<1x50000x32xf32, #tpu.memory_space<hbm>> -> memref<50000x32xf32, #tpu.memory_space<hbm>>
    %dma_start3A_63 = arith.constant 0 : i32
    %dma_start3A_64 = arith.constant 0 : i32
    %dma_start3A_65 = tpu.memref_slice %dma_start3A_62[%dma_start3A_63, %dma_start3A_64] : memref<50000x32xf32, #tpu.memory_space<hbm>> -> memref<50000x32xf32, #tpu.memory_space<hbm>>
    %dma_start3A_66 = tpu.memref_slice %arg9[%dma_start3A_51] : memref<2x!tpu.dma_semaphore, #tpu.memory_space<semaphore_mem>> -> memref<1x!tpu.dma_semaphore, #tpu.memory_space<semaphore_mem>>
    %dma_start3A_67 = tpu.memref_squeeze %dma_start3A_66 : memref<1x!tpu.dma_semaphore, #tpu.memory_space<semaphore_mem>> -> memref<!tpu.dma_semaphore, #tpu.memory_space<semaphore_mem>>
    tpu.enqueue_indirect_dma source(%dma_start3A_65 : memref<50000x32xf32, #tpu.memory_space<hbm>>) target(%dma_start3A_55 : memref<128x32xf32, #tpu.memory_space<vmem>>) offsets(%dma_start3A_58 : memref<128xi32, #tpu.memory_space<vmem>>) semaphore(%dma_start3A_67 : memref<!tpu.dma_semaphore, #tpu.memory_space<semaphore_mem>>)
    %scan3A = arith.constant 0 : i32
    %scan3A_68 = arith.constant 0 : i32
    %scan3A_69 = arith.constant 132 : i32
    %scan3A_70 = arith.addi %scan3A_68, %scan3A_69 : i32
    %scan3A_71 = arith.constant 1 : i32
    scf.for %scan3A_130 = %scan3A_68 to %scan3A_70 step %scan3A_71  : i32 {
      %jit3A = arith.constant 2 : i32
      %eq3A_131 = arith.constant 0 : i32
      %eq3A_132 = arith.cmpi eq, %jit3A, %eq3A_131 : i32
      %jit3A_133 = arith.constant 1 : i32
      %select_n3A = arith.select %eq3A_132, %jit3A_133, %jit3A : i32
      %rem3A = arith.remsi %scan3A_130, %select_n3A : i32
      %ne3A = arith.constant 0 : i32
      %ne3A_134 = arith.cmpi ne, %rem3A, %ne3A : i32
      %lt3A_135 = arith.constant 0 : i32
      %lt3A_136 = arith.cmpi slt, %rem3A, %lt3A_135 : i32
      %lt3A_137 = arith.constant 0 : i32
      %lt3A_138 = arith.cmpi slt, %select_n3A, %lt3A_137 : i32
      %ne3A_139 = arith.xori %lt3A_136, %lt3A_138 : i1
      %and3A = arith.andi %ne3A_139, %ne3A_134 : i1
      %add3A_140 = arith.addi %rem3A, %select_n3A : i32
      %select_n3A_141 = arith.select %and3A, %add3A_140, %rem3A : i32
      %sub3A = arith.constant 1 : i32
      %sub3A_142 = arith.subi %sub3A, %select_n3A_141 : i32
      %ge3A = arith.constant 1 : i32
      %ge3A_143 = arith.cmpi sge, %scan3A_130, %ge3A : i32
      %convert_element_type3A_144 = arith.extui %ge3A_143 : i1 to i32
      %cond3A_145 = arith.constant 0 : i32
      %cond3A_146 = arith.cmpi ne, %convert_element_type3A_144, %cond3A_145 : i32
      scf.if %cond3A_146 {
        %dma_wait3A_250 = arith.constant 0 : i32
        %dma_wait3A_251 = arith.constant 1 : i32
        %dma_wait3A_252 = arith.constant 0 : i32
        %dma_wait3A_253 = arith.constant 0 : i32
        %dma_wait3A_254 = tpu.memref_slice %arg8[%sub3A_142, %dma_wait3A_252, %dma_wait3A_253] : memref<2x384x32xf32, #tpu.memory_space<vmem>> -> memref<1x128x32xf32, #tpu.memory_space<vmem>>
        %dma_wait3A_255 = tpu.memref_squeeze %dma_wait3A_254 : memref<1x128x32xf32, #tpu.memory_space<vmem>> -> memref<128x32xf32, #tpu.memory_space<vmem>>
        %dma_wait3A_256 = arith.constant 0 : i32
        %dma_wait3A_257 = tpu.memref_slice %arg7[%sub3A_142, %dma_wait3A_250, %dma_wait3A_251, %dma_wait3A_256] : memref<2x3x2x128xi32, #tpu.memory_space<vmem>> -> memref<1x1x1x128xi32, #tpu.memory_space<vmem>>
        %dma_wait3A_258 = tpu.memref_squeeze %dma_wait3A_257 : memref<1x1x1x128xi32, #tpu.memory_space<vmem>> -> memref<128xi32, #tpu.memory_space<vmem>>
        %dma_wait3A_259 = arith.constant 0 : i32
        %dma_wait3A_260 = arith.constant 0 : i32
        %dma_wait3A_261 = tpu.memref_slice %arg6[%dma_wait3A_259, %dma_wait3A_260] : memref<50048x32xf32, #tpu.memory_space<vmem_shared>> -> memref<50048x32xf32, #tpu.memory_space<vmem_shared>>
        %dma_wait3A_262 = tpu.memref_slice %arg10[%sub3A_142] : memref<2x!tpu.dma_semaphore, #tpu.memory_space<semaphore_mem>> -> memref<1x!tpu.dma_semaphore, #tpu.memory_space<semaphore_mem>>
        %dma_wait3A_263 = tpu.memref_squeeze %dma_wait3A_262 : memref<1x!tpu.dma_semaphore, #tpu.memory_space<semaphore_mem>> -> memref<!tpu.dma_semaphore, #tpu.memory_space<semaphore_mem>>
        tpu.wait_indirect_dma semaphore(%dma_wait3A_263 : memref<!tpu.dma_semaphore, #tpu.memory_space<semaphore_mem>>) src(%dma_wait3A_255 : memref<128x32xf32, #tpu.memory_space<vmem>>) dst(%dma_wait3A_261 : memref<50048x32xf32, #tpu.memory_space<vmem_shared>>)
        %dma_wait3A_264 = arith.constant 1 : i32
        %dma_wait3A_265 = arith.constant 1 : i32
        %dma_wait3A_266 = arith.constant 128 : i32
        %dma_wait3A_267 = arith.constant 0 : i32
        %dma_wait3A_268 = tpu.memref_slice %arg8[%sub3A_142, %dma_wait3A_266, %dma_wait3A_267] : memref<2x384x32xf32, #tpu.memory_space<vmem>> -> memref<1x128x32xf32, #tpu.memory_space<vmem>>
        %dma_wait3A_269 = tpu.memref_squeeze %dma_wait3A_268 : memref<1x128x32xf32, #tpu.memory_space<vmem>> -> memref<128x32xf32, #tpu.memory_space<vmem>>
        %dma_wait3A_270 = arith.constant 0 : i32
        %dma_wait3A_271 = tpu.memref_slice %arg7[%sub3A_142, %dma_wait3A_264, %dma_wait3A_265, %dma_wait3A_270] : memref<2x3x2x128xi32, #tpu.memory_space<vmem>> -> memref<1x1x1x128xi32, #tpu.memory_space<vmem>>
        %dma_wait3A_272 = tpu.memref_squeeze %dma_wait3A_271 : memref<1x1x1x128xi32, #tpu.memory_space<vmem>> -> memref<128xi32, #tpu.memory_space<vmem>>
        %dma_wait3A_273 = arith.constant 0 : i32
        %dma_wait3A_274 = arith.constant 0 : i32
        %dma_wait3A_275 = tpu.memref_slice %arg6[%dma_wait3A_273, %dma_wait3A_274] : memref<50048x32xf32, #tpu.memory_space<vmem_shared>> -> memref<50048x32xf32, #tpu.memory_space<vmem_shared>>
        %dma_wait3A_276 = tpu.memref_slice %arg10[%sub3A_142] : memref<2x!tpu.dma_semaphore, #tpu.memory_space<semaphore_mem>> -> memref<1x!tpu.dma_semaphore, #tpu.memory_space<semaphore_mem>>
        %dma_wait3A_277 = tpu.memref_squeeze %dma_wait3A_276 : memref<1x!tpu.dma_semaphore, #tpu.memory_space<semaphore_mem>> -> memref<!tpu.dma_semaphore, #tpu.memory_space<semaphore_mem>>
        tpu.wait_indirect_dma semaphore(%dma_wait3A_277 : memref<!tpu.dma_semaphore, #tpu.memory_space<semaphore_mem>>) src(%dma_wait3A_269 : memref<128x32xf32, #tpu.memory_space<vmem>>) dst(%dma_wait3A_275 : memref<50048x32xf32, #tpu.memory_space<vmem_shared>>)
        %dma_wait3A_278 = arith.constant 2 : i32
        %dma_wait3A_279 = arith.constant 1 : i32
        %dma_wait3A_280 = arith.constant 256 : i32
        %dma_wait3A_281 = arith.constant 0 : i32
        %dma_wait3A_282 = tpu.memref_slice %arg8[%sub3A_142, %dma_wait3A_280, %dma_wait3A_281] : memref<2x384x32xf32, #tpu.memory_space<vmem>> -> memref<1x128x32xf32, #tpu.memory_space<vmem>>
        %dma_wait3A_283 = tpu.memref_squeeze %dma_wait3A_282 : memref<1x128x32xf32, #tpu.memory_space<vmem>> -> memref<128x32xf32, #tpu.memory_space<vmem>>
        %dma_wait3A_284 = arith.constant 0 : i32
        %dma_wait3A_285 = tpu.memref_slice %arg7[%sub3A_142, %dma_wait3A_278, %dma_wait3A_279, %dma_wait3A_284] : memref<2x3x2x128xi32, #tpu.memory_space<vmem>> -> memref<1x1x1x128xi32, #tpu.memory_space<vmem>>
        %dma_wait3A_286 = tpu.memref_squeeze %dma_wait3A_285 : memref<1x1x1x128xi32, #tpu.memory_space<vmem>> -> memref<128xi32, #tpu.memory_space<vmem>>
        %dma_wait3A_287 = arith.constant 0 : i32
        %dma_wait3A_288 = arith.constant 0 : i32
        %dma_wait3A_289 = tpu.memref_slice %arg6[%dma_wait3A_287, %dma_wait3A_288] : memref<50048x32xf32, #tpu.memory_space<vmem_shared>> -> memref<50048x32xf32, #tpu.memory_space<vmem_shared>>
        %dma_wait3A_290 = tpu.memref_slice %arg10[%sub3A_142] : memref<2x!tpu.dma_semaphore, #tpu.memory_space<semaphore_mem>> -> memref<1x!tpu.dma_semaphore, #tpu.memory_space<semaphore_mem>>
        %dma_wait3A_291 = tpu.memref_squeeze %dma_wait3A_290 : memref<1x!tpu.dma_semaphore, #tpu.memory_space<semaphore_mem>> -> memref<!tpu.dma_semaphore, #tpu.memory_space<semaphore_mem>>
        tpu.wait_indirect_dma semaphore(%dma_wait3A_291 : memref<!tpu.dma_semaphore, #tpu.memory_space<semaphore_mem>>) src(%dma_wait3A_283 : memref<128x32xf32, #tpu.memory_space<vmem>>) dst(%dma_wait3A_289 : memref<50048x32xf32, #tpu.memory_space<vmem_shared>>)
      } else {
      }
      %add3A_147 = arith.constant 1 : i32
      %add3A_148 = arith.addi %scan3A_130, %add3A_147 : i32
      %lt3A_149 = arith.constant 132 : i32
      %lt3A_150 = arith.cmpi slt, %add3A_148, %lt3A_149 : i32
      %convert_element_type3A_151 = arith.extui %lt3A_150 : i1 to i32
      %cond3A_152 = arith.constant 0 : i32
      %cond3A_153 = arith.cmpi ne, %convert_element_type3A_151, %cond3A_152 : i32
      scf.if %cond3A_153 {
        %add3A_250 = arith.constant 1 : i32
        %add3A_251 = arith.addi %scan3A_130, %add3A_250 : i32
        %mul3A_252 = arith.constant 3 : i32
        %mul3A_253 = arith.muli %add3A_251, %mul3A_252 : i32
        %add3A_254 = arith.addi %mul3A_4, %mul3A_253 : i32
        "tpu.region"() ({
          %run_scoped3A_309 = tpu.sem_alloc : memref<!tpu.dma_semaphore, #tpu.memory_space<semaphore_mem>>
          %dma_start3A_310 = arith.constant 0 : i32
          %dma_start3A_311 = arith.constant 0 : i32
          %dma_start3A_312 = arith.constant 0 : i32
          %dma_start3A_313 = tpu.memref_slice %arg7[%sub3A_142, %dma_start3A_310, %dma_start3A_311, %dma_start3A_312] : memref<2x3x2x128xi32, #tpu.memory_space<vmem>> -> memref<1x3x2x128xi32, #tpu.memory_space<vmem>>
          %dma_start3A_314 = tpu.memref_squeeze %dma_start3A_313 : memref<1x3x2x128xi32, #tpu.memory_space<vmem>> -> memref<3x2x128xi32, #tpu.memory_space<vmem>>
          %dma_start3A_315 = arith.constant 0 : i32
          %dma_start3A_316 = arith.constant 0 : i32
          %dma_start3A_317 = tpu.memref_slice %arg3[%add3A_254, %dma_start3A_315, %dma_start3A_316] : memref<6336x2x128xi32, #tpu.memory_space<hbm>> -> memref<3x2x128xi32, #tpu.memory_space<hbm>>
          %dma_start3A_318 = arith.constant 0 : i32
          %dma_start3A_319 = arith.constant 0 : i32
          %dma_start3A_320 = arith.constant 0 : i32
          %dma_start3A_321 = tpu.memref_slice %arg7[%sub3A_142, %dma_start3A_318, %dma_start3A_319, %dma_start3A_320] : memref<2x3x2x128xi32, #tpu.memory_space<vmem>> -> memref<1x3x2x128xi32, #tpu.memory_space<vmem>>
          %dma_start3A_322 = tpu.memref_squeeze %dma_start3A_321 : memref<1x3x2x128xi32, #tpu.memory_space<vmem>> -> memref<3x2x128xi32, #tpu.memory_space<vmem>>
          %dma_start3A_323 = arith.constant 0 : i32
          %dma_start3A_324 = arith.constant 0 : i32
          %dma_start3A_325 = tpu.memref_slice %arg3[%add3A_254, %dma_start3A_323, %dma_start3A_324] : memref<6336x2x128xi32, #tpu.memory_space<hbm>> -> memref<3x2x128xi32, #tpu.memory_space<hbm>>
          tpu.enqueue_dma source(%dma_start3A_325 : memref<3x2x128xi32, #tpu.memory_space<hbm>>) target(%dma_start3A_322 : memref<3x2x128xi32, #tpu.memory_space<vmem>>) target_semaphore(%run_scoped3A_309 : memref<!tpu.dma_semaphore, #tpu.memory_space<semaphore_mem>>)
          %dma_wait3A_326 = arith.constant 0 : i32
          %dma_wait3A_327 = arith.constant 0 : i32
          %dma_wait3A_328 = arith.constant 0 : i32
          %dma_wait3A_329 = tpu.memref_slice %arg7[%sub3A_142, %dma_wait3A_326, %dma_wait3A_327, %dma_wait3A_328] : memref<2x3x2x128xi32, #tpu.memory_space<vmem>> -> memref<1x3x2x128xi32, #tpu.memory_space<vmem>>
          %dma_wait3A_330 = tpu.memref_squeeze %dma_wait3A_329 : memref<1x3x2x128xi32, #tpu.memory_space<vmem>> -> memref<3x2x128xi32, #tpu.memory_space<vmem>>
          %dma_wait3A_331 = arith.constant 0 : i32
          %dma_wait3A_332 = arith.constant 0 : i32
          %dma_wait3A_333 = tpu.memref_slice %arg3[%add3A_254, %dma_wait3A_331, %dma_wait3A_332] : memref<6336x2x128xi32, #tpu.memory_space<hbm>> -> memref<3x2x128xi32, #tpu.memory_space<hbm>>
          %dma_wait3A_334 = arith.constant 0 : i32
          %dma_wait3A_335 = arith.constant 0 : i32
          %dma_wait3A_336 = arith.constant 0 : i32
          %dma_wait3A_337 = tpu.memref_slice %arg7[%sub3A_142, %dma_wait3A_334, %dma_wait3A_335, %dma_wait3A_336] : memref<2x3x2x128xi32, #tpu.memory_space<vmem>> -> memref<1x3x2x128xi32, #tpu.memory_space<vmem>>
          %dma_wait3A_338 = tpu.memref_squeeze %dma_wait3A_337 : memref<1x3x2x128xi32, #tpu.memory_space<vmem>> -> memref<3x2x128xi32, #tpu.memory_space<vmem>>
          %dma_wait3A_339 = arith.constant 0 : i32
          %dma_wait3A_340 = arith.constant 0 : i32
          %dma_wait3A_341 = tpu.memref_slice %arg3[%add3A_254, %dma_wait3A_339, %dma_wait3A_340] : memref<6336x2x128xi32, #tpu.memory_space<hbm>> -> memref<3x2x128xi32, #tpu.memory_space<hbm>>
          tpu.wait_dma2 semaphore(%run_scoped3A_309 : memref<!tpu.dma_semaphore, #tpu.memory_space<semaphore_mem>>) src(%dma_wait3A_341 : memref<3x2x128xi32, #tpu.memory_space<hbm>>) dst(%dma_wait3A_338 : memref<3x2x128xi32, #tpu.memory_space<vmem>>)
          tpu.yield
        }) : () -> ()
        %dma_start3A_255 = arith.constant 0 : i32
        %dma_start3A_256 = arith.constant 0 : i32
        %dma_start3A_257 = arith.constant 0 : i32
        %dma_start3A_258 = arith.constant 0 : i32
        %dma_start3A_259 = tpu.memref_slice %arg8[%sub3A_142, %dma_start3A_257, %dma_start3A_258] : memref<2x384x32xf32, #tpu.memory_space<vmem>> -> memref<1x128x32xf32, #tpu.memory_space<vmem>>
        %dma_start3A_260 = tpu.memref_squeeze %dma_start3A_259 : memref<1x128x32xf32, #tpu.memory_space<vmem>> -> memref<128x32xf32, #tpu.memory_space<vmem>>
        %dma_start3A_261 = arith.constant 0 : i32
        %dma_start3A_262 = tpu.memref_slice %arg7[%sub3A_142, %dma_start3A_255, %dma_start3A_256, %dma_start3A_261] : memref<2x3x2x128xi32, #tpu.memory_space<vmem>> -> memref<1x1x1x128xi32, #tpu.memory_space<vmem>>
        %dma_start3A_263 = tpu.memref_squeeze %dma_start3A_262 : memref<1x1x1x128xi32, #tpu.memory_space<vmem>> -> memref<128xi32, #tpu.memory_space<vmem>>
        %dma_start3A_264 = arith.constant 0 : i32
        %dma_start3A_265 = arith.constant 0 : i32
        %dma_start3A_266 = tpu.memref_slice %arg2[%arg0, %dma_start3A_264, %dma_start3A_265] : memref<2x50000x32xf32, #tpu.memory_space<hbm>> -> memref<1x50000x32xf32, #tpu.memory_space<hbm>>
        %dma_start3A_267 = tpu.memref_squeeze %dma_start3A_266 : memref<1x50000x32xf32, #tpu.memory_space<hbm>> -> memref<50000x32xf32, #tpu.memory_space<hbm>>
        %dma_start3A_268 = arith.constant 0 : i32
        %dma_start3A_269 = arith.constant 0 : i32
        %dma_start3A_270 = tpu.memref_slice %dma_start3A_267[%dma_start3A_268, %dma_start3A_269] : memref<50000x32xf32, #tpu.memory_space<hbm>> -> memref<50000x32xf32, #tpu.memory_space<hbm>>
        %dma_start3A_271 = tpu.memref_slice %arg9[%sub3A_142] : memref<2x!tpu.dma_semaphore, #tpu.memory_space<semaphore_mem>> -> memref<1x!tpu.dma_semaphore, #tpu.memory_space<semaphore_mem>>
        %dma_start3A_272 = tpu.memref_squeeze %dma_start3A_271 : memref<1x!tpu.dma_semaphore, #tpu.memory_space<semaphore_mem>> -> memref<!tpu.dma_semaphore, #tpu.memory_space<semaphore_mem>>
        tpu.enqueue_indirect_dma source(%dma_start3A_270 : memref<50000x32xf32, #tpu.memory_space<hbm>>) target(%dma_start3A_260 : memref<128x32xf32, #tpu.memory_space<vmem>>) offsets(%dma_start3A_263 : memref<128xi32, #tpu.memory_space<vmem>>) semaphore(%dma_start3A_272 : memref<!tpu.dma_semaphore, #tpu.memory_space<semaphore_mem>>)
        %dma_start3A_273 = arith.constant 1 : i32
        %dma_start3A_274 = arith.constant 0 : i32
        %dma_start3A_275 = arith.constant 128 : i32
        %dma_start3A_276 = arith.constant 0 : i32
        %dma_start3A_277 = tpu.memref_slice %arg8[%sub3A_142, %dma_start3A_275, %dma_start3A_276] : memref<2x384x32xf32, #tpu.memory_space<vmem>> -> memref<1x128x32xf32, #tpu.memory_space<vmem>>
        %dma_start3A_278 = tpu.memref_squeeze %dma_start3A_277 : memref<1x128x32xf32, #tpu.memory_space<vmem>> -> memref<128x32xf32, #tpu.memory_space<vmem>>
        %dma_start3A_279 = arith.constant 0 : i32
        %dma_start3A_280 = tpu.memref_slice %arg7[%sub3A_142, %dma_start3A_273, %dma_start3A_274, %dma_start3A_279] : memref<2x3x2x128xi32, #tpu.memory_space<vmem>> -> memref<1x1x1x128xi32, #tpu.memory_space<vmem>>
        %dma_start3A_281 = tpu.memref_squeeze %dma_start3A_280 : memref<1x1x1x128xi32, #tpu.memory_space<vmem>> -> memref<128xi32, #tpu.memory_space<vmem>>
        %dma_start3A_282 = arith.constant 0 : i32
        %dma_start3A_283 = arith.constant 0 : i32
        %dma_start3A_284 = tpu.memref_slice %arg2[%arg0, %dma_start3A_282, %dma_start3A_283] : memref<2x50000x32xf32, #tpu.memory_space<hbm>> -> memref<1x50000x32xf32, #tpu.memory_space<hbm>>
        %dma_start3A_285 = tpu.memref_squeeze %dma_start3A_284 : memref<1x50000x32xf32, #tpu.memory_space<hbm>> -> memref<50000x32xf32, #tpu.memory_space<hbm>>
        %dma_start3A_286 = arith.constant 0 : i32
        %dma_start3A_287 = arith.constant 0 : i32
        %dma_start3A_288 = tpu.memref_slice %dma_start3A_285[%dma_start3A_286, %dma_start3A_287] : memref<50000x32xf32, #tpu.memory_space<hbm>> -> memref<50000x32xf32, #tpu.memory_space<hbm>>
        %dma_start3A_289 = tpu.memref_slice %arg9[%sub3A_142] : memref<2x!tpu.dma_semaphore, #tpu.memory_space<semaphore_mem>> -> memref<1x!tpu.dma_semaphore, #tpu.memory_space<semaphore_mem>>
        %dma_start3A_290 = tpu.memref_squeeze %dma_start3A_289 : memref<1x!tpu.dma_semaphore, #tpu.memory_space<semaphore_mem>> -> memref<!tpu.dma_semaphore, #tpu.memory_space<semaphore_mem>>
        tpu.enqueue_indirect_dma source(%dma_start3A_288 : memref<50000x32xf32, #tpu.memory_space<hbm>>) target(%dma_start3A_278 : memref<128x32xf32, #tpu.memory_space<vmem>>) offsets(%dma_start3A_281 : memref<128xi32, #tpu.memory_space<vmem>>) semaphore(%dma_start3A_290 : memref<!tpu.dma_semaphore, #tpu.memory_space<semaphore_mem>>)
        %dma_start3A_291 = arith.constant 2 : i32
        %dma_start3A_292 = arith.constant 0 : i32
        %dma_start3A_293 = arith.constant 256 : i32
        %dma_start3A_294 = arith.constant 0 : i32
        %dma_start3A_295 = tpu.memref_slice %arg8[%sub3A_142, %dma_start3A_293, %dma_start3A_294] : memref<2x384x32xf32, #tpu.memory_space<vmem>> -> memref<1x128x32xf32, #tpu.memory_space<vmem>>
        %dma_start3A_296 = tpu.memref_squeeze %dma_start3A_295 : memref<1x128x32xf32, #tpu.memory_space<vmem>> -> memref<128x32xf32, #tpu.memory_space<vmem>>
        %dma_start3A_297 = arith.constant 0 : i32
        %dma_start3A_298 = tpu.memref_slice %arg7[%sub3A_142, %dma_start3A_291, %dma_start3A_292, %dma_start3A_297] : memref<2x3x2x128xi32, #tpu.memory_space<vmem>> -> memref<1x1x1x128xi32, #tpu.memory_space<vmem>>
        %dma_start3A_299 = tpu.memref_squeeze %dma_start3A_298 : memref<1x1x1x128xi32, #tpu.memory_space<vmem>> -> memref<128xi32, #tpu.memory_space<vmem>>
        %dma_start3A_300 = arith.constant 0 : i32
        %dma_start3A_301 = arith.constant 0 : i32
        %dma_start3A_302 = tpu.memref_slice %arg2[%arg0, %dma_start3A_300, %dma_start3A_301] : memref<2x50000x32xf32, #tpu.memory_space<hbm>> -> memref<1x50000x32xf32, #tpu.memory_space<hbm>>
        %dma_start3A_303 = tpu.memref_squeeze %dma_start3A_302 : memref<1x50000x32xf32, #tpu.memory_space<hbm>> -> memref<50000x32xf32, #tpu.memory_space<hbm>>
        %dma_start3A_304 = arith.constant 0 : i32
        %dma_start3A_305 = arith.constant 0 : i32
        %dma_start3A_306 = tpu.memref_slice %dma_start3A_303[%dma_start3A_304, %dma_start3A_305] : memref<50000x32xf32, #tpu.memory_space<hbm>> -> memref<50000x32xf32, #tpu.memory_space<hbm>>
        %dma_start3A_307 = tpu.memref_slice %arg9[%sub3A_142] : memref<2x!tpu.dma_semaphore, #tpu.memory_space<semaphore_mem>> -> memref<1x!tpu.dma_semaphore, #tpu.memory_space<semaphore_mem>>
        %dma_start3A_308 = tpu.memref_squeeze %dma_start3A_307 : memref<1x!tpu.dma_semaphore, #tpu.memory_space<semaphore_mem>> -> memref<!tpu.dma_semaphore, #tpu.memory_space<semaphore_mem>>
        tpu.enqueue_indirect_dma source(%dma_start3A_306 : memref<50000x32xf32, #tpu.memory_space<hbm>>) target(%dma_start3A_296 : memref<128x32xf32, #tpu.memory_space<vmem>>) offsets(%dma_start3A_299 : memref<128xi32, #tpu.memory_space<vmem>>) semaphore(%dma_start3A_308 : memref<!tpu.dma_semaphore, #tpu.memory_space<semaphore_mem>>)
      } else {
      }
      %dma_wait3A_154 = arith.constant 0 : i32
      %dma_wait3A_155 = arith.constant 0 : i32
      %dma_wait3A_156 = arith.constant 0 : i32
      %dma_wait3A_157 = arith.constant 0 : i32
      %dma_wait3A_158 = tpu.memref_slice %arg8[%select_n3A_141, %dma_wait3A_156, %dma_wait3A_157] : memref<2x384x32xf32, #tpu.memory_space<vmem>> -> memref<1x128x32xf32, #tpu.memory_space<vmem>>
      %dma_wait3A_159 = tpu.memref_squeeze %dma_wait3A_158 : memref<1x128x32xf32, #tpu.memory_space<vmem>> -> memref<128x32xf32, #tpu.memory_space<vmem>>
      %dma_wait3A_160 = arith.constant 0 : i32
      %dma_wait3A_161 = tpu.memref_slice %arg7[%select_n3A_141, %dma_wait3A_154, %dma_wait3A_155, %dma_wait3A_160] : memref<2x3x2x128xi32, #tpu.memory_space<vmem>> -> memref<1x1x1x128xi32, #tpu.memory_space<vmem>>
      %dma_wait3A_162 = tpu.memref_squeeze %dma_wait3A_161 : memref<1x1x1x128xi32, #tpu.memory_space<vmem>> -> memref<128xi32, #tpu.memory_space<vmem>>
      %dma_wait3A_163 = arith.constant 0 : i32
      %dma_wait3A_164 = arith.constant 0 : i32
      %dma_wait3A_165 = tpu.memref_slice %arg2[%arg0, %dma_wait3A_163, %dma_wait3A_164] : memref<2x50000x32xf32, #tpu.memory_space<hbm>> -> memref<1x50000x32xf32, #tpu.memory_space<hbm>>
      %dma_wait3A_166 = tpu.memref_squeeze %dma_wait3A_165 : memref<1x50000x32xf32, #tpu.memory_space<hbm>> -> memref<50000x32xf32, #tpu.memory_space<hbm>>
      %dma_wait3A_167 = arith.constant 0 : i32
      %dma_wait3A_168 = arith.constant 0 : i32
      %dma_wait3A_169 = tpu.memref_slice %dma_wait3A_166[%dma_wait3A_167, %dma_wait3A_168] : memref<50000x32xf32, #tpu.memory_space<hbm>> -> memref<50000x32xf32, #tpu.memory_space<hbm>>
      %dma_wait3A_170 = tpu.memref_slice %arg9[%select_n3A_141] : memref<2x!tpu.dma_semaphore, #tpu.memory_space<semaphore_mem>> -> memref<1x!tpu.dma_semaphore, #tpu.memory_space<semaphore_mem>>
      %dma_wait3A_171 = tpu.memref_squeeze %dma_wait3A_170 : memref<1x!tpu.dma_semaphore, #tpu.memory_space<semaphore_mem>> -> memref<!tpu.dma_semaphore, #tpu.memory_space<semaphore_mem>>
      tpu.wait_indirect_dma semaphore(%dma_wait3A_171 : memref<!tpu.dma_semaphore, #tpu.memory_space<semaphore_mem>>) src(%dma_wait3A_169 : memref<50000x32xf32, #tpu.memory_space<hbm>>) dst(%dma_wait3A_159 : memref<128x32xf32, #tpu.memory_space<vmem>>)
      %dma_start3A_172 = arith.constant 0 : i32
      %dma_start3A_173 = arith.constant 1 : i32
      %dma_start3A_174 = arith.constant 0 : i32
      %dma_start3A_175 = arith.constant 0 : i32
      %dma_start3A_176 = tpu.memref_slice %arg8[%select_n3A_141, %dma_start3A_174, %dma_start3A_175] : memref<2x384x32xf32, #tpu.memory_space<vmem>> -> memref<1x128x32xf32, #tpu.memory_space<vmem>>
      %dma_start3A_177 = tpu.memref_squeeze %dma_start3A_176 : memref<1x128x32xf32, #tpu.memory_space<vmem>> -> memref<128x32xf32, #tpu.memory_space<vmem>>
      %dma_start3A_178 = arith.constant 0 : i32
      %dma_start3A_179 = tpu.memref_slice %arg7[%select_n3A_141, %dma_start3A_172, %dma_start3A_173, %dma_start3A_178] : memref<2x3x2x128xi32, #tpu.memory_space<vmem>> -> memref<1x1x1x128xi32, #tpu.memory_space<vmem>>
      %dma_start3A_180 = tpu.memref_squeeze %dma_start3A_179 : memref<1x1x1x128xi32, #tpu.memory_space<vmem>> -> memref<128xi32, #tpu.memory_space<vmem>>
      %dma_start3A_181 = arith.constant 0 : i32
      %dma_start3A_182 = arith.constant 0 : i32
      %dma_start3A_183 = tpu.memref_slice %arg6[%dma_start3A_181, %dma_start3A_182] : memref<50048x32xf32, #tpu.memory_space<vmem_shared>> -> memref<50048x32xf32, #tpu.memory_space<vmem_shared>>
      %dma_start3A_184 = tpu.memref_slice %arg10[%select_n3A_141] : memref<2x!tpu.dma_semaphore, #tpu.memory_space<semaphore_mem>> -> memref<1x!tpu.dma_semaphore, #tpu.memory_space<semaphore_mem>>
      %dma_start3A_185 = tpu.memref_squeeze %dma_start3A_184 : memref<1x!tpu.dma_semaphore, #tpu.memory_space<semaphore_mem>> -> memref<!tpu.dma_semaphore, #tpu.memory_space<semaphore_mem>>
      tpu.enqueue_indirect_dma source(%dma_start3A_177 : memref<128x32xf32, #tpu.memory_space<vmem>>) target(%dma_start3A_183 : memref<50048x32xf32, #tpu.memory_space<vmem_shared>>) offsets(%dma_start3A_180 : memref<128xi32, #tpu.memory_space<vmem>>) semaphore(%dma_start3A_185 : memref<!tpu.dma_semaphore, #tpu.memory_space<semaphore_mem>>) {add = true}
      %dma_wait3A_186 = arith.constant 1 : i32
      %dma_wait3A_187 = arith.constant 0 : i32
      %dma_wait3A_188 = arith.constant 128 : i32
      %dma_wait3A_189 = arith.constant 0 : i32
      %dma_wait3A_190 = tpu.memref_slice %arg8[%select_n3A_141, %dma_wait3A_188, %dma_wait3A_189] : memref<2x384x32xf32, #tpu.memory_space<vmem>> -> memref<1x128x32xf32, #tpu.memory_space<vmem>>
      %dma_wait3A_191 = tpu.memref_squeeze %dma_wait3A_190 : memref<1x128x32xf32, #tpu.memory_space<vmem>> -> memref<128x32xf32, #tpu.memory_space<vmem>>
      %dma_wait3A_192 = arith.constant 0 : i32
      %dma_wait3A_193 = tpu.memref_slice %arg7[%select_n3A_141, %dma_wait3A_186, %dma_wait3A_187, %dma_wait3A_192] : memref<2x3x2x128xi32, #tpu.memory_space<vmem>> -> memref<1x1x1x128xi32, #tpu.memory_space<vmem>>
      %dma_wait3A_194 = tpu.memref_squeeze %dma_wait3A_193 : memref<1x1x1x128xi32, #tpu.memory_space<vmem>> -> memref<128xi32, #tpu.memory_space<vmem>>
      %dma_wait3A_195 = arith.constant 0 : i32
      %dma_wait3A_196 = arith.constant 0 : i32
      %dma_wait3A_197 = tpu.memref_slice %arg2[%arg0, %dma_wait3A_195, %dma_wait3A_196] : memref<2x50000x32xf32, #tpu.memory_space<hbm>> -> memref<1x50000x32xf32, #tpu.memory_space<hbm>>
      %dma_wait3A_198 = tpu.memref_squeeze %dma_wait3A_197 : memref<1x50000x32xf32, #tpu.memory_space<hbm>> -> memref<50000x32xf32, #tpu.memory_space<hbm>>
      %dma_wait3A_199 = arith.constant 0 : i32
      %dma_wait3A_200 = arith.constant 0 : i32
      %dma_wait3A_201 = tpu.memref_slice %dma_wait3A_198[%dma_wait3A_199, %dma_wait3A_200] : memref<50000x32xf32, #tpu.memory_space<hbm>> -> memref<50000x32xf32, #tpu.memory_space<hbm>>
      %dma_wait3A_202 = tpu.memref_slice %arg9[%select_n3A_141] : memref<2x!tpu.dma_semaphore, #tpu.memory_space<semaphore_mem>> -> memref<1x!tpu.dma_semaphore, #tpu.memory_space<semaphore_mem>>
      %dma_wait3A_203 = tpu.memref_squeeze %dma_wait3A_202 : memref<1x!tpu.dma_semaphore, #tpu.memory_space<semaphore_mem>> -> memref<!tpu.dma_semaphore, #tpu.memory_space<semaphore_mem>>
      tpu.wait_indirect_dma semaphore(%dma_wait3A_203 : memref<!tpu.dma_semaphore, #tpu.memory_space<semaphore_mem>>) src(%dma_wait3A_201 : memref<50000x32xf32, #tpu.memory_space<hbm>>) dst(%dma_wait3A_191 : memref<128x32xf32, #tpu.memory_space<vmem>>)
      %dma_start3A_204 = arith.constant 1 : i32
      %dma_start3A_205 = arith.constant 1 : i32
      %dma_start3A_206 = arith.constant 128 : i32
      %dma_start3A_207 = arith.constant 0 : i32
      %dma_start3A_208 = tpu.memref_slice %arg8[%select_n3A_141, %dma_start3A_206, %dma_start3A_207] : memref<2x384x32xf32, #tpu.memory_space<vmem>> -> memref<1x128x32xf32, #tpu.memory_space<vmem>>
      %dma_start3A_209 = tpu.memref_squeeze %dma_start3A_208 : memref<1x128x32xf32, #tpu.memory_space<vmem>> -> memref<128x32xf32, #tpu.memory_space<vmem>>
      %dma_start3A_210 = arith.constant 0 : i32
      %dma_start3A_211 = tpu.memref_slice %arg7[%select_n3A_141, %dma_start3A_204, %dma_start3A_205, %dma_start3A_210] : memref<2x3x2x128xi32, #tpu.memory_space<vmem>> -> memref<1x1x1x128xi32, #tpu.memory_space<vmem>>
      %dma_start3A_212 = tpu.memref_squeeze %dma_start3A_211 : memref<1x1x1x128xi32, #tpu.memory_space<vmem>> -> memref<128xi32, #tpu.memory_space<vmem>>
      %dma_start3A_213 = arith.constant 0 : i32
      %dma_start3A_214 = arith.constant 0 : i32
      %dma_start3A_215 = tpu.memref_slice %arg6[%dma_start3A_213, %dma_start3A_214] : memref<50048x32xf32, #tpu.memory_space<vmem_shared>> -> memref<50048x32xf32, #tpu.memory_space<vmem_shared>>
      %dma_start3A_216 = tpu.memref_slice %arg10[%select_n3A_141] : memref<2x!tpu.dma_semaphore, #tpu.memory_space<semaphore_mem>> -> memref<1x!tpu.dma_semaphore, #tpu.memory_space<semaphore_mem>>
      %dma_start3A_217 = tpu.memref_squeeze %dma_start3A_216 : memref<1x!tpu.dma_semaphore, #tpu.memory_space<semaphore_mem>> -> memref<!tpu.dma_semaphore, #tpu.memory_space<semaphore_mem>>
      tpu.enqueue_indirect_dma source(%dma_start3A_209 : memref<128x32xf32, #tpu.memory_space<vmem>>) target(%dma_start3A_215 : memref<50048x32xf32, #tpu.memory_space<vmem_shared>>) offsets(%dma_start3A_212 : memref<128xi32, #tpu.memory_space<vmem>>) semaphore(%dma_start3A_217 : memref<!tpu.dma_semaphore, #tpu.memory_space<semaphore_mem>>) {add = true}
      %dma_wait3A_218 = arith.constant 2 : i32
      %dma_wait3A_219 = arith.constant 0 : i32
      %dma_wait3A_220 = arith.constant 256 : i32
      %dma_wait3A_221 = arith.constant 0 : i32
      %dma_wait3A_222 = tpu.memref_slice %arg8[%select_n3A_141, %dma_wait3A_220, %dma_wait3A_221] : memref<2x384x32xf32, #tpu.memory_space<vmem>> -> memref<1x128x32xf32, #tpu.memory_space<vmem>>
      %dma_wait3A_223 = tpu.memref_squeeze %dma_wait3A_222 : memref<1x128x32xf32, #tpu.memory_space<vmem>> -> memref<128x32xf32, #tpu.memory_space<vmem>>
      %dma_wait3A_224 = arith.constant 0 : i32
      %dma_wait3A_225 = tpu.memref_slice %arg7[%select_n3A_141, %dma_wait3A_218, %dma_wait3A_219, %dma_wait3A_224] : memref<2x3x2x128xi32, #tpu.memory_space<vmem>> -> memref<1x1x1x128xi32, #tpu.memory_space<vmem>>
      %dma_wait3A_226 = tpu.memref_squeeze %dma_wait3A_225 : memref<1x1x1x128xi32, #tpu.memory_space<vmem>> -> memref<128xi32, #tpu.memory_space<vmem>>
      %dma_wait3A_227 = arith.constant 0 : i32
      %dma_wait3A_228 = arith.constant 0 : i32
      %dma_wait3A_229 = tpu.memref_slice %arg2[%arg0, %dma_wait3A_227, %dma_wait3A_228] : memref<2x50000x32xf32, #tpu.memory_space<hbm>> -> memref<1x50000x32xf32, #tpu.memory_space<hbm>>
      %dma_wait3A_230 = tpu.memref_squeeze %dma_wait3A_229 : memref<1x50000x32xf32, #tpu.memory_space<hbm>> -> memref<50000x32xf32, #tpu.memory_space<hbm>>
      %dma_wait3A_231 = arith.constant 0 : i32
      %dma_wait3A_232 = arith.constant 0 : i32
      %dma_wait3A_233 = tpu.memref_slice %dma_wait3A_230[%dma_wait3A_231, %dma_wait3A_232] : memref<50000x32xf32, #tpu.memory_space<hbm>> -> memref<50000x32xf32, #tpu.memory_space<hbm>>
      %dma_wait3A_234 = tpu.memref_slice %arg9[%select_n3A_141] : memref<2x!tpu.dma_semaphore, #tpu.memory_space<semaphore_mem>> -> memref<1x!tpu.dma_semaphore, #tpu.memory_space<semaphore_mem>>
      %dma_wait3A_235 = tpu.memref_squeeze %dma_wait3A_234 : memref<1x!tpu.dma_semaphore, #tpu.memory_space<semaphore_mem>> -> memref<!tpu.dma_semaphore, #tpu.memory_space<semaphore_mem>>
      tpu.wait_indirect_dma semaphore(%dma_wait3A_235 : memref<!tpu.dma_semaphore, #tpu.memory_space<semaphore_mem>>) src(%dma_wait3A_233 : memref<50000x32xf32, #tpu.memory_space<hbm>>) dst(%dma_wait3A_223 : memref<128x32xf32, #tpu.memory_space<vmem>>)
      %dma_start3A_236 = arith.constant 2 : i32
      %dma_start3A_237 = arith.constant 1 : i32
      %dma_start3A_238 = arith.constant 256 : i32
      %dma_start3A_239 = arith.constant 0 : i32
      %dma_start3A_240 = tpu.memref_slice %arg8[%select_n3A_141, %dma_start3A_238, %dma_start3A_239] : memref<2x384x32xf32, #tpu.memory_space<vmem>> -> memref<1x128x32xf32, #tpu.memory_space<vmem>>
      %dma_start3A_241 = tpu.memref_squeeze %dma_start3A_240 : memref<1x128x32xf32, #tpu.memory_space<vmem>> -> memref<128x32xf32, #tpu.memory_space<vmem>>
      %dma_start3A_242 = arith.constant 0 : i32
      %dma_start3A_243 = tpu.memref_slice %arg7[%select_n3A_141, %dma_start3A_236, %dma_start3A_237, %dma_start3A_242] : memref<2x3x2x128xi32, #tpu.memory_space<vmem>> -> memref<1x1x1x128xi32, #tpu.memory_space<vmem>>
      %dma_start3A_244 = tpu.memref_squeeze %dma_start3A_243 : memref<1x1x1x128xi32, #tpu.memory_space<vmem>> -> memref<128xi32, #tpu.memory_space<vmem>>
      %dma_start3A_245 = arith.constant 0 : i32
      %dma_start3A_246 = arith.constant 0 : i32
      %dma_start3A_247 = tpu.memref_slice %arg6[%dma_start3A_245, %dma_start3A_246] : memref<50048x32xf32, #tpu.memory_space<vmem_shared>> -> memref<50048x32xf32, #tpu.memory_space<vmem_shared>>
      %dma_start3A_248 = tpu.memref_slice %arg10[%select_n3A_141] : memref<2x!tpu.dma_semaphore, #tpu.memory_space<semaphore_mem>> -> memref<1x!tpu.dma_semaphore, #tpu.memory_space<semaphore_mem>>
      %dma_start3A_249 = tpu.memref_squeeze %dma_start3A_248 : memref<1x!tpu.dma_semaphore, #tpu.memory_space<semaphore_mem>> -> memref<!tpu.dma_semaphore, #tpu.memory_space<semaphore_mem>>
      tpu.enqueue_indirect_dma source(%dma_start3A_241 : memref<128x32xf32, #tpu.memory_space<vmem>>) target(%dma_start3A_247 : memref<50048x32xf32, #tpu.memory_space<vmem_shared>>) offsets(%dma_start3A_244 : memref<128xi32, #tpu.memory_space<vmem>>) semaphore(%dma_start3A_249 : memref<!tpu.dma_semaphore, #tpu.memory_space<semaphore_mem>>) {add = true}
    }
    %scan3A_72 = arith.constant 132 : i32
    %dma_wait3A = arith.constant 1 : i32
    %dma_wait3A_73 = arith.constant 1 : i32
    %dma_wait3A_74 = arith.constant 0 : i32
    %dma_wait3A_75 = arith.constant 1 : i32
    %dma_wait3A_76 = arith.constant 1 : i32
    %dma_wait3A_77 = arith.constant 0 : i32
    %dma_wait3A_78 = arith.constant 0 : i32
    %dma_wait3A_79 = tpu.memref_slice %arg8[%dma_wait3A, %dma_wait3A_77, %dma_wait3A_78] : memref<2x384x32xf32, #tpu.memory_space<vmem>> -> memref<1x128x32xf32, #tpu.memory_space<vmem>>
    %dma_wait3A_80 = tpu.memref_squeeze %dma_wait3A_79 : memref<1x128x32xf32, #tpu.memory_space<vmem>> -> memref<128x32xf32, #tpu.memory_space<vmem>>
    %dma_wait3A_81 = arith.constant 0 : i32
    %dma_wait3A_82 = tpu.memref_slice %arg7[%dma_wait3A_73, %dma_wait3A_74, %dma_wait3A_75, %dma_wait3A_81] : memref<2x3x2x128xi32, #tpu.memory_space<vmem>> -> memref<1x1x1x128xi32, #tpu.memory_space<vmem>>
    %dma_wait3A_83 = tpu.memref_squeeze %dma_wait3A_82 : memref<1x1x1x128xi32, #tpu.memory_space<vmem>> -> memref<128xi32, #tpu.memory_space<vmem>>
    %dma_wait3A_84 = arith.constant 0 : i32
    %dma_wait3A_85 = arith.constant 0 : i32
    %dma_wait3A_86 = tpu.memref_slice %arg6[%dma_wait3A_84, %dma_wait3A_85] : memref<50048x32xf32, #tpu.memory_space<vmem_shared>> -> memref<50048x32xf32, #tpu.memory_space<vmem_shared>>
    %dma_wait3A_87 = tpu.memref_slice %arg10[%dma_wait3A_76] : memref<2x!tpu.dma_semaphore, #tpu.memory_space<semaphore_mem>> -> memref<1x!tpu.dma_semaphore, #tpu.memory_space<semaphore_mem>>
    %dma_wait3A_88 = tpu.memref_squeeze %dma_wait3A_87 : memref<1x!tpu.dma_semaphore, #tpu.memory_space<semaphore_mem>> -> memref<!tpu.dma_semaphore, #tpu.memory_space<semaphore_mem>>
    tpu.wait_indirect_dma semaphore(%dma_wait3A_88 : memref<!tpu.dma_semaphore, #tpu.memory_space<semaphore_mem>>) src(%dma_wait3A_80 : memref<128x32xf32, #tpu.memory_space<vmem>>) dst(%dma_wait3A_86 : memref<50048x32xf32, #tpu.memory_space<vmem_shared>>)
    %dma_wait3A_89 = arith.constant 1 : i32
    %dma_wait3A_90 = arith.constant 1 : i32
    %dma_wait3A_91 = arith.constant 1 : i32
    %dma_wait3A_92 = arith.constant 1 : i32
    %dma_wait3A_93 = arith.constant 1 : i32
    %dma_wait3A_94 = arith.constant 128 : i32
    %dma_wait3A_95 = arith.constant 0 : i32
    %dma_wait3A_96 = tpu.memref_slice %arg8[%dma_wait3A_89, %dma_wait3A_94, %dma_wait3A_95] : memref<2x384x32xf32, #tpu.memory_space<vmem>> -> memref<1x128x32xf32, #tpu.memory_space<vmem>>
    %dma_wait3A_97 = tpu.memref_squeeze %dma_wait3A_96 : memref<1x128x32xf32, #tpu.memory_space<vmem>> -> memref<128x32xf32, #tpu.memory_space<vmem>>
    %dma_wait3A_98 = arith.constant 0 : i32
    %dma_wait3A_99 = tpu.memref_slice %arg7[%dma_wait3A_90, %dma_wait3A_91, %dma_wait3A_92, %dma_wait3A_98] : memref<2x3x2x128xi32, #tpu.memory_space<vmem>> -> memref<1x1x1x128xi32, #tpu.memory_space<vmem>>
    %dma_wait3A_100 = tpu.memref_squeeze %dma_wait3A_99 : memref<1x1x1x128xi32, #tpu.memory_space<vmem>> -> memref<128xi32, #tpu.memory_space<vmem>>
    %dma_wait3A_101 = arith.constant 0 : i32
    %dma_wait3A_102 = arith.constant 0 : i32
    %dma_wait3A_103 = tpu.memref_slice %arg6[%dma_wait3A_101, %dma_wait3A_102] : memref<50048x32xf32, #tpu.memory_space<vmem_shared>> -> memref<50048x32xf32, #tpu.memory_space<vmem_shared>>
    %dma_wait3A_104 = tpu.memref_slice %arg10[%dma_wait3A_93] : memref<2x!tpu.dma_semaphore, #tpu.memory_space<semaphore_mem>> -> memref<1x!tpu.dma_semaphore, #tpu.memory_space<semaphore_mem>>
    %dma_wait3A_105 = tpu.memref_squeeze %dma_wait3A_104 : memref<1x!tpu.dma_semaphore, #tpu.memory_space<semaphore_mem>> -> memref<!tpu.dma_semaphore, #tpu.memory_space<semaphore_mem>>
    tpu.wait_indirect_dma semaphore(%dma_wait3A_105 : memref<!tpu.dma_semaphore, #tpu.memory_space<semaphore_mem>>) src(%dma_wait3A_97 : memref<128x32xf32, #tpu.memory_space<vmem>>) dst(%dma_wait3A_103 : memref<50048x32xf32, #tpu.memory_space<vmem_shared>>)
    %dma_wait3A_106 = arith.constant 1 : i32
    %dma_wait3A_107 = arith.constant 1 : i32
    %dma_wait3A_108 = arith.constant 2 : i32
    %dma_wait3A_109 = arith.constant 1 : i32
    %dma_wait3A_110 = arith.constant 1 : i32
    %dma_wait3A_111 = arith.constant 256 : i32
    %dma_wait3A_112 = arith.constant 0 : i32
    %dma_wait3A_113 = tpu.memref_slice %arg8[%dma_wait3A_106, %dma_wait3A_111, %dma_wait3A_112] : memref<2x384x32xf32, #tpu.memory_space<vmem>> -> memref<1x128x32xf32, #tpu.memory_space<vmem>>
    %dma_wait3A_114 = tpu.memref_squeeze %dma_wait3A_113 : memref<1x128x32xf32, #tpu.memory_space<vmem>> -> memref<128x32xf32, #tpu.memory_space<vmem>>
    %dma_wait3A_115 = arith.constant 0 : i32
    %dma_wait3A_116 = tpu.memref_slice %arg7[%dma_wait3A_107, %dma_wait3A_108, %dma_wait3A_109, %dma_wait3A_115] : memref<2x3x2x128xi32, #tpu.memory_space<vmem>> -> memref<1x1x1x128xi32, #tpu.memory_space<vmem>>
    %dma_wait3A_117 = tpu.memref_squeeze %dma_wait3A_116 : memref<1x1x1x128xi32, #tpu.memory_space<vmem>> -> memref<128xi32, #tpu.memory_space<vmem>>
    %dma_wait3A_118 = arith.constant 0 : i32
    %dma_wait3A_119 = arith.constant 0 : i32
    %dma_wait3A_120 = tpu.memref_slice %arg6[%dma_wait3A_118, %dma_wait3A_119] : memref<50048x32xf32, #tpu.memory_space<vmem_shared>> -> memref<50048x32xf32, #tpu.memory_space<vmem_shared>>
    %dma_wait3A_121 = tpu.memref_slice %arg10[%dma_wait3A_110] : memref<2x!tpu.dma_semaphore, #tpu.memory_space<semaphore_mem>> -> memref<1x!tpu.dma_semaphore, #tpu.memory_space<semaphore_mem>>
    %dma_wait3A_122 = tpu.memref_squeeze %dma_wait3A_121 : memref<1x!tpu.dma_semaphore, #tpu.memory_space<semaphore_mem>> -> memref<!tpu.dma_semaphore, #tpu.memory_space<semaphore_mem>>
    tpu.wait_indirect_dma semaphore(%dma_wait3A_122 : memref<!tpu.dma_semaphore, #tpu.memory_space<semaphore_mem>>) src(%dma_wait3A_114 : memref<128x32xf32, #tpu.memory_space<vmem>>) dst(%dma_wait3A_120 : memref<50048x32xf32, #tpu.memory_space<vmem_shared>>)
    %barrier3A_123 = arith.constant 0 : index
    tpu.barrier barrier_id(%barrier3A_123)
    %lt3A = arith.constant 15 : i32
    %lt3A_124 = arith.cmpi slt, %arg1, %lt3A : i32
    %convert_element_type3A = arith.extui %lt3A_124 : i1 to i32
    %cond3A = arith.constant 0 : i32
    %cond3A_125 = arith.cmpi ne, %convert_element_type3A, %cond3A : i32
    scf.if %cond3A_125 {
      %mul3A_130 = arith.constant 3128 : i32
      %mul3A_131 = arith.muli %arg1, %mul3A_130 : i32
      %mul3A_132 = arith.constant 50000 : i32
      %mul3A_133 = arith.muli %arg0, %mul3A_132 : i32
      %mul3A_134 = arith.constant 3128 : i32
      %mul3A_135 = arith.muli %arg1, %mul3A_134 : i32
      %add3A_136 = arith.addi %mul3A_133, %mul3A_135 : i32
      "tpu.region"() ({
        %run_scoped3A_137 = tpu.sem_alloc : memref<!tpu.dma_semaphore, #tpu.memory_space<semaphore_mem>>
        %dma_start3A_138 = arith.constant 0 : i32
        %dma_start3A_139 = tpu.memref_slice %arg5[%add3A_136, %dma_start3A_138] : memref<100000x32xf32, #tpu.memory_space<hbm>> -> memref<3128x32xf32, #tpu.memory_space<hbm>>
        %dma_start3A_140 = arith.constant 0 : i32
        %dma_start3A_141 = tpu.memref_slice %arg6[%mul3A_131, %dma_start3A_140] : memref<50048x32xf32, #tpu.memory_space<vmem_shared>> -> memref<3128x32xf32, #tpu.memory_space<vmem_shared>>
        tpu.enqueue_dma source(%dma_start3A_141 : memref<3128x32xf32, #tpu.memory_space<vmem_shared>>) target(%dma_start3A_139 : memref<3128x32xf32, #tpu.memory_space<hbm>>) target_semaphore(%run_scoped3A_137 : memref<!tpu.dma_semaphore, #tpu.memory_space<semaphore_mem>>)
        %dma_wait3A_142 = arith.constant 0 : i32
        %dma_wait3A_143 = tpu.memref_slice %arg5[%add3A_136, %dma_wait3A_142] : memref<100000x32xf32, #tpu.memory_space<hbm>> -> memref<3128x32xf32, #tpu.memory_space<hbm>>
        %dma_wait3A_144 = arith.constant 0 : i32
        %dma_wait3A_145 = tpu.memref_slice %arg6[%mul3A_131, %dma_wait3A_144] : memref<50048x32xf32, #tpu.memory_space<vmem_shared>> -> memref<3128x32xf32, #tpu.memory_space<vmem_shared>>
        tpu.wait_dma2 semaphore(%run_scoped3A_137 : memref<!tpu.dma_semaphore, #tpu.memory_space<semaphore_mem>>) src(%dma_wait3A_145 : memref<3128x32xf32, #tpu.memory_space<vmem_shared>>) dst(%dma_wait3A_143 : memref<3128x32xf32, #tpu.memory_space<hbm>>)
        tpu.yield
      }) : () -> ()
    } else {
    }
    %eq3A = arith.constant 15 : i32
    %eq3A_126 = arith.cmpi eq, %arg1, %eq3A : i32
    %convert_element_type3A_127 = arith.extui %eq3A_126 : i1 to i32
    %cond3A_128 = arith.constant 0 : i32
    %cond3A_129 = arith.cmpi ne, %convert_element_type3A_127, %cond3A_128 : i32
    scf.if %cond3A_129 {
      %mul3A_130 = arith.constant 50000 : i32
      %mul3A_131 = arith.muli %arg0, %mul3A_130 : i32
      %add3A_132 = arith.constant 46920 : i32
      %add3A_133 = arith.addi %mul3A_131, %add3A_132 : i32
      "tpu.region"() ({
        %run_scoped3A_134 = tpu.sem_alloc : memref<!tpu.dma_semaphore, #tpu.memory_space<semaphore_mem>>
        %dma_start3A_135 = arith.constant 0 : i32
        %dma_start3A_136 = tpu.memref_slice %arg5[%add3A_133, %dma_start3A_135] : memref<100000x32xf32, #tpu.memory_space<hbm>> -> memref<3080x32xf32, #tpu.memory_space<hbm>>
        %dma_start3A_137 = arith.constant 46920 : i32
        %dma_start3A_138 = arith.constant 0 : i32
        %dma_start3A_139 = tpu.memref_slice %arg6[%dma_start3A_137, %dma_start3A_138] : memref<50048x32xf32, #tpu.memory_space<vmem_shared>> -> memref<3080x32xf32, #tpu.memory_space<vmem_shared>>
        tpu.enqueue_dma source(%dma_start3A_139 : memref<3080x32xf32, #tpu.memory_space<vmem_shared>>) target(%dma_start3A_136 : memref<3080x32xf32, #tpu.memory_space<hbm>>) target_semaphore(%run_scoped3A_134 : memref<!tpu.dma_semaphore, #tpu.memory_space<semaphore_mem>>)
        %dma_wait3A_140 = arith.constant 0 : i32
        %dma_wait3A_141 = tpu.memref_slice %arg5[%add3A_133, %dma_wait3A_140] : memref<100000x32xf32, #tpu.memory_space<hbm>> -> memref<3080x32xf32, #tpu.memory_space<hbm>>
        %dma_wait3A_142 = arith.constant 46920 : i32
        %dma_wait3A_143 = arith.constant 0 : i32
        %dma_wait3A_144 = tpu.memref_slice %arg6[%dma_wait3A_142, %dma_wait3A_143] : memref<50048x32xf32, #tpu.memory_space<vmem_shared>> -> memref<3080x32xf32, #tpu.memory_space<vmem_shared>>
        tpu.wait_dma2 semaphore(%run_scoped3A_134 : memref<!tpu.dma_semaphore, #tpu.memory_space<semaphore_mem>>) src(%dma_wait3A_144 : memref<3080x32xf32, #tpu.memory_space<vmem_shared>>) dst(%dma_wait3A_141 : memref<3080x32xf32, #tpu.memory_space<hbm>>)
        tpu.yield
      }) : () -> ()
    } else {
    }
    return
  }
}

#map = affine_map<(d0, d1) -> (0, 0, 0)>
#map1 = affine_map<(d0, d1) -> (0, 0)>
module attributes {stable_mosaic.version = 14 : i64} {
  func.func @_sc_agg_body(%arg0: i32, %arg1: i32, %arg2: memref<2x50000x32xf32, #tpu.memory_space<hbm>>, %arg3: memref<6336x2x128xi32, #tpu.memory_space<hbm>>, %arg4: memref<50048x32xf32, #tpu.memory_space<hbm>>, %arg5: memref<100000x32xf32, #tpu.memory_space<hbm>>, %arg6: memref<50048x32xf32, #tpu.memory_space<vmem_shared>>, %arg7: memref<2x3x2x128xi32, #tpu.memory_space<vmem>>, %arg8: memref<2x384x32xf32, #tpu.memory_space<vmem>>, %arg9: memref<2x!tpu.dma_semaphore, #tpu.memory_space<semaphore_mem>>, %arg10: memref<2x!tpu.dma_semaphore, #tpu.memory_space<semaphore_mem>>) attributes {dimension_semantics = [#tpu.dimension_semantics<core_parallel>, #tpu.dimension_semantics<subcore_parallel>], iteration_bounds = array<i64: 2, 16>, scalar_prefetch = 0 : i64, scratch_operands = 5 : i64, tpu.core_type = #tpu.core_type<sc_vector_subcore>, window_params = [{transform_indices = #map}, {transform_indices = #map}, {transform_indices = #map1}, {transform_indices = #map1}]} {
    %mul3A = arith.constant 3128 : i32
    %mul3A_0 = arith.muli %arg1, %mul3A : i32
    %mul3A_1 = arith.constant 3128 : i32
    %mul3A_2 = arith.muli %arg1, %mul3A_1 : i32
    "tpu.region"() ({
      %run_scoped3A_130 = tpu.sem_alloc : memref<!tpu.dma_semaphore, #tpu.memory_space<semaphore_mem>>
      %dma_start3A_131 = arith.constant 0 : i32
      %dma_start3A_132 = tpu.memref_slice %arg6[%mul3A_2, %dma_start3A_131] : memref<50048x32xf32, #tpu.memory_space<vmem_shared>> -> memref<3128x32xf32, #tpu.memory_space<vmem_shared>>
      %dma_start3A_133 = arith.constant 0 : i32
      %dma_start3A_134 = tpu.memref_slice %arg4[%mul3A_0, %dma_start3A_133] : memref<50048x32xf32, #tpu.memory_space<hbm>> -> memref<3128x32xf32, #tpu.memory_space<hbm>>
      tpu.enqueue_dma source(%dma_start3A_134 : memref<3128x32xf32, #tpu.memory_space<hbm>>) target(%dma_start3A_132 : memref<3128x32xf32, #tpu.memory_space<vmem_shared>>) target_semaphore(%run_scoped3A_130 : memref<!tpu.dma_semaphore, #tpu.memory_space<semaphore_mem>>)
      %dma_wait3A_135 = arith.constant 0 : i32
      %dma_wait3A_136 = tpu.memref_slice %arg6[%mul3A_2, %dma_wait3A_135] : memref<50048x32xf32, #tpu.memory_space<vmem_shared>> -> memref<3128x32xf32, #tpu.memory_space<vmem_shared>>
      %dma_wait3A_137 = arith.constant 0 : i32
      %dma_wait3A_138 = tpu.memref_slice %arg4[%mul3A_0, %dma_wait3A_137] : memref<50048x32xf32, #tpu.memory_space<hbm>> -> memref<3128x32xf32, #tpu.memory_space<hbm>>
      tpu.wait_dma2 semaphore(%run_scoped3A_130 : memref<!tpu.dma_semaphore, #tpu.memory_space<semaphore_mem>>) src(%dma_wait3A_138 : memref<3128x32xf32, #tpu.memory_space<hbm>>) dst(%dma_wait3A_136 : memref<3128x32xf32, #tpu.memory_space<vmem_shared>>)
      tpu.yield
    }) : () -> ()
    %barrier3A = arith.constant 0 : index
    tpu.barrier barrier_id(%barrier3A)
    %mul3A_3 = arith.constant 396 : i32
    %mul3A_4 = arith.muli %arg1, %mul3A_3 : i32
    %add3A = arith.constant 0 : i32
    %add3A_5 = arith.addi %mul3A_4, %add3A : i32
    %run_scoped3A = arith.constant 0 : i32
    "tpu.region"() ({
      %run_scoped3A_130 = tpu.sem_alloc : memref<!tpu.dma_semaphore, #tpu.memory_space<semaphore_mem>>
      %dma_start3A_131 = arith.constant 0 : i32
      %dma_start3A_132 = arith.constant 0 : i32
      %dma_start3A_133 = arith.constant 0 : i32
      %dma_start3A_134 = tpu.memref_slice %arg7[%run_scoped3A, %dma_start3A_131, %dma_start3A_132, %dma_start3A_133] : memref<2x3x2x128xi32, #tpu.memory_space<vmem>> -> memref<1x3x2x128xi32, #tpu.memory_space<vmem>>
      %dma_start3A_135 = tpu.memref_squeeze %dma_start3A_134 : memref<1x3x2x128xi32, #tpu.memory_space<vmem>> -> memref<3x2x128xi32, #tpu.memory_space<vmem>>
      %dma_start3A_136 = arith.constant 0 : i32
      %dma_start3A_137 = arith.constant 0 : i32
      %dma_start3A_138 = tpu.memref_slice %arg3[%add3A_5, %dma_start3A_136, %dma_start3A_137] : memref<6336x2x128xi32, #tpu.memory_space<hbm>> -> memref<3x2x128xi32, #tpu.memory_space<hbm>>
      %dma_start3A_139 = arith.constant 0 : i32
      %dma_start3A_140 = arith.constant 0 : i32
      %dma_start3A_141 = arith.constant 0 : i32
      %dma_start3A_142 = tpu.memref_slice %arg7[%run_scoped3A, %dma_start3A_139, %dma_start3A_140, %dma_start3A_141] : memref<2x3x2x128xi32, #tpu.memory_space<vmem>> -> memref<1x3x2x128xi32, #tpu.memory_space<vmem>>
      %dma_start3A_143 = tpu.memref_squeeze %dma_start3A_142 : memref<1x3x2x128xi32, #tpu.memory_space<vmem>> -> memref<3x2x128xi32, #tpu.memory_space<vmem>>
      %dma_start3A_144 = arith.constant 0 : i32
      %dma_start3A_145 = arith.constant 0 : i32
      %dma_start3A_146 = tpu.memref_slice %arg3[%add3A_5, %dma_start3A_144, %dma_start3A_145] : memref<6336x2x128xi32, #tpu.memory_space<hbm>> -> memref<3x2x128xi32, #tpu.memory_space<hbm>>
      tpu.enqueue_dma source(%dma_start3A_146 : memref<3x2x128xi32, #tpu.memory_space<hbm>>) target(%dma_start3A_143 : memref<3x2x128xi32, #tpu.memory_space<vmem>>) target_semaphore(%run_scoped3A_130 : memref<!tpu.dma_semaphore, #tpu.memory_space<semaphore_mem>>)
      %dma_wait3A_147 = arith.constant 0 : i32
      %dma_wait3A_148 = arith.constant 0 : i32
      %dma_wait3A_149 = arith.constant 0 : i32
      %dma_wait3A_150 = tpu.memref_slice %arg7[%run_scoped3A, %dma_wait3A_147, %dma_wait3A_148, %dma_wait3A_149] : memref<2x3x2x128xi32, #tpu.memory_space<vmem>> -> memref<1x3x2x128xi32, #tpu.memory_space<vmem>>
      %dma_wait3A_151 = tpu.memref_squeeze %dma_wait3A_150 : memref<1x3x2x128xi32, #tpu.memory_space<vmem>> -> memref<3x2x128xi32, #tpu.memory_space<vmem>>
      %dma_wait3A_152 = arith.constant 0 : i32
      %dma_wait3A_153 = arith.constant 0 : i32
      %dma_wait3A_154 = tpu.memref_slice %arg3[%add3A_5, %dma_wait3A_152, %dma_wait3A_153] : memref<6336x2x128xi32, #tpu.memory_space<hbm>> -> memref<3x2x128xi32, #tpu.memory_space<hbm>>
      %dma_wait3A_155 = arith.constant 0 : i32
      %dma_wait3A_156 = arith.constant 0 : i32
      %dma_wait3A_157 = arith.constant 0 : i32
      %dma_wait3A_158 = tpu.memref_slice %arg7[%run_scoped3A, %dma_wait3A_155, %dma_wait3A_156, %dma_wait3A_157] : memref<2x3x2x128xi32, #tpu.memory_space<vmem>> -> memref<1x3x2x128xi32, #tpu.memory_space<vmem>>
      %dma_wait3A_159 = tpu.memref_squeeze %dma_wait3A_158 : memref<1x3x2x128xi32, #tpu.memory_space<vmem>> -> memref<3x2x128xi32, #tpu.memory_space<vmem>>
      %dma_wait3A_160 = arith.constant 0 : i32
      %dma_wait3A_161 = arith.constant 0 : i32
      %dma_wait3A_162 = tpu.memref_slice %arg3[%add3A_5, %dma_wait3A_160, %dma_wait3A_161] : memref<6336x2x128xi32, #tpu.memory_space<hbm>> -> memref<3x2x128xi32, #tpu.memory_space<hbm>>
      tpu.wait_dma2 semaphore(%run_scoped3A_130 : memref<!tpu.dma_semaphore, #tpu.memory_space<semaphore_mem>>) src(%dma_wait3A_162 : memref<3x2x128xi32, #tpu.memory_space<hbm>>) dst(%dma_wait3A_159 : memref<3x2x128xi32, #tpu.memory_space<vmem>>)
      tpu.yield
    }) : () -> ()
    %dma_start3A = arith.constant 0 : i32
    %dma_start3A_6 = arith.constant 0 : i32
    %dma_start3A_7 = arith.constant 0 : i32
    %dma_start3A_8 = arith.constant 0 : i32
    %dma_start3A_9 = arith.constant 0 : i32
    %dma_start3A_10 = arith.constant 0 : i32
    %dma_start3A_11 = arith.constant 0 : i32
    %dma_start3A_12 = tpu.memref_slice %arg8[%dma_start3A_8, %dma_start3A_10, %dma_start3A_11] : memref<2x384x32xf32, #tpu.memory_space<vmem>> -> memref<1x128x32xf32, #tpu.memory_space<vmem>>
    %dma_start3A_13 = tpu.memref_squeeze %dma_start3A_12 : memref<1x128x32xf32, #tpu.memory_space<vmem>> -> memref<128x32xf32, #tpu.memory_space<vmem>>
    %dma_start3A_14 = arith.constant 0 : i32
    %dma_start3A_15 = tpu.memref_slice %arg7[%dma_start3A, %dma_start3A_6, %dma_start3A_7, %dma_start3A_14] : memref<2x3x2x128xi32, #tpu.memory_space<vmem>> -> memref<1x1x1x128xi32, #tpu.memory_space<vmem>>
    %dma_start3A_16 = tpu.memref_squeeze %dma_start3A_15 : memref<1x1x1x128xi32, #tpu.memory_space<vmem>> -> memref<128xi32, #tpu.memory_space<vmem>>
    %dma_start3A_17 = arith.constant 0 : i32
    %dma_start3A_18 = arith.constant 0 : i32
    %dma_start3A_19 = tpu.memref_slice %arg2[%arg0, %dma_start3A_17, %dma_start3A_18] : memref<2x50000x32xf32, #tpu.memory_space<hbm>> -> memref<1x50000x32xf32, #tpu.memory_space<hbm>>
    %dma_start3A_20 = tpu.memref_squeeze %dma_start3A_19 : memref<1x50000x32xf32, #tpu.memory_space<hbm>> -> memref<50000x32xf32, #tpu.memory_space<hbm>>
    %dma_start3A_21 = arith.constant 0 : i32
    %dma_start3A_22 = arith.constant 0 : i32
    %dma_start3A_23 = tpu.memref_slice %dma_start3A_20[%dma_start3A_21, %dma_start3A_22] : memref<50000x32xf32, #tpu.memory_space<hbm>> -> memref<50000x32xf32, #tpu.memory_space<hbm>>
    %dma_start3A_24 = tpu.memref_slice %arg9[%dma_start3A_9] : memref<2x!tpu.dma_semaphore, #tpu.memory_space<semaphore_mem>> -> memref<1x!tpu.dma_semaphore, #tpu.memory_space<semaphore_mem>>
    %dma_start3A_25 = tpu.memref_squeeze %dma_start3A_24 : memref<1x!tpu.dma_semaphore, #tpu.memory_space<semaphore_mem>> -> memref<!tpu.dma_semaphore, #tpu.memory_space<semaphore_mem>>
    tpu.enqueue_indirect_dma source(%dma_start3A_23 : memref<50000x32xf32, #tpu.memory_space<hbm>>) target(%dma_start3A_13 : memref<128x32xf32, #tpu.memory_space<vmem>>) offsets(%dma_start3A_16 : memref<128xi32, #tpu.memory_space<vmem>>) semaphore(%dma_start3A_25 : memref<!tpu.dma_semaphore, #tpu.memory_space<semaphore_mem>>)
    %dma_start3A_26 = arith.constant 0 : i32
    %dma_start3A_27 = arith.constant 1 : i32
    %dma_start3A_28 = arith.constant 0 : i32
    %dma_start3A_29 = arith.constant 0 : i32
    %dma_start3A_30 = arith.constant 0 : i32
    %dma_start3A_31 = arith.constant 128 : i32
    %dma_start3A_32 = arith.constant 0 : i32
    %dma_start3A_33 = tpu.memref_slice %arg8[%dma_start3A_29, %dma_start3A_31, %dma_start3A_32] : memref<2x384x32xf32, #tpu.memory_space<vmem>> -> memref<1x128x32xf32, #tpu.memory_space<vmem>>
    %dma_start3A_34 = tpu.memref_squeeze %dma_start3A_33 : memref<1x128x32xf32, #tpu.memory_space<vmem>> -> memref<128x32xf32, #tpu.memory_space<vmem>>
    %dma_start3A_35 = arith.constant 0 : i32
    %dma_start3A_36 = tpu.memref_slice %arg7[%dma_start3A_26, %dma_start3A_27, %dma_start3A_28, %dma_start3A_35] : memref<2x3x2x128xi32, #tpu.memory_space<vmem>> -> memref<1x1x1x128xi32, #tpu.memory_space<vmem>>
    %dma_start3A_37 = tpu.memref_squeeze %dma_start3A_36 : memref<1x1x1x128xi32, #tpu.memory_space<vmem>> -> memref<128xi32, #tpu.memory_space<vmem>>
    %dma_start3A_38 = arith.constant 0 : i32
    %dma_start3A_39 = arith.constant 0 : i32
    %dma_start3A_40 = tpu.memref_slice %arg2[%arg0, %dma_start3A_38, %dma_start3A_39] : memref<2x50000x32xf32, #tpu.memory_space<hbm>> -> memref<1x50000x32xf32, #tpu.memory_space<hbm>>
    %dma_start3A_41 = tpu.memref_squeeze %dma_start3A_40 : memref<1x50000x32xf32, #tpu.memory_space<hbm>> -> memref<50000x32xf32, #tpu.memory_space<hbm>>
    %dma_start3A_42 = arith.constant 0 : i32
    %dma_start3A_43 = arith.constant 0 : i32
    %dma_start3A_44 = tpu.memref_slice %dma_start3A_41[%dma_start3A_42, %dma_start3A_43] : memref<50000x32xf32, #tpu.memory_space<hbm>> -> memref<50000x32xf32, #tpu.memory_space<hbm>>
    %dma_start3A_45 = tpu.memref_slice %arg9[%dma_start3A_30] : memref<2x!tpu.dma_semaphore, #tpu.memory_space<semaphore_mem>> -> memref<1x!tpu.dma_semaphore, #tpu.memory_space<semaphore_mem>>
    %dma_start3A_46 = tpu.memref_squeeze %dma_start3A_45 : memref<1x!tpu.dma_semaphore, #tpu.memory_space<semaphore_mem>> -> memref<!tpu.dma_semaphore, #tpu.memory_space<semaphore_mem>>
    tpu.enqueue_indirect_dma source(%dma_start3A_44 : memref<50000x32xf32, #tpu.memory_space<hbm>>) target(%dma_start3A_34 : memref<128x32xf32, #tpu.memory_space<vmem>>) offsets(%dma_start3A_37 : memref<128xi32, #tpu.memory_space<vmem>>) semaphore(%dma_start3A_46 : memref<!tpu.dma_semaphore, #tpu.memory_space<semaphore_mem>>)
    %dma_start3A_47 = arith.constant 0 : i32
    %dma_start3A_48 = arith.constant 2 : i32
    %dma_start3A_49 = arith.constant 0 : i32
    %dma_start3A_50 = arith.constant 0 : i32
    %dma_start3A_51 = arith.constant 0 : i32
    %dma_start3A_52 = arith.constant 256 : i32
    %dma_start3A_53 = arith.constant 0 : i32
    %dma_start3A_54 = tpu.memref_slice %arg8[%dma_start3A_50, %dma_start3A_52, %dma_start3A_53] : memref<2x384x32xf32, #tpu.memory_space<vmem>> -> memref<1x128x32xf32, #tpu.memory_space<vmem>>
    %dma_start3A_55 = tpu.memref_squeeze %dma_start3A_54 : memref<1x128x32xf32, #tpu.memory_space<vmem>> -> memref<128x32xf32, #tpu.memory_space<vmem>>
    %dma_start3A_56 = arith.constant 0 : i32
    %dma_start3A_57 = tpu.memref_slice %arg7[%dma_start3A_47, %dma_start3A_48, %dma_start3A_49, %dma_start3A_56] : memref<2x3x2x128xi32, #tpu.memory_space<vmem>> -> memref<1x1x1x128xi32, #tpu.memory_space<vmem>>
    %dma_start3A_58 = tpu.memref_squeeze %dma_start3A_57 : memref<1x1x1x128xi32, #tpu.memory_space<vmem>> -> memref<128xi32, #tpu.memory_space<vmem>>
    %dma_start3A_59 = arith.constant 0 : i32
    %dma_start3A_60 = arith.constant 0 : i32
    %dma_start3A_61 = tpu.memref_slice %arg2[%arg0, %dma_start3A_59, %dma_start3A_60] : memref<2x50000x32xf32, #tpu.memory_space<hbm>> -> memref<1x50000x32xf32, #tpu.memory_space<hbm>>
    %dma_start3A_62 = tpu.memref_squeeze %dma_start3A_61 : memref<1x50000x32xf32, #tpu.memory_space<hbm>> -> memref<50000x32xf32, #tpu.memory_space<hbm>>
    %dma_start3A_63 = arith.constant 0 : i32
    %dma_start3A_64 = arith.constant 0 : i32
    %dma_start3A_65 = tpu.memref_slice %dma_start3A_62[%dma_start3A_63, %dma_start3A_64] : memref<50000x32xf32, #tpu.memory_space<hbm>> -> memref<50000x32xf32, #tpu.memory_space<hbm>>
    %dma_start3A_66 = tpu.memref_slice %arg9[%dma_start3A_51] : memref<2x!tpu.dma_semaphore, #tpu.memory_space<semaphore_mem>> -> memref<1x!tpu.dma_semaphore, #tpu.memory_space<semaphore_mem>>
    %dma_start3A_67 = tpu.memref_squeeze %dma_start3A_66 : memref<1x!tpu.dma_semaphore, #tpu.memory_space<semaphore_mem>> -> memref<!tpu.dma_semaphore, #tpu.memory_space<semaphore_mem>>
    tpu.enqueue_indirect_dma source(%dma_start3A_65 : memref<50000x32xf32, #tpu.memory_space<hbm>>) target(%dma_start3A_55 : memref<128x32xf32, #tpu.memory_space<vmem>>) offsets(%dma_start3A_58 : memref<128xi32, #tpu.memory_space<vmem>>) semaphore(%dma_start3A_67 : memref<!tpu.dma_semaphore, #tpu.memory_space<semaphore_mem>>)
    %scan3A = arith.constant 0 : i32
    %scan3A_68 = arith.constant 0 : i32
    %scan3A_69 = arith.constant 132 : i32
    %scan3A_70 = arith.addi %scan3A_68, %scan3A_69 : i32
    %scan3A_71 = arith.constant 1 : i32
    scf.for %scan3A_130 = %scan3A_68 to %scan3A_70 step %scan3A_71  : i32 {
      %jit3A = arith.constant 2 : i32
      %eq3A_131 = arith.constant 0 : i32
      %eq3A_132 = arith.cmpi eq, %jit3A, %eq3A_131 : i32
      %jit3A_133 = arith.constant 1 : i32
      %select_n3A = arith.select %eq3A_132, %jit3A_133, %jit3A : i32
      %rem3A = arith.remsi %scan3A_130, %select_n3A : i32
      %ne3A = arith.constant 0 : i32
      %ne3A_134 = arith.cmpi ne, %rem3A, %ne3A : i32
      %lt3A_135 = arith.constant 0 : i32
      %lt3A_136 = arith.cmpi slt, %rem3A, %lt3A_135 : i32
      %lt3A_137 = arith.constant 0 : i32
      %lt3A_138 = arith.cmpi slt, %select_n3A, %lt3A_137 : i32
      %ne3A_139 = arith.xori %lt3A_136, %lt3A_138 : i1
      %and3A = arith.andi %ne3A_139, %ne3A_134 : i1
      %add3A_140 = arith.addi %rem3A, %select_n3A : i32
      %select_n3A_141 = arith.select %and3A, %add3A_140, %rem3A : i32
      %sub3A = arith.constant 1 : i32
      %sub3A_142 = arith.subi %sub3A, %select_n3A_141 : i32
      %ge3A = arith.constant 1 : i32
      %ge3A_143 = arith.cmpi sge, %scan3A_130, %ge3A : i32
      %convert_element_type3A_144 = arith.extui %ge3A_143 : i1 to i32
      %cond3A_145 = arith.constant 0 : i32
      %cond3A_146 = arith.cmpi ne, %convert_element_type3A_144, %cond3A_145 : i32
      scf.if %cond3A_146 {
        %dma_wait3A_250 = arith.constant 0 : i32
        %dma_wait3A_251 = arith.constant 1 : i32
        %dma_wait3A_252 = arith.constant 0 : i32
        %dma_wait3A_253 = arith.constant 0 : i32
        %dma_wait3A_254 = tpu.memref_slice %arg8[%sub3A_142, %dma_wait3A_252, %dma_wait3A_253] : memref<2x384x32xf32, #tpu.memory_space<vmem>> -> memref<1x128x32xf32, #tpu.memory_space<vmem>>
        %dma_wait3A_255 = tpu.memref_squeeze %dma_wait3A_254 : memref<1x128x32xf32, #tpu.memory_space<vmem>> -> memref<128x32xf32, #tpu.memory_space<vmem>>
        %dma_wait3A_256 = arith.constant 0 : i32
        %dma_wait3A_257 = tpu.memref_slice %arg7[%sub3A_142, %dma_wait3A_250, %dma_wait3A_251, %dma_wait3A_256] : memref<2x3x2x128xi32, #tpu.memory_space<vmem>> -> memref<1x1x1x128xi32, #tpu.memory_space<vmem>>
        %dma_wait3A_258 = tpu.memref_squeeze %dma_wait3A_257 : memref<1x1x1x128xi32, #tpu.memory_space<vmem>> -> memref<128xi32, #tpu.memory_space<vmem>>
        %dma_wait3A_259 = arith.constant 0 : i32
        %dma_wait3A_260 = arith.constant 0 : i32
        %dma_wait3A_261 = tpu.memref_slice %arg6[%dma_wait3A_259, %dma_wait3A_260] : memref<50048x32xf32, #tpu.memory_space<vmem_shared>> -> memref<50048x32xf32, #tpu.memory_space<vmem_shared>>
        %dma_wait3A_262 = tpu.memref_slice %arg10[%sub3A_142] : memref<2x!tpu.dma_semaphore, #tpu.memory_space<semaphore_mem>> -> memref<1x!tpu.dma_semaphore, #tpu.memory_space<semaphore_mem>>
        %dma_wait3A_263 = tpu.memref_squeeze %dma_wait3A_262 : memref<1x!tpu.dma_semaphore, #tpu.memory_space<semaphore_mem>> -> memref<!tpu.dma_semaphore, #tpu.memory_space<semaphore_mem>>
        tpu.wait_indirect_dma semaphore(%dma_wait3A_263 : memref<!tpu.dma_semaphore, #tpu.memory_space<semaphore_mem>>) src(%dma_wait3A_255 : memref<128x32xf32, #tpu.memory_space<vmem>>) dst(%dma_wait3A_261 : memref<50048x32xf32, #tpu.memory_space<vmem_shared>>)
        %dma_wait3A_264 = arith.constant 1 : i32
        %dma_wait3A_265 = arith.constant 1 : i32
        %dma_wait3A_266 = arith.constant 128 : i32
        %dma_wait3A_267 = arith.constant 0 : i32
        %dma_wait3A_268 = tpu.memref_slice %arg8[%sub3A_142, %dma_wait3A_266, %dma_wait3A_267] : memref<2x384x32xf32, #tpu.memory_space<vmem>> -> memref<1x128x32xf32, #tpu.memory_space<vmem>>
        %dma_wait3A_269 = tpu.memref_squeeze %dma_wait3A_268 : memref<1x128x32xf32, #tpu.memory_space<vmem>> -> memref<128x32xf32, #tpu.memory_space<vmem>>
        %dma_wait3A_270 = arith.constant 0 : i32
        %dma_wait3A_271 = tpu.memref_slice %arg7[%sub3A_142, %dma_wait3A_264, %dma_wait3A_265, %dma_wait3A_270] : memref<2x3x2x128xi32, #tpu.memory_space<vmem>> -> memref<1x1x1x128xi32, #tpu.memory_space<vmem>>
        %dma_wait3A_272 = tpu.memref_squeeze %dma_wait3A_271 : memref<1x1x1x128xi32, #tpu.memory_space<vmem>> -> memref<128xi32, #tpu.memory_space<vmem>>
        %dma_wait3A_273 = arith.constant 0 : i32
        %dma_wait3A_274 = arith.constant 0 : i32
        %dma_wait3A_275 = tpu.memref_slice %arg6[%dma_wait3A_273, %dma_wait3A_274] : memref<50048x32xf32, #tpu.memory_space<vmem_shared>> -> memref<50048x32xf32, #tpu.memory_space<vmem_shared>>
        %dma_wait3A_276 = tpu.memref_slice %arg10[%sub3A_142] : memref<2x!tpu.dma_semaphore, #tpu.memory_space<semaphore_mem>> -> memref<1x!tpu.dma_semaphore, #tpu.memory_space<semaphore_mem>>
        %dma_wait3A_277 = tpu.memref_squeeze %dma_wait3A_276 : memref<1x!tpu.dma_semaphore, #tpu.memory_space<semaphore_mem>> -> memref<!tpu.dma_semaphore, #tpu.memory_space<semaphore_mem>>
        tpu.wait_indirect_dma semaphore(%dma_wait3A_277 : memref<!tpu.dma_semaphore, #tpu.memory_space<semaphore_mem>>) src(%dma_wait3A_269 : memref<128x32xf32, #tpu.memory_space<vmem>>) dst(%dma_wait3A_275 : memref<50048x32xf32, #tpu.memory_space<vmem_shared>>)
        %dma_wait3A_278 = arith.constant 2 : i32
        %dma_wait3A_279 = arith.constant 1 : i32
        %dma_wait3A_280 = arith.constant 256 : i32
        %dma_wait3A_281 = arith.constant 0 : i32
        %dma_wait3A_282 = tpu.memref_slice %arg8[%sub3A_142, %dma_wait3A_280, %dma_wait3A_281] : memref<2x384x32xf32, #tpu.memory_space<vmem>> -> memref<1x128x32xf32, #tpu.memory_space<vmem>>
        %dma_wait3A_283 = tpu.memref_squeeze %dma_wait3A_282 : memref<1x128x32xf32, #tpu.memory_space<vmem>> -> memref<128x32xf32, #tpu.memory_space<vmem>>
        %dma_wait3A_284 = arith.constant 0 : i32
        %dma_wait3A_285 = tpu.memref_slice %arg7[%sub3A_142, %dma_wait3A_278, %dma_wait3A_279, %dma_wait3A_284] : memref<2x3x2x128xi32, #tpu.memory_space<vmem>> -> memref<1x1x1x128xi32, #tpu.memory_space<vmem>>
        %dma_wait3A_286 = tpu.memref_squeeze %dma_wait3A_285 : memref<1x1x1x128xi32, #tpu.memory_space<vmem>> -> memref<128xi32, #tpu.memory_space<vmem>>
        %dma_wait3A_287 = arith.constant 0 : i32
        %dma_wait3A_288 = arith.constant 0 : i32
        %dma_wait3A_289 = tpu.memref_slice %arg6[%dma_wait3A_287, %dma_wait3A_288] : memref<50048x32xf32, #tpu.memory_space<vmem_shared>> -> memref<50048x32xf32, #tpu.memory_space<vmem_shared>>
        %dma_wait3A_290 = tpu.memref_slice %arg10[%sub3A_142] : memref<2x!tpu.dma_semaphore, #tpu.memory_space<semaphore_mem>> -> memref<1x!tpu.dma_semaphore, #tpu.memory_space<semaphore_mem>>
        %dma_wait3A_291 = tpu.memref_squeeze %dma_wait3A_290 : memref<1x!tpu.dma_semaphore, #tpu.memory_space<semaphore_mem>> -> memref<!tpu.dma_semaphore, #tpu.memory_space<semaphore_mem>>
        tpu.wait_indirect_dma semaphore(%dma_wait3A_291 : memref<!tpu.dma_semaphore, #tpu.memory_space<semaphore_mem>>) src(%dma_wait3A_283 : memref<128x32xf32, #tpu.memory_space<vmem>>) dst(%dma_wait3A_289 : memref<50048x32xf32, #tpu.memory_space<vmem_shared>>)
      } else {
      }
      %add3A_147 = arith.constant 1 : i32
      %add3A_148 = arith.addi %scan3A_130, %add3A_147 : i32
      %lt3A_149 = arith.constant 132 : i32
      %lt3A_150 = arith.cmpi slt, %add3A_148, %lt3A_149 : i32
      %convert_element_type3A_151 = arith.extui %lt3A_150 : i1 to i32
      %cond3A_152 = arith.constant 0 : i32
      %cond3A_153 = arith.cmpi ne, %convert_element_type3A_151, %cond3A_152 : i32
      scf.if %cond3A_153 {
        %add3A_250 = arith.constant 1 : i32
        %add3A_251 = arith.addi %scan3A_130, %add3A_250 : i32
        %mul3A_252 = arith.constant 3 : i32
        %mul3A_253 = arith.muli %add3A_251, %mul3A_252 : i32
        %add3A_254 = arith.addi %mul3A_4, %mul3A_253 : i32
        "tpu.region"() ({
          %run_scoped3A_309 = tpu.sem_alloc : memref<!tpu.dma_semaphore, #tpu.memory_space<semaphore_mem>>
          %dma_start3A_310 = arith.constant 0 : i32
          %dma_start3A_311 = arith.constant 0 : i32
          %dma_start3A_312 = arith.constant 0 : i32
          %dma_start3A_313 = tpu.memref_slice %arg7[%sub3A_142, %dma_start3A_310, %dma_start3A_311, %dma_start3A_312] : memref<2x3x2x128xi32, #tpu.memory_space<vmem>> -> memref<1x3x2x128xi32, #tpu.memory_space<vmem>>
          %dma_start3A_314 = tpu.memref_squeeze %dma_start3A_313 : memref<1x3x2x128xi32, #tpu.memory_space<vmem>> -> memref<3x2x128xi32, #tpu.memory_space<vmem>>
          %dma_start3A_315 = arith.constant 0 : i32
          %dma_start3A_316 = arith.constant 0 : i32
          %dma_start3A_317 = tpu.memref_slice %arg3[%add3A_254, %dma_start3A_315, %dma_start3A_316] : memref<6336x2x128xi32, #tpu.memory_space<hbm>> -> memref<3x2x128xi32, #tpu.memory_space<hbm>>
          %dma_start3A_318 = arith.constant 0 : i32
          %dma_start3A_319 = arith.constant 0 : i32
          %dma_start3A_320 = arith.constant 0 : i32
          %dma_start3A_321 = tpu.memref_slice %arg7[%sub3A_142, %dma_start3A_318, %dma_start3A_319, %dma_start3A_320] : memref<2x3x2x128xi32, #tpu.memory_space<vmem>> -> memref<1x3x2x128xi32, #tpu.memory_space<vmem>>
          %dma_start3A_322 = tpu.memref_squeeze %dma_start3A_321 : memref<1x3x2x128xi32, #tpu.memory_space<vmem>> -> memref<3x2x128xi32, #tpu.memory_space<vmem>>
          %dma_start3A_323 = arith.constant 0 : i32
          %dma_start3A_324 = arith.constant 0 : i32
          %dma_start3A_325 = tpu.memref_slice %arg3[%add3A_254, %dma_start3A_323, %dma_start3A_324] : memref<6336x2x128xi32, #tpu.memory_space<hbm>> -> memref<3x2x128xi32, #tpu.memory_space<hbm>>
          tpu.enqueue_dma source(%dma_start3A_325 : memref<3x2x128xi32, #tpu.memory_space<hbm>>) target(%dma_start3A_322 : memref<3x2x128xi32, #tpu.memory_space<vmem>>) target_semaphore(%run_scoped3A_309 : memref<!tpu.dma_semaphore, #tpu.memory_space<semaphore_mem>>)
          %dma_wait3A_326 = arith.constant 0 : i32
          %dma_wait3A_327 = arith.constant 0 : i32
          %dma_wait3A_328 = arith.constant 0 : i32
          %dma_wait3A_329 = tpu.memref_slice %arg7[%sub3A_142, %dma_wait3A_326, %dma_wait3A_327, %dma_wait3A_328] : memref<2x3x2x128xi32, #tpu.memory_space<vmem>> -> memref<1x3x2x128xi32, #tpu.memory_space<vmem>>
          %dma_wait3A_330 = tpu.memref_squeeze %dma_wait3A_329 : memref<1x3x2x128xi32, #tpu.memory_space<vmem>> -> memref<3x2x128xi32, #tpu.memory_space<vmem>>
          %dma_wait3A_331 = arith.constant 0 : i32
          %dma_wait3A_332 = arith.constant 0 : i32
          %dma_wait3A_333 = tpu.memref_slice %arg3[%add3A_254, %dma_wait3A_331, %dma_wait3A_332] : memref<6336x2x128xi32, #tpu.memory_space<hbm>> -> memref<3x2x128xi32, #tpu.memory_space<hbm>>
          %dma_wait3A_334 = arith.constant 0 : i32
          %dma_wait3A_335 = arith.constant 0 : i32
          %dma_wait3A_336 = arith.constant 0 : i32
          %dma_wait3A_337 = tpu.memref_slice %arg7[%sub3A_142, %dma_wait3A_334, %dma_wait3A_335, %dma_wait3A_336] : memref<2x3x2x128xi32, #tpu.memory_space<vmem>> -> memref<1x3x2x128xi32, #tpu.memory_space<vmem>>
          %dma_wait3A_338 = tpu.memref_squeeze %dma_wait3A_337 : memref<1x3x2x128xi32, #tpu.memory_space<vmem>> -> memref<3x2x128xi32, #tpu.memory_space<vmem>>
          %dma_wait3A_339 = arith.constant 0 : i32
          %dma_wait3A_340 = arith.constant 0 : i32
          %dma_wait3A_341 = tpu.memref_slice %arg3[%add3A_254, %dma_wait3A_339, %dma_wait3A_340] : memref<6336x2x128xi32, #tpu.memory_space<hbm>> -> memref<3x2x128xi32, #tpu.memory_space<hbm>>
          tpu.wait_dma2 semaphore(%run_scoped3A_309 : memref<!tpu.dma_semaphore, #tpu.memory_space<semaphore_mem>>) src(%dma_wait3A_341 : memref<3x2x128xi32, #tpu.memory_space<hbm>>) dst(%dma_wait3A_338 : memref<3x2x128xi32, #tpu.memory_space<vmem>>)
          tpu.yield
        }) : () -> ()
        %dma_start3A_255 = arith.constant 0 : i32
        %dma_start3A_256 = arith.constant 0 : i32
        %dma_start3A_257 = arith.constant 0 : i32
        %dma_start3A_258 = arith.constant 0 : i32
        %dma_start3A_259 = tpu.memref_slice %arg8[%sub3A_142, %dma_start3A_257, %dma_start3A_258] : memref<2x384x32xf32, #tpu.memory_space<vmem>> -> memref<1x128x32xf32, #tpu.memory_space<vmem>>
        %dma_start3A_260 = tpu.memref_squeeze %dma_start3A_259 : memref<1x128x32xf32, #tpu.memory_space<vmem>> -> memref<128x32xf32, #tpu.memory_space<vmem>>
        %dma_start3A_261 = arith.constant 0 : i32
        %dma_start3A_262 = tpu.memref_slice %arg7[%sub3A_142, %dma_start3A_255, %dma_start3A_256, %dma_start3A_261] : memref<2x3x2x128xi32, #tpu.memory_space<vmem>> -> memref<1x1x1x128xi32, #tpu.memory_space<vmem>>
        %dma_start3A_263 = tpu.memref_squeeze %dma_start3A_262 : memref<1x1x1x128xi32, #tpu.memory_space<vmem>> -> memref<128xi32, #tpu.memory_space<vmem>>
        %dma_start3A_264 = arith.constant 0 : i32
        %dma_start3A_265 = arith.constant 0 : i32
        %dma_start3A_266 = tpu.memref_slice %arg2[%arg0, %dma_start3A_264, %dma_start3A_265] : memref<2x50000x32xf32, #tpu.memory_space<hbm>> -> memref<1x50000x32xf32, #tpu.memory_space<hbm>>
        %dma_start3A_267 = tpu.memref_squeeze %dma_start3A_266 : memref<1x50000x32xf32, #tpu.memory_space<hbm>> -> memref<50000x32xf32, #tpu.memory_space<hbm>>
        %dma_start3A_268 = arith.constant 0 : i32
        %dma_start3A_269 = arith.constant 0 : i32
        %dma_start3A_270 = tpu.memref_slice %dma_start3A_267[%dma_start3A_268, %dma_start3A_269] : memref<50000x32xf32, #tpu.memory_space<hbm>> -> memref<50000x32xf32, #tpu.memory_space<hbm>>
        %dma_start3A_271 = tpu.memref_slice %arg9[%sub3A_142] : memref<2x!tpu.dma_semaphore, #tpu.memory_space<semaphore_mem>> -> memref<1x!tpu.dma_semaphore, #tpu.memory_space<semaphore_mem>>
        %dma_start3A_272 = tpu.memref_squeeze %dma_start3A_271 : memref<1x!tpu.dma_semaphore, #tpu.memory_space<semaphore_mem>> -> memref<!tpu.dma_semaphore, #tpu.memory_space<semaphore_mem>>
        tpu.enqueue_indirect_dma source(%dma_start3A_270 : memref<50000x32xf32, #tpu.memory_space<hbm>>) target(%dma_start3A_260 : memref<128x32xf32, #tpu.memory_space<vmem>>) offsets(%dma_start3A_263 : memref<128xi32, #tpu.memory_space<vmem>>) semaphore(%dma_start3A_272 : memref<!tpu.dma_semaphore, #tpu.memory_space<semaphore_mem>>)
        %dma_start3A_273 = arith.constant 1 : i32
        %dma_start3A_274 = arith.constant 0 : i32
        %dma_start3A_275 = arith.constant 128 : i32
        %dma_start3A_276 = arith.constant 0 : i32
        %dma_start3A_277 = tpu.memref_slice %arg8[%sub3A_142, %dma_start3A_275, %dma_start3A_276] : memref<2x384x32xf32, #tpu.memory_space<vmem>> -> memref<1x128x32xf32, #tpu.memory_space<vmem>>
        %dma_start3A_278 = tpu.memref_squeeze %dma_start3A_277 : memref<1x128x32xf32, #tpu.memory_space<vmem>> -> memref<128x32xf32, #tpu.memory_space<vmem>>
        %dma_start3A_279 = arith.constant 0 : i32
        %dma_start3A_280 = tpu.memref_slice %arg7[%sub3A_142, %dma_start3A_273, %dma_start3A_274, %dma_start3A_279] : memref<2x3x2x128xi32, #tpu.memory_space<vmem>> -> memref<1x1x1x128xi32, #tpu.memory_space<vmem>>
        %dma_start3A_281 = tpu.memref_squeeze %dma_start3A_280 : memref<1x1x1x128xi32, #tpu.memory_space<vmem>> -> memref<128xi32, #tpu.memory_space<vmem>>
        %dma_start3A_282 = arith.constant 0 : i32
        %dma_start3A_283 = arith.constant 0 : i32
        %dma_start3A_284 = tpu.memref_slice %arg2[%arg0, %dma_start3A_282, %dma_start3A_283] : memref<2x50000x32xf32, #tpu.memory_space<hbm>> -> memref<1x50000x32xf32, #tpu.memory_space<hbm>>
        %dma_start3A_285 = tpu.memref_squeeze %dma_start3A_284 : memref<1x50000x32xf32, #tpu.memory_space<hbm>> -> memref<50000x32xf32, #tpu.memory_space<hbm>>
        %dma_start3A_286 = arith.constant 0 : i32
        %dma_start3A_287 = arith.constant 0 : i32
        %dma_start3A_288 = tpu.memref_slice %dma_start3A_285[%dma_start3A_286, %dma_start3A_287] : memref<50000x32xf32, #tpu.memory_space<hbm>> -> memref<50000x32xf32, #tpu.memory_space<hbm>>
        %dma_start3A_289 = tpu.memref_slice %arg9[%sub3A_142] : memref<2x!tpu.dma_semaphore, #tpu.memory_space<semaphore_mem>> -> memref<1x!tpu.dma_semaphore, #tpu.memory_space<semaphore_mem>>
        %dma_start3A_290 = tpu.memref_squeeze %dma_start3A_289 : memref<1x!tpu.dma_semaphore, #tpu.memory_space<semaphore_mem>> -> memref<!tpu.dma_semaphore, #tpu.memory_space<semaphore_mem>>
        tpu.enqueue_indirect_dma source(%dma_start3A_288 : memref<50000x32xf32, #tpu.memory_space<hbm>>) target(%dma_start3A_278 : memref<128x32xf32, #tpu.memory_space<vmem>>) offsets(%dma_start3A_281 : memref<128xi32, #tpu.memory_space<vmem>>) semaphore(%dma_start3A_290 : memref<!tpu.dma_semaphore, #tpu.memory_space<semaphore_mem>>)
        %dma_start3A_291 = arith.constant 2 : i32
        %dma_start3A_292 = arith.constant 0 : i32
        %dma_start3A_293 = arith.constant 256 : i32
        %dma_start3A_294 = arith.constant 0 : i32
        %dma_start3A_295 = tpu.memref_slice %arg8[%sub3A_142, %dma_start3A_293, %dma_start3A_294] : memref<2x384x32xf32, #tpu.memory_space<vmem>> -> memref<1x128x32xf32, #tpu.memory_space<vmem>>
        %dma_start3A_296 = tpu.memref_squeeze %dma_start3A_295 : memref<1x128x32xf32, #tpu.memory_space<vmem>> -> memref<128x32xf32, #tpu.memory_space<vmem>>
        %dma_start3A_297 = arith.constant 0 : i32
        %dma_start3A_298 = tpu.memref_slice %arg7[%sub3A_142, %dma_start3A_291, %dma_start3A_292, %dma_start3A_297] : memref<2x3x2x128xi32, #tpu.memory_space<vmem>> -> memref<1x1x1x128xi32, #tpu.memory_space<vmem>>
        %dma_start3A_299 = tpu.memref_squeeze %dma_start3A_298 : memref<1x1x1x128xi32, #tpu.memory_space<vmem>> -> memref<128xi32, #tpu.memory_space<vmem>>
        %dma_start3A_300 = arith.constant 0 : i32
        %dma_start3A_301 = arith.constant 0 : i32
        %dma_start3A_302 = tpu.memref_slice %arg2[%arg0, %dma_start3A_300, %dma_start3A_301] : memref<2x50000x32xf32, #tpu.memory_space<hbm>> -> memref<1x50000x32xf32, #tpu.memory_space<hbm>>
        %dma_start3A_303 = tpu.memref_squeeze %dma_start3A_302 : memref<1x50000x32xf32, #tpu.memory_space<hbm>> -> memref<50000x32xf32, #tpu.memory_space<hbm>>
        %dma_start3A_304 = arith.constant 0 : i32
        %dma_start3A_305 = arith.constant 0 : i32
        %dma_start3A_306 = tpu.memref_slice %dma_start3A_303[%dma_start3A_304, %dma_start3A_305] : memref<50000x32xf32, #tpu.memory_space<hbm>> -> memref<50000x32xf32, #tpu.memory_space<hbm>>
        %dma_start3A_307 = tpu.memref_slice %arg9[%sub3A_142] : memref<2x!tpu.dma_semaphore, #tpu.memory_space<semaphore_mem>> -> memref<1x!tpu.dma_semaphore, #tpu.memory_space<semaphore_mem>>
        %dma_start3A_308 = tpu.memref_squeeze %dma_start3A_307 : memref<1x!tpu.dma_semaphore, #tpu.memory_space<semaphore_mem>> -> memref<!tpu.dma_semaphore, #tpu.memory_space<semaphore_mem>>
        tpu.enqueue_indirect_dma source(%dma_start3A_306 : memref<50000x32xf32, #tpu.memory_space<hbm>>) target(%dma_start3A_296 : memref<128x32xf32, #tpu.memory_space<vmem>>) offsets(%dma_start3A_299 : memref<128xi32, #tpu.memory_space<vmem>>) semaphore(%dma_start3A_308 : memref<!tpu.dma_semaphore, #tpu.memory_space<semaphore_mem>>)
      } else {
      }
      %dma_wait3A_154 = arith.constant 0 : i32
      %dma_wait3A_155 = arith.constant 0 : i32
      %dma_wait3A_156 = arith.constant 0 : i32
      %dma_wait3A_157 = arith.constant 0 : i32
      %dma_wait3A_158 = tpu.memref_slice %arg8[%select_n3A_141, %dma_wait3A_156, %dma_wait3A_157] : memref<2x384x32xf32, #tpu.memory_space<vmem>> -> memref<1x128x32xf32, #tpu.memory_space<vmem>>
      %dma_wait3A_159 = tpu.memref_squeeze %dma_wait3A_158 : memref<1x128x32xf32, #tpu.memory_space<vmem>> -> memref<128x32xf32, #tpu.memory_space<vmem>>
      %dma_wait3A_160 = arith.constant 0 : i32
      %dma_wait3A_161 = tpu.memref_slice %arg7[%select_n3A_141, %dma_wait3A_154, %dma_wait3A_155, %dma_wait3A_160] : memref<2x3x2x128xi32, #tpu.memory_space<vmem>> -> memref<1x1x1x128xi32, #tpu.memory_space<vmem>>
      %dma_wait3A_162 = tpu.memref_squeeze %dma_wait3A_161 : memref<1x1x1x128xi32, #tpu.memory_space<vmem>> -> memref<128xi32, #tpu.memory_space<vmem>>
      %dma_wait3A_163 = arith.constant 0 : i32
      %dma_wait3A_164 = arith.constant 0 : i32
      %dma_wait3A_165 = tpu.memref_slice %arg2[%arg0, %dma_wait3A_163, %dma_wait3A_164] : memref<2x50000x32xf32, #tpu.memory_space<hbm>> -> memref<1x50000x32xf32, #tpu.memory_space<hbm>>
      %dma_wait3A_166 = tpu.memref_squeeze %dma_wait3A_165 : memref<1x50000x32xf32, #tpu.memory_space<hbm>> -> memref<50000x32xf32, #tpu.memory_space<hbm>>
      %dma_wait3A_167 = arith.constant 0 : i32
      %dma_wait3A_168 = arith.constant 0 : i32
      %dma_wait3A_169 = tpu.memref_slice %dma_wait3A_166[%dma_wait3A_167, %dma_wait3A_168] : memref<50000x32xf32, #tpu.memory_space<hbm>> -> memref<50000x32xf32, #tpu.memory_space<hbm>>
      %dma_wait3A_170 = tpu.memref_slice %arg9[%select_n3A_141] : memref<2x!tpu.dma_semaphore, #tpu.memory_space<semaphore_mem>> -> memref<1x!tpu.dma_semaphore, #tpu.memory_space<semaphore_mem>>
      %dma_wait3A_171 = tpu.memref_squeeze %dma_wait3A_170 : memref<1x!tpu.dma_semaphore, #tpu.memory_space<semaphore_mem>> -> memref<!tpu.dma_semaphore, #tpu.memory_space<semaphore_mem>>
      tpu.wait_indirect_dma semaphore(%dma_wait3A_171 : memref<!tpu.dma_semaphore, #tpu.memory_space<semaphore_mem>>) src(%dma_wait3A_169 : memref<50000x32xf32, #tpu.memory_space<hbm>>) dst(%dma_wait3A_159 : memref<128x32xf32, #tpu.memory_space<vmem>>)
      %dma_start3A_172 = arith.constant 0 : i32
      %dma_start3A_173 = arith.constant 1 : i32
      %dma_start3A_174 = arith.constant 0 : i32
      %dma_start3A_175 = arith.constant 0 : i32
      %dma_start3A_176 = tpu.memref_slice %arg8[%select_n3A_141, %dma_start3A_174, %dma_start3A_175] : memref<2x384x32xf32, #tpu.memory_space<vmem>> -> memref<1x128x32xf32, #tpu.memory_space<vmem>>
      %dma_start3A_177 = tpu.memref_squeeze %dma_start3A_176 : memref<1x128x32xf32, #tpu.memory_space<vmem>> -> memref<128x32xf32, #tpu.memory_space<vmem>>
      %dma_start3A_178 = arith.constant 0 : i32
      %dma_start3A_179 = tpu.memref_slice %arg7[%select_n3A_141, %dma_start3A_172, %dma_start3A_173, %dma_start3A_178] : memref<2x3x2x128xi32, #tpu.memory_space<vmem>> -> memref<1x1x1x128xi32, #tpu.memory_space<vmem>>
      %dma_start3A_180 = tpu.memref_squeeze %dma_start3A_179 : memref<1x1x1x128xi32, #tpu.memory_space<vmem>> -> memref<128xi32, #tpu.memory_space<vmem>>
      %dma_start3A_181 = arith.constant 0 : i32
      %dma_start3A_182 = arith.constant 0 : i32
      %dma_start3A_183 = tpu.memref_slice %arg6[%dma_start3A_181, %dma_start3A_182] : memref<50048x32xf32, #tpu.memory_space<vmem_shared>> -> memref<50048x32xf32, #tpu.memory_space<vmem_shared>>
      %dma_start3A_184 = tpu.memref_slice %arg10[%select_n3A_141] : memref<2x!tpu.dma_semaphore, #tpu.memory_space<semaphore_mem>> -> memref<1x!tpu.dma_semaphore, #tpu.memory_space<semaphore_mem>>
      %dma_start3A_185 = tpu.memref_squeeze %dma_start3A_184 : memref<1x!tpu.dma_semaphore, #tpu.memory_space<semaphore_mem>> -> memref<!tpu.dma_semaphore, #tpu.memory_space<semaphore_mem>>
      tpu.enqueue_indirect_dma source(%dma_start3A_177 : memref<128x32xf32, #tpu.memory_space<vmem>>) target(%dma_start3A_183 : memref<50048x32xf32, #tpu.memory_space<vmem_shared>>) offsets(%dma_start3A_180 : memref<128xi32, #tpu.memory_space<vmem>>) semaphore(%dma_start3A_185 : memref<!tpu.dma_semaphore, #tpu.memory_space<semaphore_mem>>) {add = true}
      %dma_wait3A_186 = arith.constant 1 : i32
      %dma_wait3A_187 = arith.constant 0 : i32
      %dma_wait3A_188 = arith.constant 128 : i32
      %dma_wait3A_189 = arith.constant 0 : i32
      %dma_wait3A_190 = tpu.memref_slice %arg8[%select_n3A_141, %dma_wait3A_188, %dma_wait3A_189] : memref<2x384x32xf32, #tpu.memory_space<vmem>> -> memref<1x128x32xf32, #tpu.memory_space<vmem>>
      %dma_wait3A_191 = tpu.memref_squeeze %dma_wait3A_190 : memref<1x128x32xf32, #tpu.memory_space<vmem>> -> memref<128x32xf32, #tpu.memory_space<vmem>>
      %dma_wait3A_192 = arith.constant 0 : i32
      %dma_wait3A_193 = tpu.memref_slice %arg7[%select_n3A_141, %dma_wait3A_186, %dma_wait3A_187, %dma_wait3A_192] : memref<2x3x2x128xi32, #tpu.memory_space<vmem>> -> memref<1x1x1x128xi32, #tpu.memory_space<vmem>>
      %dma_wait3A_194 = tpu.memref_squeeze %dma_wait3A_193 : memref<1x1x1x128xi32, #tpu.memory_space<vmem>> -> memref<128xi32, #tpu.memory_space<vmem>>
      %dma_wait3A_195 = arith.constant 0 : i32
      %dma_wait3A_196 = arith.constant 0 : i32
      %dma_wait3A_197 = tpu.memref_slice %arg2[%arg0, %dma_wait3A_195, %dma_wait3A_196] : memref<2x50000x32xf32, #tpu.memory_space<hbm>> -> memref<1x50000x32xf32, #tpu.memory_space<hbm>>
      %dma_wait3A_198 = tpu.memref_squeeze %dma_wait3A_197 : memref<1x50000x32xf32, #tpu.memory_space<hbm>> -> memref<50000x32xf32, #tpu.memory_space<hbm>>
      %dma_wait3A_199 = arith.constant 0 : i32
      %dma_wait3A_200 = arith.constant 0 : i32
      %dma_wait3A_201 = tpu.memref_slice %dma_wait3A_198[%dma_wait3A_199, %dma_wait3A_200] : memref<50000x32xf32, #tpu.memory_space<hbm>> -> memref<50000x32xf32, #tpu.memory_space<hbm>>
      %dma_wait3A_202 = tpu.memref_slice %arg9[%select_n3A_141] : memref<2x!tpu.dma_semaphore, #tpu.memory_space<semaphore_mem>> -> memref<1x!tpu.dma_semaphore, #tpu.memory_space<semaphore_mem>>
      %dma_wait3A_203 = tpu.memref_squeeze %dma_wait3A_202 : memref<1x!tpu.dma_semaphore, #tpu.memory_space<semaphore_mem>> -> memref<!tpu.dma_semaphore, #tpu.memory_space<semaphore_mem>>
      tpu.wait_indirect_dma semaphore(%dma_wait3A_203 : memref<!tpu.dma_semaphore, #tpu.memory_space<semaphore_mem>>) src(%dma_wait3A_201 : memref<50000x32xf32, #tpu.memory_space<hbm>>) dst(%dma_wait3A_191 : memref<128x32xf32, #tpu.memory_space<vmem>>)
      %dma_start3A_204 = arith.constant 1 : i32
      %dma_start3A_205 = arith.constant 1 : i32
      %dma_start3A_206 = arith.constant 128 : i32
      %dma_start3A_207 = arith.constant 0 : i32
      %dma_start3A_208 = tpu.memref_slice %arg8[%select_n3A_141, %dma_start3A_206, %dma_start3A_207] : memref<2x384x32xf32, #tpu.memory_space<vmem>> -> memref<1x128x32xf32, #tpu.memory_space<vmem>>
      %dma_start3A_209 = tpu.memref_squeeze %dma_start3A_208 : memref<1x128x32xf32, #tpu.memory_space<vmem>> -> memref<128x32xf32, #tpu.memory_space<vmem>>
      %dma_start3A_210 = arith.constant 0 : i32
      %dma_start3A_211 = tpu.memref_slice %arg7[%select_n3A_141, %dma_start3A_204, %dma_start3A_205, %dma_start3A_210] : memref<2x3x2x128xi32, #tpu.memory_space<vmem>> -> memref<1x1x1x128xi32, #tpu.memory_space<vmem>>
      %dma_start3A_212 = tpu.memref_squeeze %dma_start3A_211 : memref<1x1x1x128xi32, #tpu.memory_space<vmem>> -> memref<128xi32, #tpu.memory_space<vmem>>
      %dma_start3A_213 = arith.constant 0 : i32
      %dma_start3A_214 = arith.constant 0 : i32
      %dma_start3A_215 = tpu.memref_slice %arg6[%dma_start3A_213, %dma_start3A_214] : memref<50048x32xf32, #tpu.memory_space<vmem_shared>> -> memref<50048x32xf32, #tpu.memory_space<vmem_shared>>
      %dma_start3A_216 = tpu.memref_slice %arg10[%select_n3A_141] : memref<2x!tpu.dma_semaphore, #tpu.memory_space<semaphore_mem>> -> memref<1x!tpu.dma_semaphore, #tpu.memory_space<semaphore_mem>>
      %dma_start3A_217 = tpu.memref_squeeze %dma_start3A_216 : memref<1x!tpu.dma_semaphore, #tpu.memory_space<semaphore_mem>> -> memref<!tpu.dma_semaphore, #tpu.memory_space<semaphore_mem>>
      tpu.enqueue_indirect_dma source(%dma_start3A_209 : memref<128x32xf32, #tpu.memory_space<vmem>>) target(%dma_start3A_215 : memref<50048x32xf32, #tpu.memory_space<vmem_shared>>) offsets(%dma_start3A_212 : memref<128xi32, #tpu.memory_space<vmem>>) semaphore(%dma_start3A_217 : memref<!tpu.dma_semaphore, #tpu.memory_space<semaphore_mem>>) {add = true}
      %dma_wait3A_218 = arith.constant 2 : i32
      %dma_wait3A_219 = arith.constant 0 : i32
      %dma_wait3A_220 = arith.constant 256 : i32
      %dma_wait3A_221 = arith.constant 0 : i32
      %dma_wait3A_222 = tpu.memref_slice %arg8[%select_n3A_141, %dma_wait3A_220, %dma_wait3A_221] : memref<2x384x32xf32, #tpu.memory_space<vmem>> -> memref<1x128x32xf32, #tpu.memory_space<vmem>>
      %dma_wait3A_223 = tpu.memref_squeeze %dma_wait3A_222 : memref<1x128x32xf32, #tpu.memory_space<vmem>> -> memref<128x32xf32, #tpu.memory_space<vmem>>
      %dma_wait3A_224 = arith.constant 0 : i32
      %dma_wait3A_225 = tpu.memref_slice %arg7[%select_n3A_141, %dma_wait3A_218, %dma_wait3A_219, %dma_wait3A_224] : memref<2x3x2x128xi32, #tpu.memory_space<vmem>> -> memref<1x1x1x128xi32, #tpu.memory_space<vmem>>
      %dma_wait3A_226 = tpu.memref_squeeze %dma_wait3A_225 : memref<1x1x1x128xi32, #tpu.memory_space<vmem>> -> memref<128xi32, #tpu.memory_space<vmem>>
      %dma_wait3A_227 = arith.constant 0 : i32
      %dma_wait3A_228 = arith.constant 0 : i32
      %dma_wait3A_229 = tpu.memref_slice %arg2[%arg0, %dma_wait3A_227, %dma_wait3A_228] : memref<2x50000x32xf32, #tpu.memory_space<hbm>> -> memref<1x50000x32xf32, #tpu.memory_space<hbm>>
      %dma_wait3A_230 = tpu.memref_squeeze %dma_wait3A_229 : memref<1x50000x32xf32, #tpu.memory_space<hbm>> -> memref<50000x32xf32, #tpu.memory_space<hbm>>
      %dma_wait3A_231 = arith.constant 0 : i32
      %dma_wait3A_232 = arith.constant 0 : i32
      %dma_wait3A_233 = tpu.memref_slice %dma_wait3A_230[%dma_wait3A_231, %dma_wait3A_232] : memref<50000x32xf32, #tpu.memory_space<hbm>> -> memref<50000x32xf32, #tpu.memory_space<hbm>>
      %dma_wait3A_234 = tpu.memref_slice %arg9[%select_n3A_141] : memref<2x!tpu.dma_semaphore, #tpu.memory_space<semaphore_mem>> -> memref<1x!tpu.dma_semaphore, #tpu.memory_space<semaphore_mem>>
      %dma_wait3A_235 = tpu.memref_squeeze %dma_wait3A_234 : memref<1x!tpu.dma_semaphore, #tpu.memory_space<semaphore_mem>> -> memref<!tpu.dma_semaphore, #tpu.memory_space<semaphore_mem>>
      tpu.wait_indirect_dma semaphore(%dma_wait3A_235 : memref<!tpu.dma_semaphore, #tpu.memory_space<semaphore_mem>>) src(%dma_wait3A_233 : memref<50000x32xf32, #tpu.memory_space<hbm>>) dst(%dma_wait3A_223 : memref<128x32xf32, #tpu.memory_space<vmem>>)
      %dma_start3A_236 = arith.constant 2 : i32
      %dma_start3A_237 = arith.constant 1 : i32
      %dma_start3A_238 = arith.constant 256 : i32
      %dma_start3A_239 = arith.constant 0 : i32
      %dma_start3A_240 = tpu.memref_slice %arg8[%select_n3A_141, %dma_start3A_238, %dma_start3A_239] : memref<2x384x32xf32, #tpu.memory_space<vmem>> -> memref<1x128x32xf32, #tpu.memory_space<vmem>>
      %dma_start3A_241 = tpu.memref_squeeze %dma_start3A_240 : memref<1x128x32xf32, #tpu.memory_space<vmem>> -> memref<128x32xf32, #tpu.memory_space<vmem>>
      %dma_start3A_242 = arith.constant 0 : i32
      %dma_start3A_243 = tpu.memref_slice %arg7[%select_n3A_141, %dma_start3A_236, %dma_start3A_237, %dma_start3A_242] : memref<2x3x2x128xi32, #tpu.memory_space<vmem>> -> memref<1x1x1x128xi32, #tpu.memory_space<vmem>>
      %dma_start3A_244 = tpu.memref_squeeze %dma_start3A_243 : memref<1x1x1x128xi32, #tpu.memory_space<vmem>> -> memref<128xi32, #tpu.memory_space<vmem>>
      %dma_start3A_245 = arith.constant 0 : i32
      %dma_start3A_246 = arith.constant 0 : i32
      %dma_start3A_247 = tpu.memref_slice %arg6[%dma_start3A_245, %dma_start3A_246] : memref<50048x32xf32, #tpu.memory_space<vmem_shared>> -> memref<50048x32xf32, #tpu.memory_space<vmem_shared>>
      %dma_start3A_248 = tpu.memref_slice %arg10[%select_n3A_141] : memref<2x!tpu.dma_semaphore, #tpu.memory_space<semaphore_mem>> -> memref<1x!tpu.dma_semaphore, #tpu.memory_space<semaphore_mem>>
      %dma_start3A_249 = tpu.memref_squeeze %dma_start3A_248 : memref<1x!tpu.dma_semaphore, #tpu.memory_space<semaphore_mem>> -> memref<!tpu.dma_semaphore, #tpu.memory_space<semaphore_mem>>
      tpu.enqueue_indirect_dma source(%dma_start3A_241 : memref<128x32xf32, #tpu.memory_space<vmem>>) target(%dma_start3A_247 : memref<50048x32xf32, #tpu.memory_space<vmem_shared>>) offsets(%dma_start3A_244 : memref<128xi32, #tpu.memory_space<vmem>>) semaphore(%dma_start3A_249 : memref<!tpu.dma_semaphore, #tpu.memory_space<semaphore_mem>>) {add = true}
    }
    %scan3A_72 = arith.constant 132 : i32
    %dma_wait3A = arith.constant 1 : i32
    %dma_wait3A_73 = arith.constant 1 : i32
    %dma_wait3A_74 = arith.constant 0 : i32
    %dma_wait3A_75 = arith.constant 1 : i32
    %dma_wait3A_76 = arith.constant 1 : i32
    %dma_wait3A_77 = arith.constant 0 : i32
    %dma_wait3A_78 = arith.constant 0 : i32
    %dma_wait3A_79 = tpu.memref_slice %arg8[%dma_wait3A, %dma_wait3A_77, %dma_wait3A_78] : memref<2x384x32xf32, #tpu.memory_space<vmem>> -> memref<1x128x32xf32, #tpu.memory_space<vmem>>
    %dma_wait3A_80 = tpu.memref_squeeze %dma_wait3A_79 : memref<1x128x32xf32, #tpu.memory_space<vmem>> -> memref<128x32xf32, #tpu.memory_space<vmem>>
    %dma_wait3A_81 = arith.constant 0 : i32
    %dma_wait3A_82 = tpu.memref_slice %arg7[%dma_wait3A_73, %dma_wait3A_74, %dma_wait3A_75, %dma_wait3A_81] : memref<2x3x2x128xi32, #tpu.memory_space<vmem>> -> memref<1x1x1x128xi32, #tpu.memory_space<vmem>>
    %dma_wait3A_83 = tpu.memref_squeeze %dma_wait3A_82 : memref<1x1x1x128xi32, #tpu.memory_space<vmem>> -> memref<128xi32, #tpu.memory_space<vmem>>
    %dma_wait3A_84 = arith.constant 0 : i32
    %dma_wait3A_85 = arith.constant 0 : i32
    %dma_wait3A_86 = tpu.memref_slice %arg6[%dma_wait3A_84, %dma_wait3A_85] : memref<50048x32xf32, #tpu.memory_space<vmem_shared>> -> memref<50048x32xf32, #tpu.memory_space<vmem_shared>>
    %dma_wait3A_87 = tpu.memref_slice %arg10[%dma_wait3A_76] : memref<2x!tpu.dma_semaphore, #tpu.memory_space<semaphore_mem>> -> memref<1x!tpu.dma_semaphore, #tpu.memory_space<semaphore_mem>>
    %dma_wait3A_88 = tpu.memref_squeeze %dma_wait3A_87 : memref<1x!tpu.dma_semaphore, #tpu.memory_space<semaphore_mem>> -> memref<!tpu.dma_semaphore, #tpu.memory_space<semaphore_mem>>
    tpu.wait_indirect_dma semaphore(%dma_wait3A_88 : memref<!tpu.dma_semaphore, #tpu.memory_space<semaphore_mem>>) src(%dma_wait3A_80 : memref<128x32xf32, #tpu.memory_space<vmem>>) dst(%dma_wait3A_86 : memref<50048x32xf32, #tpu.memory_space<vmem_shared>>)
    %dma_wait3A_89 = arith.constant 1 : i32
    %dma_wait3A_90 = arith.constant 1 : i32
    %dma_wait3A_91 = arith.constant 1 : i32
    %dma_wait3A_92 = arith.constant 1 : i32
    %dma_wait3A_93 = arith.constant 1 : i32
    %dma_wait3A_94 = arith.constant 128 : i32
    %dma_wait3A_95 = arith.constant 0 : i32
    %dma_wait3A_96 = tpu.memref_slice %arg8[%dma_wait3A_89, %dma_wait3A_94, %dma_wait3A_95] : memref<2x384x32xf32, #tpu.memory_space<vmem>> -> memref<1x128x32xf32, #tpu.memory_space<vmem>>
    %dma_wait3A_97 = tpu.memref_squeeze %dma_wait3A_96 : memref<1x128x32xf32, #tpu.memory_space<vmem>> -> memref<128x32xf32, #tpu.memory_space<vmem>>
    %dma_wait3A_98 = arith.constant 0 : i32
    %dma_wait3A_99 = tpu.memref_slice %arg7[%dma_wait3A_90, %dma_wait3A_91, %dma_wait3A_92, %dma_wait3A_98] : memref<2x3x2x128xi32, #tpu.memory_space<vmem>> -> memref<1x1x1x128xi32, #tpu.memory_space<vmem>>
    %dma_wait3A_100 = tpu.memref_squeeze %dma_wait3A_99 : memref<1x1x1x128xi32, #tpu.memory_space<vmem>> -> memref<128xi32, #tpu.memory_space<vmem>>
    %dma_wait3A_101 = arith.constant 0 : i32
    %dma_wait3A_102 = arith.constant 0 : i32
    %dma_wait3A_103 = tpu.memref_slice %arg6[%dma_wait3A_101, %dma_wait3A_102] : memref<50048x32xf32, #tpu.memory_space<vmem_shared>> -> memref<50048x32xf32, #tpu.memory_space<vmem_shared>>
    %dma_wait3A_104 = tpu.memref_slice %arg10[%dma_wait3A_93] : memref<2x!tpu.dma_semaphore, #tpu.memory_space<semaphore_mem>> -> memref<1x!tpu.dma_semaphore, #tpu.memory_space<semaphore_mem>>
    %dma_wait3A_105 = tpu.memref_squeeze %dma_wait3A_104 : memref<1x!tpu.dma_semaphore, #tpu.memory_space<semaphore_mem>> -> memref<!tpu.dma_semaphore, #tpu.memory_space<semaphore_mem>>
    tpu.wait_indirect_dma semaphore(%dma_wait3A_105 : memref<!tpu.dma_semaphore, #tpu.memory_space<semaphore_mem>>) src(%dma_wait3A_97 : memref<128x32xf32, #tpu.memory_space<vmem>>) dst(%dma_wait3A_103 : memref<50048x32xf32, #tpu.memory_space<vmem_shared>>)
    %dma_wait3A_106 = arith.constant 1 : i32
    %dma_wait3A_107 = arith.constant 1 : i32
    %dma_wait3A_108 = arith.constant 2 : i32
    %dma_wait3A_109 = arith.constant 1 : i32
    %dma_wait3A_110 = arith.constant 1 : i32
    %dma_wait3A_111 = arith.constant 256 : i32
    %dma_wait3A_112 = arith.constant 0 : i32
    %dma_wait3A_113 = tpu.memref_slice %arg8[%dma_wait3A_106, %dma_wait3A_111, %dma_wait3A_112] : memref<2x384x32xf32, #tpu.memory_space<vmem>> -> memref<1x128x32xf32, #tpu.memory_space<vmem>>
    %dma_wait3A_114 = tpu.memref_squeeze %dma_wait3A_113 : memref<1x128x32xf32, #tpu.memory_space<vmem>> -> memref<128x32xf32, #tpu.memory_space<vmem>>
    %dma_wait3A_115 = arith.constant 0 : i32
    %dma_wait3A_116 = tpu.memref_slice %arg7[%dma_wait3A_107, %dma_wait3A_108, %dma_wait3A_109, %dma_wait3A_115] : memref<2x3x2x128xi32, #tpu.memory_space<vmem>> -> memref<1x1x1x128xi32, #tpu.memory_space<vmem>>
    %dma_wait3A_117 = tpu.memref_squeeze %dma_wait3A_116 : memref<1x1x1x128xi32, #tpu.memory_space<vmem>> -> memref<128xi32, #tpu.memory_space<vmem>>
    %dma_wait3A_118 = arith.constant 0 : i32
    %dma_wait3A_119 = arith.constant 0 : i32
    %dma_wait3A_120 = tpu.memref_slice %arg6[%dma_wait3A_118, %dma_wait3A_119] : memref<50048x32xf32, #tpu.memory_space<vmem_shared>> -> memref<50048x32xf32, #tpu.memory_space<vmem_shared>>
    %dma_wait3A_121 = tpu.memref_slice %arg10[%dma_wait3A_110] : memref<2x!tpu.dma_semaphore, #tpu.memory_space<semaphore_mem>> -> memref<1x!tpu.dma_semaphore, #tpu.memory_space<semaphore_mem>>
    %dma_wait3A_122 = tpu.memref_squeeze %dma_wait3A_121 : memref<1x!tpu.dma_semaphore, #tpu.memory_space<semaphore_mem>> -> memref<!tpu.dma_semaphore, #tpu.memory_space<semaphore_mem>>
    tpu.wait_indirect_dma semaphore(%dma_wait3A_122 : memref<!tpu.dma_semaphore, #tpu.memory_space<semaphore_mem>>) src(%dma_wait3A_114 : memref<128x32xf32, #tpu.memory_space<vmem>>) dst(%dma_wait3A_120 : memref<50048x32xf32, #tpu.memory_space<vmem_shared>>)
    %barrier3A_123 = arith.constant 0 : index
    tpu.barrier barrier_id(%barrier3A_123)
    %lt3A = arith.constant 15 : i32
    %lt3A_124 = arith.cmpi slt, %arg1, %lt3A : i32
    %convert_element_type3A = arith.extui %lt3A_124 : i1 to i32
    %cond3A = arith.constant 0 : i32
    %cond3A_125 = arith.cmpi ne, %convert_element_type3A, %cond3A : i32
    scf.if %cond3A_125 {
      %mul3A_130 = arith.constant 3128 : i32
      %mul3A_131 = arith.muli %arg1, %mul3A_130 : i32
      %mul3A_132 = arith.constant 50000 : i32
      %mul3A_133 = arith.muli %arg0, %mul3A_132 : i32
      %mul3A_134 = arith.constant 3128 : i32
      %mul3A_135 = arith.muli %arg1, %mul3A_134 : i32
      %add3A_136 = arith.addi %mul3A_133, %mul3A_135 : i32
      "tpu.region"() ({
        %run_scoped3A_137 = tpu.sem_alloc : memref<!tpu.dma_semaphore, #tpu.memory_space<semaphore_mem>>
        %dma_start3A_138 = arith.constant 0 : i32
        %dma_start3A_139 = tpu.memref_slice %arg5[%add3A_136, %dma_start3A_138] : memref<100000x32xf32, #tpu.memory_space<hbm>> -> memref<3128x32xf32, #tpu.memory_space<hbm>>
        %dma_start3A_140 = arith.constant 0 : i32
        %dma_start3A_141 = tpu.memref_slice %arg6[%mul3A_131, %dma_start3A_140] : memref<50048x32xf32, #tpu.memory_space<vmem_shared>> -> memref<3128x32xf32, #tpu.memory_space<vmem_shared>>
        tpu.enqueue_dma source(%dma_start3A_141 : memref<3128x32xf32, #tpu.memory_space<vmem_shared>>) target(%dma_start3A_139 : memref<3128x32xf32, #tpu.memory_space<hbm>>) target_semaphore(%run_scoped3A_137 : memref<!tpu.dma_semaphore, #tpu.memory_space<semaphore_mem>>)
        %dma_wait3A_142 = arith.constant 0 : i32
        %dma_wait3A_143 = tpu.memref_slice %arg5[%add3A_136, %dma_wait3A_142] : memref<100000x32xf32, #tpu.memory_space<hbm>> -> memref<3128x32xf32, #tpu.memory_space<hbm>>
        %dma_wait3A_144 = arith.constant 0 : i32
        %dma_wait3A_145 = tpu.memref_slice %arg6[%mul3A_131, %dma_wait3A_144] : memref<50048x32xf32, #tpu.memory_space<vmem_shared>> -> memref<3128x32xf32, #tpu.memory_space<vmem_shared>>
        tpu.wait_dma2 semaphore(%run_scoped3A_137 : memref<!tpu.dma_semaphore, #tpu.memory_space<semaphore_mem>>) src(%dma_wait3A_145 : memref<3128x32xf32, #tpu.memory_space<vmem_shared>>) dst(%dma_wait3A_143 : memref<3128x32xf32, #tpu.memory_space<hbm>>)
        tpu.yield
      }) : () -> ()
    } else {
    }
    %eq3A = arith.constant 15 : i32
    %eq3A_126 = arith.cmpi eq, %arg1, %eq3A : i32
    %convert_element_type3A_127 = arith.extui %eq3A_126 : i1 to i32
    %cond3A_128 = arith.constant 0 : i32
    %cond3A_129 = arith.cmpi ne, %convert_element_type3A_127, %cond3A_128 : i32
    scf.if %cond3A_129 {
      %mul3A_130 = arith.constant 50000 : i32
      %mul3A_131 = arith.muli %arg0, %mul3A_130 : i32
      %add3A_132 = arith.constant 46920 : i32
      %add3A_133 = arith.addi %mul3A_131, %add3A_132 : i32
      "tpu.region"() ({
        %run_scoped3A_134 = tpu.sem_alloc : memref<!tpu.dma_semaphore, #tpu.memory_space<semaphore_mem>>
        %dma_start3A_135 = arith.constant 0 : i32
        %dma_start3A_136 = tpu.memref_slice %arg5[%add3A_133, %dma_start3A_135] : memref<100000x32xf32, #tpu.memory_space<hbm>> -> memref<3080x32xf32, #tpu.memory_space<hbm>>
        %dma_start3A_137 = arith.constant 46920 : i32
        %dma_start3A_138 = arith.constant 0 : i32
        %dma_start3A_139 = tpu.memref_slice %arg6[%dma_start3A_137, %dma_start3A_138] : memref<50048x32xf32, #tpu.memory_space<vmem_shared>> -> memref<3080x32xf32, #tpu.memory_space<vmem_shared>>
        tpu.enqueue_dma source(%dma_start3A_139 : memref<3080x32xf32, #tpu.memory_space<vmem_shared>>) target(%dma_start3A_136 : memref<3080x32xf32, #tpu.memory_space<hbm>>) target_semaphore(%run_scoped3A_134 : memref<!tpu.dma_semaphore, #tpu.memory_space<semaphore_mem>>)
        %dma_wait3A_140 = arith.constant 0 : i32
        %dma_wait3A_141 = tpu.memref_slice %arg5[%add3A_133, %dma_wait3A_140] : memref<100000x32xf32, #tpu.memory_space<hbm>> -> memref<3080x32xf32, #tpu.memory_space<hbm>>
        %dma_wait3A_142 = arith.constant 46920 : i32
        %dma_wait3A_143 = arith.constant 0 : i32
        %dma_wait3A_144 = tpu.memref_slice %arg6[%dma_wait3A_142, %dma_wait3A_143] : memref<50048x32xf32, #tpu.memory_space<vmem_shared>> -> memref<3080x32xf32, #tpu.memory_space<vmem_shared>>
        tpu.wait_dma2 semaphore(%run_scoped3A_134 : memref<!tpu.dma_semaphore, #tpu.memory_space<semaphore_mem>>) src(%dma_wait3A_144 : memref<3080x32xf32, #tpu.memory_space<vmem_shared>>) dst(%dma_wait3A_141 : memref<3080x32xf32, #tpu.memory_space<hbm>>)
        tpu.yield
      }) : () -> ()
    } else {
    }
    return
  }
}

module attributes {stable_mosaic.version = 14 : i64} {
  func.func @_t0_body(%arg0: i32, %arg1: memref<2000x128xf32, #tpu.memory_space<vmem>>, %arg2: memref<128x64xf32, #tpu.memory_space<vmem>>, %arg3: memref<2x2000x32xf32, #tpu.memory_space<vmem>>) attributes {dimension_semantics = [#tpu.dimension_semantics<arbitrary>], iteration_bounds = array<i64: 25>, scalar_prefetch = 0 : i64, scratch_operands = 0 : i64, tpu.core_type = #tpu.core_type<tc>, window_params = [{transform_indices = @transform_0, window_bounds = array<i64: 2000, 128>}, {pipeline_mode = #tpu.pipeline_mode<synchronous>, transform_indices = @transform_1, window_bounds = array<i64: 128, 64>}, {transform_indices = @transform_2, window_bounds = array<i64: 2, 2000, 32>}]} {
    %get3A = arith.constant 0 : index
    %get3A_0 = arith.constant 0 : index
    %get3A_1 = vector.load %arg1[%get3A, %get3A_0] : memref<2000x128xf32, #tpu.memory_space<vmem>>, vector<2000x128xf32>
    %get3A_2 = arith.constant 0 : index
    %get3A_3 = arith.constant 0 : index
    %get3A_4 = vector.load %arg2[%get3A_2, %get3A_3] : memref<128x64xf32, #tpu.memory_space<vmem>>, vector<128x64xf32>
    %dot_general3A = arith.constant dense<0.000000e+00> : vector<2000x64xf32>
    %dot_general3A_5 = tpu.matmul %get3A_1, %get3A_4, %dot_general3A {dimension_numbers = #tpu.dot_dimension_numbers<[1], [0], [0], [1], [0, 0, 1, 1], [], []>, transpose_lhs_hint = false} : vector<2000x128xf32>, vector<128x64xf32>, vector<2000x64xf32> -> vector<2000x64xf32>
    %slice3A = vector.extract_strided_slice %dot_general3A_5 {offsets = [0, 0], sizes = [2000, 32], strides = [1, 1]} : vector<2000x64xf32> to vector<2000x32xf32>
    %swap3A = arith.constant 0 : index
    %swap3A_6 = arith.constant 0 : index
    %swap3A_7 = arith.constant 0 : index
    %swap3A_8 = vector.load %arg3[%swap3A, %swap3A_6, %swap3A_7] : memref<2x2000x32xf32, #tpu.memory_space<vmem>>, vector<1x2000x32xf32>
    %swap3A_9 = vector.shape_cast %swap3A_8 : vector<1x2000x32xf32> to vector<2000x32xf32>
    %swap3A_10 = vector.shape_cast %slice3A : vector<2000x32xf32> to vector<1x2000x32xf32>
    tpu.vector_store %arg3[%swap3A, %swap3A_6, %swap3A_7], %swap3A_10 {strides = array<i32>} : memref<2x2000x32xf32, #tpu.memory_space<vmem>>, vector<1x2000x32xf32>,
    %slice3A_11 = vector.extract_strided_slice %dot_general3A_5 {offsets = [0, 32], sizes = [2000, 32], strides = [1, 1]} : vector<2000x64xf32> to vector<2000x32xf32>
    %swap3A_12 = arith.constant 1 : index
    %swap3A_13 = arith.constant 0 : index
    %swap3A_14 = arith.constant 0 : index
    %swap3A_15 = vector.load %arg3[%swap3A_12, %swap3A_13, %swap3A_14] : memref<2x2000x32xf32, #tpu.memory_space<vmem>>, vector<1x2000x32xf32>
    %swap3A_16 = vector.shape_cast %swap3A_15 : vector<1x2000x32xf32> to vector<2000x32xf32>
    %swap3A_17 = vector.shape_cast %slice3A_11 : vector<2000x32xf32> to vector<1x2000x32xf32>
    tpu.vector_store %arg3[%swap3A_12, %swap3A_13, %swap3A_14], %swap3A_17 {strides = array<i32>} : memref<2x2000x32xf32, #tpu.memory_space<vmem>>, vector<1x2000x32xf32>,
    return
  }
  func.func @transform_0(%arg0: i32) -> (i32, i32) {
    %c0_i32 = arith.constant 0 : i32
    %c0_i32_0 = arith.constant 0 : i32
    return %arg0, %c0_i32 : i32, i32
  }
  func.func @transform_1(%arg0: i32) -> (i32, i32) {
    %c0_i32 = arith.constant 0 : i32
    %c0_i32_0 = arith.constant 0 : i32
    %c0_i32_1 = arith.constant 0 : i32
    return %c0_i32, %c0_i32_0 : i32, i32
  }
  func.func @transform_2(%arg0: i32) -> (i32, i32, i32) {
    %c0_i32 = arith.constant 0 : i32
    %c0_i32_0 = arith.constant 0 : i32
    %c0_i32_1 = arith.constant 0 : i32
    return %c0_i32, %arg0, %c0_i32_0 : i32, i32, i32
  }
}

module attributes {stable_mosaic.version = 14 : i64} {
  func.func @_k2_body(%arg0: i32, %arg1: memref<2x2000x32xf32, #tpu.memory_space<vmem>>, %arg2: memref<2x2000x32xf32, #tpu.memory_space<vmem>>, %arg3: memref<1x64xf32, #tpu.memory_space<vmem>>, %arg4: memref<64x64xf32, #tpu.memory_space<vmem>>, %arg5: memref<1x64xf32, #tpu.memory_space<vmem>>, %arg6: memref<2000x64xf32, #tpu.memory_space<vmem>>, %arg7: memref<2x64xf32, #tpu.memory_space<vmem>>, %arg8: memref<1x64xf32, #tpu.memory_space<vmem>>, %arg9: memref<1x64xf32, #tpu.memory_space<vmem>>) attributes {dimension_semantics = [#tpu.dimension_semantics<arbitrary>], iteration_bounds = array<i64: 25>, scalar_prefetch = 0 : i64, scratch_operands = 2 : i64, tpu.core_type = #tpu.core_type<tc>, window_params = [{transform_indices = @transform_0, window_bounds = array<i64: 2, 2000, 32>}, {transform_indices = @transform_1, window_bounds = array<i64: 2, 2000, 32>}, {pipeline_mode = #tpu.pipeline_mode<synchronous>, transform_indices = @transform_2, window_bounds = array<i64: 1, 64>}, {pipeline_mode = #tpu.pipeline_mode<synchronous>, transform_indices = @transform_3, window_bounds = array<i64: 64, 64>}, {pipeline_mode = #tpu.pipeline_mode<synchronous>, transform_indices = @transform_4, window_bounds = array<i64: 1, 64>}, {transform_indices = @transform_5, window_bounds = array<i64: 2000, 64>}, {pipeline_mode = #tpu.pipeline_mode<synchronous>, transform_indices = @transform_6, window_bounds = array<i64: 2, 64>}]} {
    %get3A = arith.constant 0 : index
    %get3A_0 = arith.constant 0 : index
    %get3A_1 = arith.constant 0 : index
    %get3A_2 = vector.load %arg1[%get3A, %get3A_0, %get3A_1] : memref<2x2000x32xf32, #tpu.memory_space<vmem>>, vector<1x2000x32xf32>
    %get3A_3 = vector.shape_cast %get3A_2 : vector<1x2000x32xf32> to vector<2000x32xf32>
    %get3A_4 = arith.constant 1 : index
    %get3A_5 = arith.constant 0 : index
    %get3A_6 = arith.constant 0 : index
    %get3A_7 = vector.load %arg1[%get3A_4, %get3A_5, %get3A_6] : memref<2x2000x32xf32, #tpu.memory_space<vmem>>, vector<1x2000x32xf32>
    %get3A_8 = vector.shape_cast %get3A_7 : vector<1x2000x32xf32> to vector<2000x32xf32>
    %concatenate3A = tpu.concatenate %get3A_3, %get3A_8 in 1 : vector<2000x32xf32>, vector<2000x32xf32> -> vector<2000x64xf32>
    %get3A_9 = arith.constant 0 : index
    %get3A_10 = arith.constant 0 : index
    %get3A_11 = arith.constant 0 : index
    %get3A_12 = vector.load %arg2[%get3A_9, %get3A_10, %get3A_11] : memref<2x2000x32xf32, #tpu.memory_space<vmem>>, vector<1x2000x32xf32>
    %get3A_13 = vector.shape_cast %get3A_12 : vector<1x2000x32xf32> to vector<2000x32xf32>
    %get3A_14 = arith.constant 1 : index
    %get3A_15 = arith.constant 0 : index
    %get3A_16 = arith.constant 0 : index
    %get3A_17 = vector.load %arg2[%get3A_14, %get3A_15, %get3A_16] : memref<2x2000x32xf32, #tpu.memory_space<vmem>>, vector<1x2000x32xf32>
    %get3A_18 = vector.shape_cast %get3A_17 : vector<1x2000x32xf32> to vector<2000x32xf32>
    %concatenate3A_19 = tpu.concatenate %get3A_13, %get3A_18 in 1 : vector<2000x32xf32>, vector<2000x32xf32> -> vector<2000x64xf32>
    %add3A = arith.addf %concatenate3A, %concatenate3A_19 : vector<2000x64xf32>
    %get3A_20 = arith.constant 0 : index
    %get3A_21 = arith.constant 0 : index
    %get3A_22 = vector.load %arg3[%get3A_20, %get3A_21] : memref<1x64xf32, #tpu.memory_space<vmem>>, vector<1x64xf32>
    %add3A_23 = vector.broadcast %get3A_22 : vector<1x64xf32> to vector<2000x64xf32>
    %add3A_24 = arith.addf %add3A, %add3A_23 : vector<2000x64xf32>
    %max3A = arith.constant 0.000000e+00 : f32
    %max3A_25 = vector.broadcast %max3A : f32 to vector<2000x64xf32>
    %max3A_26 = arith.maximumf %add3A_24, %max3A_25 : vector<2000x64xf32>
    %get3A_27 = arith.constant 0 : index
    %get3A_28 = arith.constant 0 : index
    %get3A_29 = vector.load %arg4[%get3A_27, %get3A_28] : memref<64x64xf32, #tpu.memory_space<vmem>>, vector<64x64xf32>
    %dot_general3A = arith.constant dense<0.000000e+00> : vector<2000x64xf32>
    %dot_general3A_30 = tpu.matmul %max3A_26, %get3A_29, %dot_general3A {dimension_numbers = #tpu.dot_dimension_numbers<[1], [0], [0], [1], [0, 0, 1, 1], [], []>, transpose_lhs_hint = false} : vector<2000x64xf32>, vector<64x64xf32>, vector<2000x64xf32> -> vector<2000x64xf32>
    %get3A_31 = arith.constant 0 : index
    %get3A_32 = arith.constant 0 : index
    %get3A_33 = vector.load %arg5[%get3A_31, %get3A_32] : memref<1x64xf32, #tpu.memory_space<vmem>>, vector<1x64xf32>
    %add3A_34 = vector.broadcast %get3A_33 : vector<1x64xf32> to vector<2000x64xf32>
    %add3A_35 = arith.addf %dot_general3A_30, %add3A_34 : vector<2000x64xf32>
    %swap3A = arith.constant 0 : index
    %swap3A_36 = arith.constant 0 : index
    %swap3A_37 = vector.load %arg6[%swap3A, %swap3A_36] : memref<2000x64xf32, #tpu.memory_space<vmem>>, vector<2000x64xf32>
    tpu.vector_store %arg6[%swap3A, %swap3A_36], %add3A_35 {strides = array<i32>} : memref<2000x64xf32, #tpu.memory_space<vmem>>, vector<2000x64xf32>,
    %eq3A = arith.constant 0 : i32
    %eq3A_38 = arith.cmpi eq, %arg0, %eq3A : i32
    %convert_element_type3A = arith.extui %eq3A_38 : i1 to i32
    %cond3A = arith.constant 0 : i32
    %cond3A_39 = arith.cmpi ne, %convert_element_type3A, %cond3A : i32
    scf.if %cond3A_39 {
      %broadcast_in_dim3A_63 = arith.constant 0.000000e+00 : f32
      %broadcast_in_dim3A_64 = vector.broadcast %broadcast_in_dim3A_63 : f32 to vector<1x64xf32>
      %swap3A_65 = arith.constant 0 : index
      %swap3A_66 = arith.constant 0 : index
      %swap3A_67 = vector.load %arg8[%swap3A_65, %swap3A_66] : memref<1x64xf32, #tpu.memory_space<vmem>>, vector<1x64xf32>
      tpu.vector_store %arg8[%swap3A_65, %swap3A_66], %broadcast_in_dim3A_64 {strides = array<i32>} : memref<1x64xf32, #tpu.memory_space<vmem>>, vector<1x64xf32>,
      %broadcast_in_dim3A_68 = arith.constant 0.000000e+00 : f32
      %broadcast_in_dim3A_69 = vector.broadcast %broadcast_in_dim3A_68 : f32 to vector<1x64xf32>
      %swap3A_70 = arith.constant 0 : index
      %swap3A_71 = arith.constant 0 : index
      %swap3A_72 = vector.load %arg9[%swap3A_70, %swap3A_71] : memref<1x64xf32, #tpu.memory_space<vmem>>, vector<1x64xf32>
      tpu.vector_store %arg9[%swap3A_70, %swap3A_71], %broadcast_in_dim3A_69 {strides = array<i32>} : memref<1x64xf32, #tpu.memory_space<vmem>>, vector<1x64xf32>,
    } else {
    }
    %get3A_40 = arith.constant 0 : index
    %get3A_41 = arith.constant 0 : index
    %get3A_42 = vector.load %arg8[%get3A_40, %get3A_41] : memref<1x64xf32, #tpu.memory_space<vmem>>, vector<1x64xf32>
    %reduce_sum3A = arith.constant dense<0.000000e+00> : vector<64xf32>
    %reduce_sum3A_43 = vector.multi_reduction <add>, %add3A_35, %reduce_sum3A [0] : vector<2000x64xf32> to vector<64xf32>
    %broadcast_in_dim3A = vector.shape_cast %reduce_sum3A_43 : vector<64xf32> to vector<1x64xf32>
    %add3A_44 = arith.addf %get3A_42, %broadcast_in_dim3A : vector<1x64xf32>
    %swap3A_45 = arith.constant 0 : index
    %swap3A_46 = arith.constant 0 : index
    %swap3A_47 = vector.load %arg8[%swap3A_45, %swap3A_46] : memref<1x64xf32, #tpu.memory_space<vmem>>, vector<1x64xf32>
    tpu.vector_store %arg8[%swap3A_45, %swap3A_46], %add3A_44 {strides = array<i32>} : memref<1x64xf32, #tpu.memory_space<vmem>>, vector<1x64xf32>,
    %get3A_48 = arith.constant 0 : index
    %get3A_49 = arith.constant 0 : index
    %get3A_50 = vector.load %arg9[%get3A_48, %get3A_49] : memref<1x64xf32, #tpu.memory_space<vmem>>, vector<1x64xf32>
    %mul3A = arith.mulf %add3A_35, %add3A_35 : vector<2000x64xf32>
    %reduce_sum3A_51 = arith.constant dense<0.000000e+00> : vector<64xf32>
    %reduce_sum3A_52 = vector.multi_reduction <add>, %mul3A, %reduce_sum3A_51 [0] : vector<2000x64xf32> to vector<64xf32>
    %broadcast_in_dim3A_53 = vector.shape_cast %reduce_sum3A_52 : vector<64xf32> to vector<1x64xf32>
    %add3A_54 = arith.addf %get3A_50, %broadcast_in_dim3A_53 : vector<1x64xf32>
    %swap3A_55 = arith.constant 0 : index
    %swap3A_56 = arith.constant 0 : index
    %swap3A_57 = vector.load %arg9[%swap3A_55, %swap3A_56] : memref<1x64xf32, #tpu.memory_space<vmem>>, vector<1x64xf32>
    tpu.vector_store %arg9[%swap3A_55, %swap3A_56], %add3A_54 {strides = array<i32>} : memref<1x64xf32, #tpu.memory_space<vmem>>, vector<1x64xf32>,
    %eq3A_58 = arith.constant 24 : i32
    %eq3A_59 = arith.cmpi eq, %arg0, %eq3A_58 : i32
    %convert_element_type3A_60 = arith.extui %eq3A_59 : i1 to i32
    %cond3A_61 = arith.constant 0 : i32
    %cond3A_62 = arith.cmpi ne, %convert_element_type3A_60, %cond3A_61 : i32
    scf.if %cond3A_62 {
      %get3A_63 = arith.constant 0 : index
      %get3A_64 = arith.constant 0 : index
      %get3A_65 = vector.load %arg8[%get3A_63, %get3A_64] : memref<1x64xf32, #tpu.memory_space<vmem>>, vector<1x64xf32>
      %swap3A_66 = arith.constant 0 : index
      %swap3A_67 = arith.constant 0 : index
      %swap3A_68 = vector.load %arg7[%swap3A_66, %swap3A_67] : memref<2x64xf32, #tpu.memory_space<vmem>>, vector<1x64xf32>
      tpu.vector_store %arg7[%swap3A_66, %swap3A_67], %get3A_65 {strides = array<i32>} : memref<2x64xf32, #tpu.memory_space<vmem>>, vector<1x64xf32>,
      %get3A_69 = arith.constant 0 : index
      %get3A_70 = arith.constant 0 : index
      %get3A_71 = vector.load %arg9[%get3A_69, %get3A_70] : memref<1x64xf32, #tpu.memory_space<vmem>>, vector<1x64xf32>
      %swap3A_72 = arith.constant 1 : index
      %swap3A_73 = arith.constant 0 : index
      %swap3A_74 = vector.load %arg7[%swap3A_72, %swap3A_73] : memref<2x64xf32, #tpu.memory_space<vmem>>, vector<1x64xf32>
      tpu.vector_store %arg7[%swap3A_72, %swap3A_73], %get3A_71 {strides = array<i32>} : memref<2x64xf32, #tpu.memory_space<vmem>>, vector<1x64xf32>,
    } else {
    }
    return
  }
  func.func @transform_0(%arg0: i32) -> (i32, i32, i32) {
    %c0_i32 = arith.constant 0 : i32
    %c0_i32_0 = arith.constant 0 : i32
    %c0_i32_1 = arith.constant 0 : i32
    return %c0_i32, %arg0, %c0_i32_0 : i32, i32, i32
  }
  func.func @transform_1(%arg0: i32) -> (i32, i32, i32) {
    %c0_i32 = arith.constant 0 : i32
    %c0_i32_0 = arith.constant 0 : i32
    %c0_i32_1 = arith.constant 0 : i32
    return %c0_i32, %arg0, %c0_i32_0 : i32, i32, i32
  }
  func.func @transform_2(%arg0: i32) -> (i32, i32) {
    %c0_i32 = arith.constant 0 : i32
    %c0_i32_0 = arith.constant 0 : i32
    %c0_i32_1 = arith.constant 0 : i32
    return %c0_i32, %c0_i32_0 : i32, i32
  }
  func.func @transform_3(%arg0: i32) -> (i32, i32) {
    %c0_i32 = arith.constant 0 : i32
    %c0_i32_0 = arith.constant 0 : i32
    %c0_i32_1 = arith.constant 0 : i32
    return %c0_i32, %c0_i32_0 : i32, i32
  }
  func.func @transform_4(%arg0: i32) -> (i32, i32) {
    %c0_i32 = arith.constant 0 : i32
    %c0_i32_0 = arith.constant 0 : i32
    %c0_i32_1 = arith.constant 0 : i32
    return %c0_i32, %c0_i32_0 : i32, i32
  }
  func.func @transform_5(%arg0: i32) -> (i32, i32) {
    %c0_i32 = arith.constant 0 : i32
    %c0_i32_0 = arith.constant 0 : i32
    return %arg0, %c0_i32 : i32, i32
  }
  func.func @transform_6(%arg0: i32) -> (i32, i32) {
    %c0_i32 = arith.constant 0 : i32
    %c0_i32_0 = arith.constant 0 : i32
    %c0_i32_1 = arith.constant 0 : i32
    return %c0_i32, %c0_i32_0 : i32, i32
  }
}

module attributes {stable_mosaic.version = 14 : i64} {
  func.func @_k3_body(%arg0: i32, %arg1: memref<2000x64xf32, #tpu.memory_space<vmem>>, %arg2: memref<2x64xf32, #tpu.memory_space<vmem>>, %arg3: memref<1x64xf32, #tpu.memory_space<vmem>>, %arg4: memref<1x64xf32, #tpu.memory_space<vmem>>, %arg5: memref<64x64xf32, #tpu.memory_space<vmem>>, %arg6: memref<2x2000x32xf32, #tpu.memory_space<vmem>>) attributes {dimension_semantics = [#tpu.dimension_semantics<arbitrary>], iteration_bounds = array<i64: 25>, scalar_prefetch = 0 : i64, scratch_operands = 0 : i64, tpu.core_type = #tpu.core_type<tc>, window_params = [{transform_indices = @transform_0, window_bounds = array<i64: 2000, 64>}, {pipeline_mode = #tpu.pipeline_mode<synchronous>, transform_indices = @transform_1, window_bounds = array<i64: 2, 64>}, {pipeline_mode = #tpu.pipeline_mode<synchronous>, transform_indices = @transform_2, window_bounds = array<i64: 1, 64>}, {pipeline_mode = #tpu.pipeline_mode<synchronous>, transform_indices = @transform_3, window_bounds = array<i64: 1, 64>}, {pipeline_mode = #tpu.pipeline_mode<synchronous>, transform_indices = @transform_4, window_bounds = array<i64: 64, 64>}, {transform_indices = @transform_5, window_bounds = array<i64: 2, 2000, 32>}]} {
    %get3A = arith.constant 0 : index
    %get3A_0 = arith.constant 0 : index
    %get3A_1 = vector.load %arg1[%get3A, %get3A_0] : memref<2000x64xf32, #tpu.memory_space<vmem>>, vector<2000x64xf32>
    %get3A_2 = arith.constant 0 : index
    %get3A_3 = arith.constant 0 : index
    %get3A_4 = vector.load %arg2[%get3A_2, %get3A_3] : memref<2x64xf32, #tpu.memory_space<vmem>>, vector<1x64xf32>
    %mul3A = arith.constant 2.000000e-05 : f32
    %mul3A_5 = vector.broadcast %mul3A : f32 to vector<1x64xf32>
    %mul3A_6 = arith.mulf %get3A_4, %mul3A_5 : vector<1x64xf32>
    %get3A_7 = arith.constant 1 : index
    %get3A_8 = arith.constant 0 : index
    %get3A_9 = vector.load %arg2[%get3A_7, %get3A_8] : memref<2x64xf32, #tpu.memory_space<vmem>>, vector<1x64xf32>
    %mul3A_10 = arith.constant 2.000000e-05 : f32
    %mul3A_11 = vector.broadcast %mul3A_10 : f32 to vector<1x64xf32>
    %mul3A_12 = arith.mulf %get3A_9, %mul3A_11 : vector<1x64xf32>
    %mul3A_13 = arith.mulf %mul3A_6, %mul3A_6 : vector<1x64xf32>
    %sub3A = arith.subf %mul3A_12, %mul3A_13 : vector<1x64xf32>
    %get3A_14 = arith.constant 0 : index
    %get3A_15 = arith.constant 0 : index
    %get3A_16 = vector.load %arg3[%get3A_14, %get3A_15] : memref<1x64xf32, #tpu.memory_space<vmem>>, vector<1x64xf32>
    %add3A = arith.constant 9.99999974E-6 : f32
    %add3A_17 = vector.broadcast %add3A : f32 to vector<1x64xf32>
    %add3A_18 = arith.addf %sub3A, %add3A_17 : vector<1x64xf32>
    %rsqrt3A = math.rsqrt %add3A_18 : vector<1x64xf32>
    %mul3A_19 = arith.mulf %get3A_16, %rsqrt3A : vector<1x64xf32>
    %get3A_20 = arith.constant 0 : index
    %get3A_21 = arith.constant 0 : index
    %get3A_22 = vector.load %arg4[%get3A_20, %get3A_21] : memref<1x64xf32, #tpu.memory_space<vmem>>, vector<1x64xf32>
    %mul3A_23 = arith.mulf %mul3A_6, %mul3A_19 : vector<1x64xf32>
    %sub3A_24 = arith.subf %get3A_22, %mul3A_23 : vector<1x64xf32>
    %mul3A_25 = vector.broadcast %mul3A_19 : vector<1x64xf32> to vector<2000x64xf32>
    %mul3A_26 = arith.mulf %get3A_1, %mul3A_25 : vector<2000x64xf32>
    %add3A_27 = vector.broadcast %sub3A_24 : vector<1x64xf32> to vector<2000x64xf32>
    %add3A_28 = arith.addf %mul3A_26, %add3A_27 : vector<2000x64xf32>
    %max3A = arith.constant 0.000000e+00 : f32
    %max3A_29 = vector.broadcast %max3A : f32 to vector<2000x64xf32>
    %max3A_30 = arith.maximumf %add3A_28, %max3A_29 : vector<2000x64xf32>
    %get3A_31 = arith.constant 0 : index
    %get3A_32 = arith.constant 0 : index
    %get3A_33 = vector.load %arg5[%get3A_31, %get3A_32] : memref<64x64xf32, #tpu.memory_space<vmem>>, vector<64x64xf32>
    %dot_general3A = arith.constant dense<0.000000e+00> : vector<2000x64xf32>
    %dot_general3A_34 = tpu.matmul %max3A_30, %get3A_33, %dot_general3A {dimension_numbers = #tpu.dot_dimension_numbers<[1], [0], [0], [1], [0, 0, 1, 1], [], []>, transpose_lhs_hint = false} : vector<2000x64xf32>, vector<64x64xf32>, vector<2000x64xf32> -> vector<2000x64xf32>
    %slice3A = vector.extract_strided_slice %dot_general3A_34 {offsets = [0, 0], sizes = [2000, 32], strides = [1, 1]} : vector<2000x64xf32> to vector<2000x32xf32>
    %swap3A = arith.constant 0 : index
    %swap3A_35 = arith.constant 0 : index
    %swap3A_36 = arith.constant 0 : index
    %swap3A_37 = vector.load %arg6[%swap3A, %swap3A_35, %swap3A_36] : memref<2x2000x32xf32, #tpu.memory_space<vmem>>, vector<1x2000x32xf32>
    %swap3A_38 = vector.shape_cast %swap3A_37 : vector<1x2000x32xf32> to vector<2000x32xf32>
    %swap3A_39 = vector.shape_cast %slice3A : vector<2000x32xf32> to vector<1x2000x32xf32>
    tpu.vector_store %arg6[%swap3A, %swap3A_35, %swap3A_36], %swap3A_39 {strides = array<i32>} : memref<2x2000x32xf32, #tpu.memory_space<vmem>>, vector<1x2000x32xf32>,
    %slice3A_40 = vector.extract_strided_slice %dot_general3A_34 {offsets = [0, 32], sizes = [2000, 32], strides = [1, 1]} : vector<2000x64xf32> to vector<2000x32xf32>
    %swap3A_41 = arith.constant 1 : index
    %swap3A_42 = arith.constant 0 : index
    %swap3A_43 = arith.constant 0 : index
    %swap3A_44 = vector.load %arg6[%swap3A_41, %swap3A_42, %swap3A_43] : memref<2x2000x32xf32, #tpu.memory_space<vmem>>, vector<1x2000x32xf32>
    %swap3A_45 = vector.shape_cast %swap3A_44 : vector<1x2000x32xf32> to vector<2000x32xf32>
    %swap3A_46 = vector.shape_cast %slice3A_40 : vector<2000x32xf32> to vector<1x2000x32xf32>
    tpu.vector_store %arg6[%swap3A_41, %swap3A_42, %swap3A_43], %swap3A_46 {strides = array<i32>} : memref<2x2000x32xf32, #tpu.memory_space<vmem>>, vector<1x2000x32xf32>,
    return
  }
  func.func @transform_0(%arg0: i32) -> (i32, i32) {
    %c0_i32 = arith.constant 0 : i32
    %c0_i32_0 = arith.constant 0 : i32
    return %arg0, %c0_i32 : i32, i32
  }
  func.func @transform_1(%arg0: i32) -> (i32, i32) {
    %c0_i32 = arith.constant 0 : i32
    %c0_i32_0 = arith.constant 0 : i32
    %c0_i32_1 = arith.constant 0 : i32
    return %c0_i32, %c0_i32_0 : i32, i32
  }
  func.func @transform_2(%arg0: i32) -> (i32, i32) {
    %c0_i32 = arith.constant 0 : i32
    %c0_i32_0 = arith.constant 0 : i32
    %c0_i32_1 = arith.constant 0 : i32
    return %c0_i32, %c0_i32_0 : i32, i32
  }
  func.func @transform_3(%arg0: i32) -> (i32, i32) {
    %c0_i32 = arith.constant 0 : i32
    %c0_i32_0 = arith.constant 0 : i32
    %c0_i32_1 = arith.constant 0 : i32
    return %c0_i32, %c0_i32_0 : i32, i32
  }
  func.func @transform_4(%arg0: i32) -> (i32, i32) {
    %c0_i32 = arith.constant 0 : i32
    %c0_i32_0 = arith.constant 0 : i32
    %c0_i32_1 = arith.constant 0 : i32
    return %c0_i32, %c0_i32_0 : i32, i32
  }
  func.func @transform_5(%arg0: i32) -> (i32, i32, i32) {
    %c0_i32 = arith.constant 0 : i32
    %c0_i32_0 = arith.constant 0 : i32
    %c0_i32_1 = arith.constant 0 : i32
    return %c0_i32, %arg0, %c0_i32_0 : i32, i32, i32
  }
}

module attributes {stable_mosaic.version = 14 : i64} {
  func.func @_k3p_body(%arg0: i32, %arg1: memref<2000x64xf32, #tpu.memory_space<vmem>>, %arg2: memref<2x64xf32, #tpu.memory_space<vmem>>, %arg3: memref<1x64xf32, #tpu.memory_space<vmem>>, %arg4: memref<1x64xf32, #tpu.memory_space<vmem>>, %arg5: memref<1x1x2000xi32, #tpu.memory_space<vmem>>, %arg6: memref<512x64xf32, #tpu.memory_space<vmem>>, %arg7: memref<512x1xf32, #tpu.memory_space<vmem>>, %arg8: memref<512x64xf32, #tpu.memory_space<vmem>>, %arg9: memref<512x1xf32, #tpu.memory_space<vmem>>) attributes {dimension_semantics = [#tpu.dimension_semantics<arbitrary>], iteration_bounds = array<i64: 25>, scalar_prefetch = 0 : i64, scratch_operands = 2 : i64, tpu.core_type = #tpu.core_type<tc>, window_params = [{transform_indices = @transform_0, window_bounds = array<i64: 2000, 64>}, {pipeline_mode = #tpu.pipeline_mode<synchronous>, transform_indices = @transform_1, window_bounds = array<i64: 2, 64>}, {pipeline_mode = #tpu.pipeline_mode<synchronous>, transform_indices = @transform_2, window_bounds = array<i64: 1, 64>}, {pipeline_mode = #tpu.pipeline_mode<synchronous>, transform_indices = @transform_3, window_bounds = array<i64: 1, 64>}, {transform_indices = @transform_4, window_bounds = array<i64: 1, 1, 2000>}, {pipeline_mode = #tpu.pipeline_mode<synchronous>, transform_indices = @transform_5, window_bounds = array<i64: 512, 64>}, {pipeline_mode = #tpu.pipeline_mode<synchronous>, transform_indices = @transform_6, window_bounds = array<i64: 512, 1>}]} {
    %get3A = arith.constant 0 : index
    %get3A_0 = arith.constant 0 : index
    %get3A_1 = vector.load %arg1[%get3A, %get3A_0] : memref<2000x64xf32, #tpu.memory_space<vmem>>, vector<2000x64xf32>
    %get3A_2 = arith.constant 0 : index
    %get3A_3 = arith.constant 0 : index
    %get3A_4 = vector.load %arg2[%get3A_2, %get3A_3] : memref<2x64xf32, #tpu.memory_space<vmem>>, vector<1x64xf32>
    %mul3A = arith.constant 2.000000e-05 : f32
    %mul3A_5 = vector.broadcast %mul3A : f32 to vector<1x64xf32>
    %mul3A_6 = arith.mulf %get3A_4, %mul3A_5 : vector<1x64xf32>
    %get3A_7 = arith.constant 1 : index
    %get3A_8 = arith.constant 0 : index
    %get3A_9 = vector.load %arg2[%get3A_7, %get3A_8] : memref<2x64xf32, #tpu.memory_space<vmem>>, vector<1x64xf32>
    %mul3A_10 = arith.constant 2.000000e-05 : f32
    %mul3A_11 = vector.broadcast %mul3A_10 : f32 to vector<1x64xf32>
    %mul3A_12 = arith.mulf %get3A_9, %mul3A_11 : vector<1x64xf32>
    %mul3A_13 = arith.mulf %mul3A_6, %mul3A_6 : vector<1x64xf32>
    %sub3A = arith.subf %mul3A_12, %mul3A_13 : vector<1x64xf32>
    %get3A_14 = arith.constant 0 : index
    %get3A_15 = arith.constant 0 : index
    %get3A_16 = vector.load %arg3[%get3A_14, %get3A_15] : memref<1x64xf32, #tpu.memory_space<vmem>>, vector<1x64xf32>
    %add3A = arith.constant 9.99999974E-6 : f32
    %add3A_17 = vector.broadcast %add3A : f32 to vector<1x64xf32>
    %add3A_18 = arith.addf %sub3A, %add3A_17 : vector<1x64xf32>
    %rsqrt3A = math.rsqrt %add3A_18 : vector<1x64xf32>
    %mul3A_19 = arith.mulf %get3A_16, %rsqrt3A : vector<1x64xf32>
    %get3A_20 = arith.constant 0 : index
    %get3A_21 = arith.constant 0 : index
    %get3A_22 = vector.load %arg4[%get3A_20, %get3A_21] : memref<1x64xf32, #tpu.memory_space<vmem>>, vector<1x64xf32>
    %mul3A_23 = arith.mulf %mul3A_6, %mul3A_19 : vector<1x64xf32>
    %sub3A_24 = arith.subf %get3A_22, %mul3A_23 : vector<1x64xf32>
    %mul3A_25 = vector.broadcast %mul3A_19 : vector<1x64xf32> to vector<2000x64xf32>
    %mul3A_26 = arith.mulf %get3A_1, %mul3A_25 : vector<2000x64xf32>
    %add3A_27 = vector.broadcast %sub3A_24 : vector<1x64xf32> to vector<2000x64xf32>
    %add3A_28 = arith.addf %mul3A_26, %add3A_27 : vector<2000x64xf32>
    %max3A = arith.constant 0.000000e+00 : f32
    %max3A_29 = vector.broadcast %max3A : f32 to vector<2000x64xf32>
    %max3A_30 = arith.maximumf %add3A_28, %max3A_29 : vector<2000x64xf32>
    %iota3A = tpu.iota {dimensions = array<i32: 1>} : vector<2000x512xi32>
    %get3A_31 = arith.constant 0 : index
    %get3A_32 = arith.constant 0 : index
    %get3A_33 = arith.constant 0 : index
    %get3A_34 = vector.load %arg5[%get3A_31, %get3A_32, %get3A_33] : memref<1x1x2000xi32, #tpu.memory_space<vmem>>, vector<1x1x2000xi32>
    %get3A_35 = vector.shape_cast %get3A_34 : vector<1x1x2000xi32> to vector<2000xi32>
    %broadcast_in_dim3A = vector.shape_cast %get3A_35 : vector<2000xi32> to vector<2000x1xi32>
    %eq3A = vector.broadcast %broadcast_in_dim3A : vector<2000x1xi32> to vector<2000x512xi32>
    %eq3A_36 = arith.cmpi eq, %eq3A, %iota3A : vector<2000x512xi32>
    %convert_element_type3A = arith.extui %eq3A_36 : vector<2000x512xi1> to vector<2000x512xi32>
    %convert_element_type3A_37 = arith.sitofp %convert_element_type3A : vector<2000x512xi32> to vector<2000x512xf32>
    %eq3A_38 = arith.constant 0 : i32
    %eq3A_39 = arith.cmpi eq, %arg0, %eq3A_38 : i32
    %convert_element_type3A_40 = arith.extui %eq3A_39 : i1 to i32
    %cond3A = arith.constant 0 : i32
    %cond3A_41 = arith.cmpi ne, %convert_element_type3A_40, %cond3A : i32
    scf.if %cond3A_41 {
      %broadcast_in_dim3A_65 = arith.constant 0.000000e+00 : f32
      %broadcast_in_dim3A_66 = vector.broadcast %broadcast_in_dim3A_65 : f32 to vector<512x64xf32>
      %swap3A_67 = arith.constant 0 : index
      %swap3A_68 = arith.constant 0 : index
      %swap3A_69 = vector.load %arg8[%swap3A_67, %swap3A_68] : memref<512x64xf32, #tpu.memory_space<vmem>>, vector<512x64xf32>
      tpu.vector_store %arg8[%swap3A_67, %swap3A_68], %broadcast_in_dim3A_66 {strides = array<i32>} : memref<512x64xf32, #tpu.memory_space<vmem>>, vector<512x64xf32>,
      %broadcast_in_dim3A_70 = arith.constant 0.000000e+00 : f32
      %broadcast_in_dim3A_71 = vector.broadcast %broadcast_in_dim3A_70 : f32 to vector<512x1xf32>
      %swap3A_72 = arith.constant 0 : index
      %swap3A_73 = arith.constant 0 : index
      %swap3A_74 = vector.load %arg9[%swap3A_72, %swap3A_73] : memref<512x1xf32, #tpu.memory_space<vmem>>, vector<512x1xf32>
      tpu.vector_store %arg9[%swap3A_72, %swap3A_73], %broadcast_in_dim3A_71 {strides = array<i32>} : memref<512x1xf32, #tpu.memory_space<vmem>>, vector<512x1xf32>,
    } else {
    }
    %get3A_42 = arith.constant 0 : index
    %get3A_43 = arith.constant 0 : index
    %get3A_44 = vector.load %arg8[%get3A_42, %get3A_43] : memref<512x64xf32, #tpu.memory_space<vmem>>, vector<512x64xf32>
    %dot_general3A = arith.constant dense<0.000000e+00> : vector<512x64xf32>
    %dot_general3A_45 = tpu.matmul %convert_element_type3A_37, %max3A_30, %dot_general3A {dimension_numbers = #tpu.dot_dimension_numbers<[0], [0], [1], [1], [0, 1, 1, 1], [], []>, transpose_lhs_hint = false} : vector<2000x512xf32>, vector<2000x64xf32>, vector<512x64xf32> -> vector<512x64xf32>
    %add3A_46 = arith.addf %get3A_44, %dot_general3A_45 : vector<512x64xf32>
    %swap3A = arith.constant 0 : index
    %swap3A_47 = arith.constant 0 : index
    %swap3A_48 = vector.load %arg8[%swap3A, %swap3A_47] : memref<512x64xf32, #tpu.memory_space<vmem>>, vector<512x64xf32>
    tpu.vector_store %arg8[%swap3A, %swap3A_47], %add3A_46 {strides = array<i32>} : memref<512x64xf32, #tpu.memory_space<vmem>>, vector<512x64xf32>,
    %get3A_49 = arith.constant 0 : index
    %get3A_50 = arith.constant 0 : index
    %get3A_51 = vector.load %arg9[%get3A_49, %get3A_50] : memref<512x1xf32, #tpu.memory_space<vmem>>, vector<512x1xf32>
    %broadcast_in_dim3A_52 = arith.constant 1.000000e+00 : f32
    %broadcast_in_dim3A_53 = vector.broadcast %broadcast_in_dim3A_52 : f32 to vector<2000x1xf32>
    %dot_general3A_54 = arith.constant dense<0.000000e+00> : vector<512x1xf32>
    %dot_general3A_55 = tpu.matmul %convert_element_type3A_37, %broadcast_in_dim3A_53, %dot_general3A_54 {dimension_numbers = #tpu.dot_dimension_numbers<[0], [0], [1], [1], [0, 1, 1, 1], [], []>, transpose_lhs_hint = false} : vector<2000x512xf32>, vector<2000x1xf32>, vector<512x1xf32> -> vector<512x1xf32>
    %add3A_56 = arith.addf %get3A_51, %dot_general3A_55 : vector<512x1xf32>
    %swap3A_57 = arith.constant 0 : index
    %swap3A_58 = arith.constant 0 : index
    %swap3A_59 = vector.load %arg9[%swap3A_57, %swap3A_58] : memref<512x1xf32, #tpu.memory_space<vmem>>, vector<512x1xf32>
    tpu.vector_store %arg9[%swap3A_57, %swap3A_58], %add3A_56 {strides = array<i32>} : memref<512x1xf32, #tpu.memory_space<vmem>>, vector<512x1xf32>,
    %eq3A_60 = arith.constant 24 : i32
    %eq3A_61 = arith.cmpi eq, %arg0, %eq3A_60 : i32
    %convert_element_type3A_62 = arith.extui %eq3A_61 : i1 to i32
    %cond3A_63 = arith.constant 0 : i32
    %cond3A_64 = arith.cmpi ne, %convert_element_type3A_62, %cond3A_63 : i32
    scf.if %cond3A_64 {
      %get3A_65 = arith.constant 0 : index
      %get3A_66 = arith.constant 0 : index
      %get3A_67 = vector.load %arg8[%get3A_65, %get3A_66] : memref<512x64xf32, #tpu.memory_space<vmem>>, vector<512x64xf32>
      %swap3A_68 = arith.constant 0 : index
      %swap3A_69 = arith.constant 0 : index
      %swap3A_70 = vector.load %arg6[%swap3A_68, %swap3A_69] : memref<512x64xf32, #tpu.memory_space<vmem>>, vector<512x64xf32>
      tpu.vector_store %arg6[%swap3A_68, %swap3A_69], %get3A_67 {strides = array<i32>} : memref<512x64xf32, #tpu.memory_space<vmem>>, vector<512x64xf32>,
      %get3A_71 = arith.constant 0 : index
      %get3A_72 = arith.constant 0 : index
      %get3A_73 = vector.load %arg9[%get3A_71, %get3A_72] : memref<512x1xf32, #tpu.memory_space<vmem>>, vector<512x1xf32>
      %swap3A_74 = arith.constant 0 : index
      %swap3A_75 = arith.constant 0 : index
      %swap3A_76 = vector.load %arg7[%swap3A_74, %swap3A_75] : memref<512x1xf32, #tpu.memory_space<vmem>>, vector<512x1xf32>
      tpu.vector_store %arg7[%swap3A_74, %swap3A_75], %get3A_73 {strides = array<i32>} : memref<512x1xf32, #tpu.memory_space<vmem>>, vector<512x1xf32>,
    } else {
    }
    return
  }
  func.func @transform_0(%arg0: i32) -> (i32, i32) {
    %c0_i32 = arith.constant 0 : i32
    %c0_i32_0 = arith.constant 0 : i32
    return %arg0, %c0_i32 : i32, i32
  }
  func.func @transform_1(%arg0: i32) -> (i32, i32) {
    %c0_i32 = arith.constant 0 : i32
    %c0_i32_0 = arith.constant 0 : i32
    %c0_i32_1 = arith.constant 0 : i32
    return %c0_i32, %c0_i32_0 : i32, i32
  }
  func.func @transform_2(%arg0: i32) -> (i32, i32) {
    %c0_i32 = arith.constant 0 : i32
    %c0_i32_0 = arith.constant 0 : i32
    %c0_i32_1 = arith.constant 0 : i32
    return %c0_i32, %c0_i32_0 : i32, i32
  }
  func.func @transform_3(%arg0: i32) -> (i32, i32) {
    %c0_i32 = arith.constant 0 : i32
    %c0_i32_0 = arith.constant 0 : i32
    %c0_i32_1 = arith.constant 0 : i32
    return %c0_i32, %c0_i32_0 : i32, i32
  }
  func.func @transform_4(%arg0: i32) -> (i32, i32, i32) {
    %c0_i32 = arith.constant 0 : i32
    %c0_i32_0 = arith.constant 0 : i32
    %c0_i32_1 = arith.constant 0 : i32
    return %arg0, %c0_i32, %c0_i32_0 : i32, i32, i32
  }
  func.func @transform_5(%arg0: i32) -> (i32, i32) {
    %c0_i32 = arith.constant 0 : i32
    %c0_i32_0 = arith.constant 0 : i32
    %c0_i32_1 = arith.constant 0 : i32
    return %c0_i32, %c0_i32_0 : i32, i32
  }
  func.func @transform_6(%arg0: i32) -> (i32, i32) {
    %c0_i32 = arith.constant 0 : i32
    %c0_i32_0 = arith.constant 0 : i32
    %c0_i32_1 = arith.constant 0 : i32
    return %c0_i32, %c0_i32_0 : i32, i32
  }
}

module attributes {stable_mosaic.version = 14 : i64} {
  func.func @_fin_body(%arg0: memref<512x64xf32, #tpu.memory_space<vmem>>, %arg1: memref<512x1xf32, #tpu.memory_space<vmem>>, %arg2: memref<64x64xf32, #tpu.memory_space<vmem>>, %arg3: memref<1x64xf32, #tpu.memory_space<vmem>>, %arg4: memref<512x64xf32, #tpu.memory_space<vmem>>) attributes {dimension_semantics = [], scalar_prefetch = 0 : i64, scratch_operands = 0 : i64, tpu.core_type = #tpu.core_type<tc>} {
    %get3A = arith.constant 0 : index
    %get3A_0 = arith.constant 0 : index
    %get3A_1 = vector.load %arg1[%get3A, %get3A_0] : memref<512x1xf32, #tpu.memory_space<vmem>>, vector<512x1xf32>
    %max3A = arith.constant 1.000000e+00 : f32
    %max3A_2 = vector.broadcast %max3A : f32 to vector<512x1xf32>
    %max3A_3 = arith.maximumf %get3A_1, %max3A_2 : vector<512x1xf32>
    %div3A = arith.constant 1.000000e+00 : f32
    %div3A_4 = vector.broadcast %div3A : f32 to vector<512x1xf32>
    %div3A_5 = arith.divf %div3A_4, %max3A_3 : vector<512x1xf32>
    %get3A_6 = arith.constant 0 : index
    %get3A_7 = arith.constant 0 : index
    %get3A_8 = vector.load %arg0[%get3A_6, %get3A_7] : memref<512x64xf32, #tpu.memory_space<vmem>>, vector<512x64xf32>
    %mul3A = vector.broadcast %div3A_5 : vector<512x1xf32> to vector<512x64xf32>
    %mul3A_9 = arith.mulf %get3A_8, %mul3A : vector<512x64xf32>
    %get3A_10 = arith.constant 0 : index
    %get3A_11 = arith.constant 0 : index
    %get3A_12 = vector.load %arg2[%get3A_10, %get3A_11] : memref<64x64xf32, #tpu.memory_space<vmem>>, vector<64x64xf32>
    %dot_general3A = arith.constant dense<0.000000e+00> : vector<512x64xf32>
    %dot_general3A_13 = tpu.matmul %mul3A_9, %get3A_12, %dot_general3A {dimension_numbers = #tpu.dot_dimension_numbers<[1], [0], [0], [1], [0, 0, 1, 1], [], []>, transpose_lhs_hint = false} : vector<512x64xf32>, vector<64x64xf32>, vector<512x64xf32> -> vector<512x64xf32>
    %get3A_14 = arith.constant 0 : index
    %get3A_15 = arith.constant 0 : index
    %get3A_16 = vector.load %arg3[%get3A_14, %get3A_15] : memref<1x64xf32, #tpu.memory_space<vmem>>, vector<1x64xf32>
    %add3A = vector.broadcast %get3A_16 : vector<1x64xf32> to vector<512x64xf32>
    %add3A_17 = arith.addf %dot_general3A_13, %add3A : vector<512x64xf32>
    %mul3A_18 = arith.mulf %add3A_17, %add3A_17 : vector<512x64xf32>
    %reduce_sum3A = arith.constant dense<0.000000e+00> : vector<512xf32>
    %reduce_sum3A_19 = vector.multi_reduction <add>, %mul3A_18, %reduce_sum3A [1] : vector<512x64xf32> to vector<512xf32>
    %broadcast_in_dim3A = vector.shape_cast %reduce_sum3A_19 : vector<512xf32> to vector<512x1xf32>
    %sqrt3A = math.sqrt %broadcast_in_dim3A : vector<512x1xf32>
    %max3A_20 = arith.constant 9.99999996E-13 : f32
    %max3A_21 = vector.broadcast %max3A_20 : f32 to vector<512x1xf32>
    %max3A_22 = arith.maximumf %sqrt3A, %max3A_21 : vector<512x1xf32>
    %div3A_23 = vector.broadcast %max3A_22 : vector<512x1xf32> to vector<512x64xf32>
    %div3A_24 = arith.divf %add3A_17, %div3A_23 : vector<512x64xf32>
    %swap3A = arith.constant 0 : index
    %swap3A_25 = arith.constant 0 : index
    %swap3A_26 = vector.load %arg4[%swap3A, %swap3A_25] : memref<512x64xf32, #tpu.memory_space<vmem>>, vector<512x64xf32>
    tpu.vector_store %arg4[%swap3A, %swap3A_25], %div3A_24 {strides = array<i32>} : memref<512x64xf32, #tpu.memory_space<vmem>>, vector<512x64xf32>,
    return
  }
}

</mosaic_0001>

<sc_bundles>
// kernel: kernel.13.cloned.1.call-start
scs
__scs_entry_jumppad:
0x0: {  	(pc) =	sbr.rel $0x88, $3  }
0x1: {  	(tag) =	ssettag $0x0;
	lr =	simm.s32 $0x1  }
0x2: {  	[smem:$0x3F8A] =	sst lr;
	_ =	strace $0xD0000000  }
0x3: {  	_ = 	snop  }
0x4: {  	_ = 	snop  }
0x5: {  	_ = 	snop  }
0x6: {  	_ = 	snop  }
0x7: {  	_ = 	snop  }
__scs_overlays_trampoline_lowered:
0x8: {  	[smem:$0x3F99] =	sst s0  }
0x9: {  	[smem:$0x3F9A] =	sst s1  }
0xa: {  	[smem:$0x3F9B] =	sst s2  }
0xb: {  	[smem:$0x3F9C] =	sst s3  }
0xc: {  	[smem:$0x3F9D] =	sst s4  }
0xd: {  	[smem:$0x3F9E] =	sst s5  }
0xe: {  	[smem:$0x3F9F] =	sst s6  }
0xf: {  	[smem:$0x3FA0] =	sst s7  }
0x10: {  	[smem:$0x3FA1] =	sst s8  }
0x11: {  	[smem:$0x3FA2] =	sst s9;
	s0 =	simm.s32 @!p0 $0x0  }
0x12: {  	s1 =	sld [smem:$0x3F88];
	s0 =	simm.s32 @p0 $0x1  }
0x13: {  	[smem:$0x3FA3] =	sst s0;
	s0 =	simm.s32 @!p1 $0x0  }
0x14: {  	s2 =	sld [smem:$0x3F87];
	s0 =	simm.s32 @p1 $0x1  }
0x15: {  	[smem:$0x3FA4] =	sst s0;
	s0 =	simm.s32 @!p2 $0x0  }
0x16: {  	s3 =	sld [smem:$0x3FDB];
	s0 =	simm.s32 @p2 $0x1  }
0x17: {  	s4 =	simm.s32 $0x1BF5;
	[smem:$0x3FA6] =	sst s0  }
0x18: {  	s0 =	sld [smem:$0x3F89];
	_ =	swait.ge [sflag:s4], $0x0  }
0x19: {  	s7 =	sld [smem:$0x3F8A]  }
0x1a: {  	s8 =	sadd.s32 $0xFFFFE003, lr  }
0x1b: {  	s9 =	sadd.s32 $0xFFFFFEF7, lr;
	s5 =	simm.s32 $0xFFFFFFFF;
	p2 =	slt.u32 s8, $0xFFFFF086  }
0x1c: {  	p1 =	slt.u32 s9, $0xF7A;
	s5 =	simm.s32 @!p2 $0x0  }
0x1d: {  	s5 =	simm.s32 @p1 $0x1;
	p0 =	seq.s32 s7, s2  }
0x1e: {  	s7 =	smul.u32 @!p0 $0xF7A, s2;
	p2 =	seq.s32 @!p0 s5, $0x0  }
0x1f: {  	s9 =	smul.u32 $0xF7A, s1;
	s8 =	simm.s32 @!p0 $0x1BF5;
	p2 =	por !p2, p0  }
0x20: {  	[sflag:s8] =	ssyncset.s32 @!p0 $0xFFFFF086;
	s6 =	sadd.s32 @!p0 s3, s7;
	s7 =	simm.s32 @!p0 $0x108  }
0x21: {  	s3 =	sadd.s32 s3, s9;
	s6 =	sadd.s32 @!p0 $0x88, s6;
	s7 =	simm.s32 @p2 $0x1082  }
0x22: {  	[simem:s7], [sflag:s8] =	dma.local @!p0 [hbm:s6], $0xF7A  }
0x23: {  	s9 =	sor.u32 $0xD0000000, s2;
	s6 =	simm.s32 $0x108;
	_ =	swait.ge @!p0 [sflag:s8], $0x0  }
0x24: {  	s3 =	sadd.s32 $0x88, s3;
	s6 =	simm.s32 @!p1 $0x1082;
	[sflag:s4] =	ssyncset.s32 $0xFFFFF086  }
0x25: {  	[simem:s6], [sflag:s4] =	dma.local [hbm:s3], $0xF7A  }
0x26: {  	[smem:$0x3F8A] =	sst s1;
	(tag) =	ssettag s2;
	_ =	strace s9  }
0x27: {  	s1 =	sld [smem:$0x3F9A]  }
0x28: {  	s2 =	sld [smem:$0x3F9B]  }
0x29: {  	s4 =	sld [smem:$0x3F9D]  }
0x2a: {  	p0 =	seq.s32 s5, $0x0;
	s5 =	sld [smem:$0x3F9E]  }
0x2b: {  	s6 =	sld [smem:$0x3F9F]  }
0x2c: {  	s7 =	sld [smem:$0x3FA0]  }
0x2d: {  	s3 =	simm.s32 $0x108;
	s8 =	sld [smem:$0x3FA1]  }
0x2e: {  	s3 =	simm.s32 @!p0 $0x1082;
	s9 =	sld [smem:$0x3FA2]  }
0x2f: {  	lr =	sadd.s32 s0, s3;
	s0 =	sld [smem:$0x3F99]  }
0x30: {  	s3 =	sld [smem:$0x3F9C]  }
0x31: {  	[smem:$0x3FA5] =	sst s10  }
0x32: {  	s10 =	sld [smem:$0x3FA3];
	_ =	sdelay $0x3  }
0x33: {  	p0 =	seq.s32 s10, $0x1;
	s10 =	sld [smem:$0x3FA5];
	_ =	sdelay $0x3  }
0x34: {  	[smem:$0x3FA5] =	sst s10  }
0x35: {  	s10 =	sld [smem:$0x3FA4];
	_ =	sdelay $0x3  }
0x36: {  	p1 =	seq.s32 s10, $0x1;
	s10 =	sld [smem:$0x3FA5];
	_ =	sdelay $0x3  }
0x37: {  	[smem:$0x3FA5] =	sst s10  }
0x38: {  	s10 =	sld [smem:$0x3FA6]  }
0x39: {  	_ = 	snop;
	(pc) =	sbr.ind lr, $3  }
0x3a: {  	_ = 	snop  }
0x3b: {  	_ = 	snop  }
0x3c: {  	p2 =	seq.s32 s10, $0x1;
	s10 =	sld [smem:$0x3FA5]  }
0x3d: {  	_ =	shalt  }
0x3e: {  	_ =	shalt  }
0x3f: {  	_ =	shalt  }
0x40: {  	_ =	shalt  }
0x41: {  	_ =	shalt  }
0x42: {  	_ =	shalt  }
0x43: {  	_ =	shalt  }
0x44: {  	_ =	shalt  }
0x45: {  	_ =	shalt  }
0x46: {  	_ =	shalt  }
0x47: {  	_ =	shalt  }
0x48: {  	_ =	shalt  }
0x49: {  	_ =	shalt  }
0x4a: {  	_ =	shalt  }
0x4b: {  	_ =	shalt  }
0x4c: {  	_ =	shalt  }
0x4d: {  	_ =	shalt  }
0x4e: {  	_ =	shalt  }
0x4f: {  	_ =	shalt  }
0x50: {  	_ =	shalt  }
0x51: {  	_ =	shalt  }
0x52: {  	_ =	shalt  }
0x53: {  	_ =	shalt  }
0x54: {  	_ =	shalt  }
0x55: {  	_ =	shalt  }
0x56: {  	_ =	shalt  }
0x57: {  	_ =	shalt  }
0x58: {  	_ =	shalt  }
0x59: {  	_ =	shalt  }
0x5a: {  	_ =	shalt  }
0x5b: {  	_ =	shalt  }
0x5c: {  	_ =	shalt  }
0x5d: {  	_ =	shalt  }
0x5e: {  	_ =	shalt  }
0x5f: {  	_ =	shalt  }
0x60: {  	_ =	shalt  }
0x61: {  	_ =	shalt  }
0x62: {  	_ =	shalt  }
0x63: {  	_ =	shalt  }
0x64: {  	_ =	shalt  }
0x65: {  	_ =	shalt  }
0x66: {  	_ =	shalt  }
0x67: {  	_ =	shalt  }
0x68: {  	_ =	shalt  }
0x69: {  	_ =	shalt  }
0x6a: {  	_ =	shalt  }
0x6b: {  	_ =	shalt  }
0x6c: {  	_ =	shalt  }
0x6d: {  	_ =	shalt  }
0x6e: {  	_ =	shalt  }
0x6f: {  	_ =	shalt  }
0x70: {  	_ =	shalt  }
0x71: {  	_ =	shalt  }
0x72: {  	_ =	shalt  }
0x73: {  	_ =	shalt  }
0x74: {  	_ =	shalt  }
0x75: {  	_ =	shalt  }
0x76: {  	_ =	shalt  }
0x77: {  	_ =	shalt  }
0x78: {  	_ =	shalt  }
0x79: {  	_ =	shalt  }
0x7a: {  	_ =	shalt  }
0x7b: {  	_ =	shalt  }
0x7c: {  	_ =	shalt  }
0x7d: {  	_ =	shalt  }
0x7e: {  	_ =	shalt  }
0x7f: {  	_ =	shalt  }
0x80: {  	_ =	shalt  }
0x81: {  	_ =	shalt  }
0x82: {  	_ =	shalt  }
0x83: {  	_ =	shalt  }
0x84: {  	_ =	shalt  }
0x85: {  	_ =	shalt  }
0x86: {  	_ =	shalt  }
0x87: {  	_ =	shalt  }
.Lfunc_end0:
.L_simem_size_0:
called_computation_lowered:
.L_overlay_start_0:
0x88: {  	s2 =	sld [smem:$0x3FD9]  }
0x89: {  	s3 =	sld [smem:$0x3FFE];
	_ =	sdelay $0x1  }
0x8a: {  	s1 =	srdreg.scid  }
0x8b: {  	s0 =	sand.u32 $0x1, s1  }
0x8c: {  	s16 =	sshll.u32 s0, $0xA;
	s2 =	sadd.s32 s3, s2  }
0x8d: {  	s2 =	sadd.s32 s2, s16  }
0x8e: {  	[smem:$0x3FB1] =	sst s2  }
0x8f: {  	_ = 	snop  }
0x90: {  	(tm) =	ssettm $0x1  }
0x91: {  	s17 =	sld [smem:$0x3FFB];
	_ =	sdelay $0x3  }
0x92: {  	_ =	strace s17  }
0x93: {  	s2 =	sld [smem:$0x3FFC];
	_ =	sdelay $0x3  }
0x94: {  	_ =	strace s2  }
0x95: {  	s2 =	sld [smem:$0x3FFD];
	_ =	sdelay $0x3  }
0x96: {  	_ =	strace s2  }
0x97: {  	_ =	strace $0x8FFFFFFF  }
0x98: {  	s18 =	sld [smem:$0x3FDB];
	_ =	sdelay $0x1  }
0x99: {  	s19 =	simm.s32 $_scs_section_size  }
0x9a: {  	s4 =	simm.s32 $_size__tile_overlayer_lowered;
	s5 =	simm.s32 $_tile_overlayer_lowered  }
0x9b: {  	s22 =	simm.s32 $0x1BFF;
	s21 =	sshll.u32 s5, $0x1;
	s2 =	sadd.s32 s19, s18  }
0x9c: {  	s6 =	simm.s32 $0x0;
	s20 =	sshll.u32 s4, $0x1;
	s4 =	sadd.s32 s21, s2  }
0x9d: {  	[timem:s6], [sflag:s22] =	dma.local [hbm:s4], s20  }
0x9e: {  	_ =	swait.ge [sflag:s22], s20  }
0x9f: {  	s3 =	ssub.s32 $0x0, s20;
	[sflag:s22] =	ssyncset.done $0x0  }
0xa0: {  	[sflag:s22] =	ssyncadd.s32 s3;
	_ =	sdelay $0x1  }
0xa1: {  	s23 =	simm.s32 $0x1B8B  }
0xa2: {  	_ =	swait.ge [sflag:s23], $0x1  }
0xa3: {  	[sflag:s23] =	ssyncset.done $0x0  }
0xa4: {  	s25 =	simm.s32 $0x1B8E;
	s24 =	sld [smem:$0x3FFE];
	[sflag:s23] =	ssyncadd.s32 $0xFFFFFFFF  }
0xa5: {  	s26 =	simm.s32 $execute0_lowered;
	[smem:$0x3FD2] =	sst s25  }
0xa6: {  	s4 =	sshll.u32 s26, $0x1;
	_ =	strace $0x80000046;
	[dreg:$0x1] =	wrdreg $0xFFFFFFFF  }
0xa7: {  	s28 =	simm.s32 $_size_execute0_lowered;
	s2 =	sadd.s32 s2, s4;
	[dreg:$0x0] =	wrdreg $0x0  }
0xa8: {  	s4 =	sshll.u32 s28, $0x1;
	[dreg:$0x2] =	wrdreg s2  }
0xa9: {  	[dreg:$0x3] =	wrdreg s4  }
0xaa: {  	[dreg:$0x4] =	wrdreg $0xC0  }
0xab: {  	_ =	task [dreg:s6], $0x5FFFF  }
0xac: {  	[dreg:$0x1] =	wrdreg $0xFFFFFFFF  }
0xad: {  	[dreg:$0x0] =	wrdreg $0x60  }
0xae: {  	[dreg:$0x2] =	wrdreg s24  }
0xaf: {  	[dreg:$0x3] =	wrdreg $0x0  }
0xb0: {  	[dreg:$0x4] =	wrdreg $0x9  }
0xb1: {  	_ =	task.clear_ibuf [dreg:s6], $0x5FFFF;
	_ =	strace $0x90000046  }
0xb2: {  	s29 =	simm.s32 $0x9;
	_ =	strace $0x80000048  }
0xb3: {  	_ =	swait.ge [sflag:s29], $0x1  }
0xb4: {  	[sflag:s29] =	ssyncadd.s32 $0xFFFFFFFF  }
0xb5: {  	_ =	strace $0x90000048  }
0xb6: {  	_ =	sfence  }
0xb7: {  	s30 =	sld [smem:$0x0];
	_ =	sdelay $0x2  }
0xb8: {  	s31 =	sshll.u32 s1, $0xD;
	s1 =	sshrl.u32 s1, $0x2  }
0xb9: {  	s3 =	sand.u32 $0x4000, s31;
	s1 =	sadd.s32 s1, s30  }
0xba: {  	s0 =	sor.u32 s3, s0;
	s1 =	sshll.u32 s1, $0x11  }
0xbb: {  	s0 =	sor.u32 s1, s0  }
0xbc: {  	s0 =	sadd.s32 $0x8F2B, s0  }
0xbd: {  	[sflag:s0] =	ssyncadd.remote.s32 $0x1  }
0xbe: {  	_ =	sfence.sel $0xFFFF  }
0xbf: {  	[dreg:$0x0] =	wrdreg $0xFFFFFFFF;
	(pc) =	sbr.abs _section_cstart, $3  }
0xc0: {  	[dreg:$0x1] =	wrdreg $0xFFFFFFFF  }
0xc1: {  	_ =	task.clear_ibuf [dreg:s6], $0x2FFFF;
	_ =	strace $0x9FFFFFFF  }
0xc2: {  	(tm) =	ssettm $0x7FFFFFFF  }
0xc3: {  	_ =	shalt  }
tec
execute0_lowered:
.L_overlay_start_1:
0x0: {  	(tag) =	ssettag $0x1  }
0x1: {  	s5 =	rddreg [dreg:$0x0];
	s0 =	srdreg.scid  }
0x2: {  	s2 =	rddreg [dreg:$0x1];
	s26 =	stileid.u32  }
0x3: {  	s3 =	simm.s32 $0x0;
	s17 =	simm.s32 $0x80;
	s18 =	simm.s32 $0x18D00  }
0x4: {  	s19 =	simm.s32 $0x18800;
	s20 =	simm.s32 $0x19D00;
	s21 =	simm.s32 $0x18900  }
0x5: {  	s22 =	simm.s32 $0x1AD00;
	s23 =	simm.s32 $0x4;
	s25 =	simm.s32 $0x0  }
0x6: {  	s6 =	sand.u32 $0x1, s0;
	s7 =	smul.u32 $0x18700, s26;
	s4 =	sadd.s32 $0x1EBE00, s5  }
0x7: {  	[smem:$0x7FF] =	sst s3;
	s12 =	sadd.s32 $0x24E400, s5;
	s13 =	smul.u32 $0x30E0, s26  }
0x8: {  	s30 =	sshll.u32 s26, $0x6;
	s15 =	smul.u32 $0x3180, s26;
	s24 =	sadd.s32 $0x16E900, s2  }
0x9: {  	p0 =	seq.s32 s26, $0xF;
	s10 =	smul.u32 $0x30D40, s6;
	_ =	strace $0x80000047  }
0xa: {  	s9 =	ssub.s32 $0x2, s6;
	s29 =	smul.u32 $0x186A00, s6;
	s24 =	sshrl.u32 @p0 s24, $0x3  }
0xb: {  	s8 =	sshrl.u32 s7, $0x3;
	s28 =	sshrl.u32 s9, $0x1;
	s11 =	sadd.s32 s10, s5  }
0xc: {  	s8 =	sadd.s32 s8, s5;
	s14 =	ssub.s32 s9, s28;
	s5 =	sadd.s32 s7, s2  }
.Ltmp0:
0xd: {  	s7 =	sor.u32 $0x1C05, s30;
	s16 =	sshrl.u32 s29, $0x3;
	(pc) =	sbr.rel .LBB2_1-.Ltmp0, $4  }
0xe: {  	s9 =	sadd.s32 s4, s15;
	s13 =	sadd.s32 s13, s10;
	s15 =	simm.s32 $0x5  }
0xf: {  	s6 =	sadd.s32 $0x21D600, s8;
	s8 =	smul.u32 $0x18C, s26;
	s31 =	sadd.s32 s12, s16  }
0x10: {  	s10 =	sadd.s32 $0x18A200, s11;
	s11 =	sadd.s32 s12, s13;
	s13 =	smax.u32 s14, $0x1  }
0x11: {  	s14 =	sshrl.u32 s5, $0x3;
	s16 =	simm.s32 $0x18700;
	s12 =	sadd.s32 $0x2DD20, s31  }
.LBB2_5:
0x12: {  	_ =	swait.ge [sflag:s23], $0x1000  }
0x13: {  	[sflag:s23] =	ssyncset.done $0x0  }
0x14: {  	[sflag:s23] =	ssyncadd.s32 $0xFFFFF000  }
0x15: {  	_ =	swait.ge [sflag:s23], $0x1000  }
0x16: {  	[sflag:s23] =	ssyncset.done $0x0  }
0x17: {  	[sflag:s23] =	ssyncadd.s32 $0xFFFFF000  }
0x18: {  	_ =	swait.ge [sflag:s23], $0x1000  }
0x19: {  	[sflag:s23] =	ssyncset.done $0x0  }
0x1a: {  	[sflag:s23] =	ssyncadd.s32 $0xFFFFF000  }
0x1b: {  	s0 =	simm.s32 @p0 $0x5;
	[bflag:$0x0] =	sbarrier.arrive $0xFFFF  }
0x1c: {  	[hbm:s12], [sflag:s7] =	dma.local @p0 [spmem:s24], $0x3020  }
0x1d: {  	_ =	swait.ge @p0 [sflag:s0], $0x3020  }
0x1e: {  	s25 =	sadd.s32 $0x1, s25;
	[sflag:s0] =	ssyncset.done @p0 $0x0  }
0x1f: {  	p1 =	sne.s32 s25, s13;
	[sflag:s0] =	ssyncadd.s32 @p0 $0xFFFFCFE0;
	s0 =	sshrl.u32 @!p0 s5, $0x3  }
0x20: {  	[hbm:s11], [sflag:s7] =	dma.local @!p0 [spmem:s0], $0x30E0  }
.Ltmp1:
0x21: {  	_ = 	snop;
	(pc) =	sbr.rel @!p1 .LBB2_6-.Ltmp1, $4  }
0x22: {  	s0 =	simm.s32 @!p0 $0x5  }
0x23: {  	_ =	swait.ge @!p0 [sflag:s0], $0x30E0  }
0x24: {  	[sflag:s0] =	ssyncset.done @!p0 $0x0  }
0x25: {  	[sflag:s0] =	ssyncadd.s32 @!p0 $0xFFFFCF20  }
.LBB2_1:
0x26: {  	[spmem:s14], [sflag:s7] =	dma.local [hbm:s6], $0x30E0  }
0x27: {  	_ =	swait.ge [sflag:s15], $0x30E0  }
0x28: {  	[sflag:s15] =	ssyncset.done $0x0  }
0x29: {  	[sflag:s15] =	ssyncadd.s32 $0xFFFFCF20  }
0x2a: {  	[bflag:$0x0] =	sbarrier.arrive $0xFFFF  }
0x2b: {  	[tilespmem:s16], [sflag:$0x5] =	stream.linear.gather [hbm4b:s9+s3], $0x300, $0x38;
	[tilespmem:$0x1ED00] =	vst v63  }
0x2c: {  	_ =	swait.ge [sflag:s15], $0x300  }
0x2d: {  	[sflag:s15] =	ssyncset.done $0x0  }
0x2e: {  	[sflag:s15] =	ssyncadd.s32 $0xFFFFFD00  }
0x2f: {  	[tilespmem:s18], [sflag:$0x1] =	stream.indirect.gather [hbm4b:s10+s17], $0x20, s16, s17, $0xb8;
	[tilespmem:$0x1ED00] =	vst v63  }
.Ltmp2:
0x30: {  	_ = 	snop;
	(pc) =	sbr.rel .LBB2_2-.Ltmp2, $4  }
0x31: {  	_ = 	snop  }
0x32: {  	[tilespmem:s20], [sflag:$0x1] =	stream.indirect.gather [hbm4b:s10+s17], $0x20, s19, s17, $0xb8;
	[tilespmem:$0x1ED00] =	vst v63  }
0x33: {  	s30 =	simm.s32 $0x0  }
0x34: {  	[tilespmem:s22], [sflag:$0x1] =	stream.indirect.gather [hbm4b:s10+s17], $0x20, s21, s17, $0xb8;
	[tilespmem:$0x1ED00] =	vst v63  }
.LBB2_4:
0x35: {  	s0 =	smul.u32 $0xC000, s26  }
0x36: {  	s1 =	sadd.s32 $0x1, s26;
	s29 =	smul.u32 $0xC00, s26  }
0x37: {  	s26 =	sadd.s32 $0x3, s26;
	_ =	swait.ge [sflag:s1], $0x1000  }
0x38: {  	s0 =	sshrl.u32 s0, $0x2;
	[sflag:s1] =	ssyncset.done $0x0;
	s29 =	sshrl.u32 s29, $0x2  }
0x39: {  	s30 =	sor.u32 $0x18D00, s0;
	[sflag:s1] =	ssyncadd.s32 $0xFFFFF000;
	s31 =	sadd.s32 $0x18780, s29  }
0x3a: {  	[spmem:s2] =	stream.indirect.scatter.add.f32 [tilespmem:s30], [sflag:s26], $0x20, s31, s17, $0xb8;
	[tilespmem:$0x1ED00] =	vst v63  }
0x3b: {  	_ =	swait.ge [sflag:s1], $0x1000  }
0x3c: {  	p1 =	slt.u32 s28, $0x84;
	[sflag:s1] =	ssyncset.done $0x0  }
0x3d: {  	s30 =	sadd.s32 $0x19D00, s0;
	s31 =	sor.u32 $0x18880, s29;
	[sflag:s1] =	ssyncadd.s32 $0xFFFFF000  }
0x3e: {  	[spmem:s2] =	stream.indirect.scatter.add.f32 [tilespmem:s30], [sflag:s26], $0x20, s31, s17, $0xb8;
	[tilespmem:$0x1ED00] =	vst v63  }
.Ltmp3:
0x3f: {  	_ = 	snop;
	(pc) =	sbr.rel @!p1 .LBB2_5-.Ltmp3, $4  }
0x40: {  	_ =	swait.ge [sflag:s1], $0x1000  }
0x41: {  	s0 =	sadd.s32 $0x1AD00, s0;
	[sflag:s1] =	ssyncset.done $0x0  }
0x42: {  	s31 =	sadd.s32 $0x18980, s29;
	s30 =	smov.u32 s28;
	[sflag:s1] =	ssyncadd.s32 $0xFFFFF000  }
0x43: {  	[spmem:s2] =	stream.indirect.scatter.add.f32 [tilespmem:s0], [sflag:s26], $0x20, s31, s17, $0xb8;
	[tilespmem:$0x1ED00] =	vst v63  }
.LBB2_2:
0x44: {  	s26 =	sand.u32 $0x1, s30  }
0x45: {  	p1 =	seq.s32 s30, $0x0;
	s29 =	sxor.u32 $0x1, s26  }
0x46: {  	s28 =	sadd.s32 @!p1 $0x3, s29  }
0x47: {  	_ =	swait.ge @!p1 [sflag:s28], $0x1000  }
0x48: {  	[sflag:s28] =	ssyncset.done @!p1 $0x0  }
0x49: {  	p2 =	seq.s32 @!p1 s30, $0x83;
	[sflag:s28] =	ssyncadd.s32 @!p1 $0xFFFFF000  }
0x4a: {  	p2 =	por p1, !p2;
	_ =	swait.ge @!p1 [sflag:s28], $0x1000  }
.Ltmp4:
0x4b: {  	[sflag:s28] =	ssyncset.done @!p1 $0x0;
	(pc) =	sbr.rel @!p2 .LBB2_4-.Ltmp4, $4  }
0x4c: {  	[sflag:s28] =	ssyncadd.s32 @!p1 $0xFFFFF000  }
0x4d: {  	_ =	swait.ge @!p1 [sflag:s28], $0x1000  }
0x4e: {  	[sflag:s28] =	ssyncset.done @!p1 $0x0  }
0x4f: {  	[sflag:s28] =	ssyncadd.s32 @!p1 $0xFFFFF000;
	s28 =	simm.s32 @!p1 $0x84  }
0x50: {  	s28 =	sadd.s32 @!p1 $0x1, s30  }
0x51: {  	s28 =	simm.s32 @p1 $0x1  }
0x52: {  	s0 =	smul.u32 $0x3, s28  }
0x53: {  	s31 =	smul.u32 $0xC00, s29  }
0x54: {  	s30 =	sadd.s32 s8, s0  }
0x55: {  	s31 =	sshrl.u32 s31, $0x2;
	s30 =	sshll.u32 s30, $0x5  }
0x56: {  	s1 =	smul.u32 $0xC000, s29;
	s0 =	sadd.s32 $0x18700, s31;
	s30 =	sadd.s32 s4, s30  }
0x57: {  	[tilespmem:s0], [sflag:$0x5] =	stream.linear.gather [hbm4b:s30+s3], $0x300, $0x38;
	[tilespmem:$0x1ED00] =	vst v63  }
0x58: {  	_ =	swait.ge [sflag:s15], $0x300  }
0x59: {  	s30 =	sshrl.u32 s1, $0x2;
	[sflag:s15] =	ssyncset.done $0x0  }
0x5a: {  	s29 =	sadd.s32 $0x1, s29;
	s1 =	sor.u32 $0x18D00, s30;
	[sflag:s15] =	ssyncadd.s32 $0xFFFFFD00  }
0x5b: {  	[tilespmem:s1], [sflag:s29] =	stream.indirect.gather [hbm4b:s10+s17], $0x20, s0, s17, $0xb8;
	[tilespmem:$0x1ED00] =	vst v63  }
.Ltmp5:
0x5c: {  	_ = 	snop;
	(pc) =	sbr.rel .LBB2_4-.Ltmp5, $4  }
0x5d: {  	s0 =	sadd.s32 $0x19D00, s30;
	s1 =	sor.u32 $0x18800, s31  }
0x5e: {  	[tilespmem:s0], [sflag:s29] =	stream.indirect.gather [hbm4b:s10+s17], $0x20, s1, s17, $0xb8;
	[tilespmem:$0x1ED00] =	vst v63  }
0x5f: {  	s30 =	sadd.s32 $0x1AD00, s30;
	s31 =	sadd.s32 $0x18900, s31  }
0x60: {  	[tilespmem:s30], [sflag:s29] =	stream.indirect.gather [hbm4b:s10+s17], $0x20, s31, s17, $0xb8;
	[tilespmem:$0x1ED00] =	vst v63  }
.LBB2_6:
0x61: {  	_ =	sfence.sel $0x180000  }
0x62: {  	[bflag:$0x0] =	sbarrier.arrive $0xFFFF  }
0x63: {  	_ =	strace $0x90000047  }
0x64: {  	s0 =	stileid.u32;
	[bflag:$0x2] =	sbarrier.arrive $0xFFFF  }
0x65: {  	p0 =	sne.s32 s0, $0x0;
	s0 =	rddreg [dreg:$0x2]  }
0x66: {  	s0 =	sadd.s32 @!p0 $0x100000, s0  }
0x67: {  	[sflag:s0] =	ssyncadd.tile.s32 @!p0 $0x1;
	_ =	shalt  }
.Lfunc_end2:
_tile_overlayer_lowered:
.L_overlay_start_2:
0x68: {  	(tag) =	ssettag $0x2  }
0x69: {  	s0 =	rddreg [dreg:$0x0];
	s2 =	stileid.u32  }
0x6a: {  	s1 =	rddreg [dreg:$0x1];
	p0 =	sne.s32 s2, $0x0  }
0x6b: {  	s3 =	rddreg [dreg:$0x2];
	[bflag:$0x3] =	sbarrier.arrive $0xFFFF;
	s2 =	simm.s32 @!p0 $0x1C05  }
0x6c: {  	[timem:s3], [sflag:s2] =	dma.local @!p0 [hbm:s0], s1  }
0x6d: {  	s0 =	simm.s32 @!p0 $0x5  }
0x6e: {  	_ =	swait.ge @!p0 [sflag:s0], s1  }
0x6f: {  	s1 =	ssub.s32 @!p0 $0x0, s1;
	[sflag:s0] =	ssyncset.done @!p0 $0x0  }
0x70: {  	[sflag:s0] =	ssyncadd.s32 @!p0 s1  }
0x71: {  	[bflag:$0x3] =	sbarrier.arrive $0xFFFF  }
0x72: {  	_ =	shalt  }

// kernel: kernel.16.cloned.1.call-start
scs
__scs_entry_jumppad:
0x0: {  	(pc) =	sbr.rel $0x88, $3  }
0x1: {  	(tag) =	ssettag $0x0;
	lr =	simm.s32 $0x1  }
0x2: {  	[smem:$0x3F8A] =	sst lr;
	_ =	strace $0xD0000000  }
0x3: {  	_ = 	snop  }
0x4: {  	_ = 	snop  }
0x5: {  	_ = 	snop  }
0x6: {  	_ = 	snop  }
0x7: {  	_ = 	snop  }
__scs_overlays_trampoline_lowered:
0x8: {  	[smem:$0x3F99] =	sst s0  }
0x9: {  	[smem:$0x3F9A] =	sst s1  }
0xa: {  	[smem:$0x3F9B] =	sst s2  }
0xb: {  	[smem:$0x3F9C] =	sst s3  }
0xc: {  	[smem:$0x3F9D] =	sst s4  }
0xd: {  	[smem:$0x3F9E] =	sst s5  }
0xe: {  	[smem:$0x3F9F] =	sst s6  }
0xf: {  	[smem:$0x3FA0] =	sst s7  }
0x10: {  	[smem:$0x3FA1] =	sst s8  }
0x11: {  	[smem:$0x3FA2] =	sst s9;
	s0 =	simm.s32 @!p0 $0x0  }
0x12: {  	s1 =	sld [smem:$0x3F88];
	s0 =	simm.s32 @p0 $0x1  }
0x13: {  	[smem:$0x3FA3] =	sst s0;
	s0 =	simm.s32 @!p1 $0x0  }
0x14: {  	s2 =	sld [smem:$0x3F87];
	s0 =	simm.s32 @p1 $0x1  }
0x15: {  	[smem:$0x3FA4] =	sst s0;
	s0 =	simm.s32 @!p2 $0x0  }
0x16: {  	s3 =	sld [smem:$0x3FDB];
	s0 =	simm.s32 @p2 $0x1  }
0x17: {  	s4 =	simm.s32 $0x1BF5;
	[smem:$0x3FA6] =	sst s0  }
0x18: {  	s0 =	sld [smem:$0x3F89];
	_ =	swait.ge [sflag:s4], $0x0  }
0x19: {  	s7 =	sld [smem:$0x3F8A]  }
0x1a: {  	s8 =	sadd.s32 $0xFFFFE003, lr  }
0x1b: {  	s9 =	sadd.s32 $0xFFFFFEF7, lr;
	s5 =	simm.s32 $0xFFFFFFFF;
	p2 =	slt.u32 s8, $0xFFFFF086  }
0x1c: {  	p1 =	slt.u32 s9, $0xF7A;
	s5 =	simm.s32 @!p2 $0x0  }
0x1d: {  	s5 =	simm.s32 @p1 $0x1;
	p0 =	seq.s32 s7, s2  }
0x1e: {  	s7 =	smul.u32 @!p0 $0xF7A, s2;
	p2 =	seq.s32 @!p0 s5, $0x0  }
0x1f: {  	s9 =	smul.u32 $0xF7A, s1;
	s8 =	simm.s32 @!p0 $0x1BF5;
	p2 =	por !p2, p0  }
0x20: {  	[sflag:s8] =	ssyncset.s32 @!p0 $0xFFFFF086;
	s6 =	sadd.s32 @!p0 s3, s7;
	s7 =	simm.s32 @!p0 $0x108  }
0x21: {  	s3 =	sadd.s32 s3, s9;
	s6 =	sadd.s32 @!p0 $0x88, s6;
	s7 =	simm.s32 @p2 $0x1082  }
0x22: {  	[simem:s7], [sflag:s8] =	dma.local @!p0 [hbm:s6], $0xF7A  }
0x23: {  	s9 =	sor.u32 $0xD0000000, s2;
	s6 =	simm.s32 $0x108;
	_ =	swait.ge @!p0 [sflag:s8], $0x0  }
0x24: {  	s3 =	sadd.s32 $0x88, s3;
	s6 =	simm.s32 @!p1 $0x1082;
	[sflag:s4] =	ssyncset.s32 $0xFFFFF086  }
0x25: {  	[simem:s6], [sflag:s4] =	dma.local [hbm:s3], $0xF7A  }
0x26: {  	[smem:$0x3F8A] =	sst s1;
	(tag) =	ssettag s2;
	_ =	strace s9  }
0x27: {  	s1 =	sld [smem:$0x3F9A]  }
0x28: {  	s2 =	sld [smem:$0x3F9B]  }
0x29: {  	s4 =	sld [smem:$0x3F9D]  }
0x2a: {  	p0 =	seq.s32 s5, $0x0;
	s5 =	sld [smem:$0x3F9E]  }
0x2b: {  	s6 =	sld [smem:$0x3F9F]  }
0x2c: {  	s7 =	sld [smem:$0x3FA0]  }
0x2d: {  	s3 =	simm.s32 $0x108;
	s8 =	sld [smem:$0x3FA1]  }
0x2e: {  	s3 =	simm.s32 @!p0 $0x1082;
	s9 =	sld [smem:$0x3FA2]  }
0x2f: {  	lr =	sadd.s32 s0, s3;
	s0 =	sld [smem:$0x3F99]  }
0x30: {  	s3 =	sld [smem:$0x3F9C]  }
0x31: {  	[smem:$0x3FA5] =	sst s10  }
0x32: {  	s10 =	sld [smem:$0x3FA3];
	_ =	sdelay $0x3  }
0x33: {  	p0 =	seq.s32 s10, $0x1;
	s10 =	sld [smem:$0x3FA5];
	_ =	sdelay $0x3  }
0x34: {  	[smem:$0x3FA5] =	sst s10  }
0x35: {  	s10 =	sld [smem:$0x3FA4];
	_ =	sdelay $0x3  }
0x36: {  	p1 =	seq.s32 s10, $0x1;
	s10 =	sld [smem:$0x3FA5];
	_ =	sdelay $0x3  }
0x37: {  	[smem:$0x3FA5] =	sst s10  }
0x38: {  	s10 =	sld [smem:$0x3FA6]  }
0x39: {  	_ = 	snop;
	(pc) =	sbr.ind lr, $3  }
0x3a: {  	_ = 	snop  }
0x3b: {  	_ = 	snop  }
0x3c: {  	p2 =	seq.s32 s10, $0x1;
	s10 =	sld [smem:$0x3FA5]  }
0x3d: {  	_ =	shalt  }
0x3e: {  	_ =	shalt  }
0x3f: {  	_ =	shalt  }
0x40: {  	_ =	shalt  }
0x41: {  	_ =	shalt  }
0x42: {  	_ =	shalt  }
0x43: {  	_ =	shalt  }
0x44: {  	_ =	shalt  }
0x45: {  	_ =	shalt  }
0x46: {  	_ =	shalt  }
0x47: {  	_ =	shalt  }
0x48: {  	_ =	shalt  }
0x49: {  	_ =	shalt  }
0x4a: {  	_ =	shalt  }
0x4b: {  	_ =	shalt  }
0x4c: {  	_ =	shalt  }
0x4d: {  	_ =	shalt  }
0x4e: {  	_ =	shalt  }
0x4f: {  	_ =	shalt  }
0x50: {  	_ =	shalt  }
0x51: {  	_ =	shalt  }
0x52: {  	_ =	shalt  }
0x53: {  	_ =	shalt  }
0x54: {  	_ =	shalt  }
0x55: {  	_ =	shalt  }
0x56: {  	_ =	shalt  }
0x57: {  	_ =	shalt  }
0x58: {  	_ =	shalt  }
0x59: {  	_ =	shalt  }
0x5a: {  	_ =	shalt  }
0x5b: {  	_ =	shalt  }
0x5c: {  	_ =	shalt  }
0x5d: {  	_ =	shalt  }
0x5e: {  	_ =	shalt  }
0x5f: {  	_ =	shalt  }
0x60: {  	_ =	shalt  }
0x61: {  	_ =	shalt  }
0x62: {  	_ =	shalt  }
0x63: {  	_ =	shalt  }
0x64: {  	_ =	shalt  }
0x65: {  	_ =	shalt  }
0x66: {  	_ =	shalt  }
0x67: {  	_ =	shalt  }
0x68: {  	_ =	shalt  }
0x69: {  	_ =	shalt  }
0x6a: {  	_ =	shalt  }
0x6b: {  	_ =	shalt  }
0x6c: {  	_ =	shalt  }
0x6d: {  	_ =	shalt  }
0x6e: {  	_ =	shalt  }
0x6f: {  	_ =	shalt  }
0x70: {  	_ =	shalt  }
0x71: {  	_ =	shalt  }
0x72: {  	_ =	shalt  }
0x73: {  	_ =	shalt  }
0x74: {  	_ =	shalt  }
0x75: {  	_ =	shalt  }
0x76: {  	_ =	shalt  }
0x77: {  	_ =	shalt  }
0x78: {  	_ =	shalt  }
0x79: {  	_ =	shalt  }
0x7a: {  	_ =	shalt  }
0x7b: {  	_ =	shalt  }
0x7c: {  	_ =	shalt  }
0x7d: {  	_ =	shalt  }
0x7e: {  	_ =	shalt  }
0x7f: {  	_ =	shalt  }
0x80: {  	_ =	shalt  }
0x81: {  	_ =	shalt  }
0x82: {  	_ =	shalt  }
0x83: {  	_ =	shalt  }
0x84: {  	_ =	shalt  }
0x85: {  	_ =	shalt  }
0x86: {  	_ =	shalt  }
0x87: {  	_ =	shalt  }
.Lfunc_end0:
.L_simem_size_0:
called_computation.1_lowered:
.L_overlay_start_0:
0x88: {  	s2 =	sld [smem:$0x3FD9]  }
0x89: {  	s3 =	sld [smem:$0x3FFE];
	_ =	sdelay $0x1  }
0x8a: {  	s1 =	srdreg.scid  }
0x8b: {  	s0 =	sand.u32 $0x1, s1  }
0x8c: {  	s16 =	sshll.u32 s0, $0xA;
	s2 =	sadd.s32 s3, s2  }
0x8d: {  	s2 =	sadd.s32 s2, s16  }
0x8e: {  	[smem:$0x3FB1] =	sst s2  }
0x8f: {  	_ = 	snop  }
0x90: {  	(tm) =	ssettm $0x1  }
0x91: {  	s17 =	sld [smem:$0x3FFB];
	_ =	sdelay $0x3  }
0x92: {  	_ =	strace s17  }
0x93: {  	s2 =	sld [smem:$0x3FFC];
	_ =	sdelay $0x3  }
0x94: {  	_ =	strace s2  }
0x95: {  	s2 =	sld [smem:$0x3FFD];
	_ =	sdelay $0x3  }
0x96: {  	_ =	strace s2  }
0x97: {  	_ =	strace $0x8FFFFFFF  }
0x98: {  	s18 =	sld [smem:$0x3FDB];
	_ =	sdelay $0x1  }
0x99: {  	s19 =	simm.s32 $_scs_section_size  }
0x9a: {  	s4 =	simm.s32 $_size__tile_overlayer_lowered;
	s5 =	simm.s32 $_tile_overlayer_lowered  }
0x9b: {  	s22 =	simm.s32 $0x1BFF;
	s21 =	sshll.u32 s5, $0x1;
	s2 =	sadd.s32 s19, s18  }
0x9c: {  	s6 =	simm.s32 $0x0;
	s20 =	sshll.u32 s4, $0x1;
	s4 =	sadd.s32 s21, s2  }
0x9d: {  	[timem:s6], [sflag:s22] =	dma.local [hbm:s4], s20  }
0x9e: {  	_ =	swait.ge [sflag:s22], s20  }
0x9f: {  	s3 =	ssub.s32 $0x0, s20;
	[sflag:s22] =	ssyncset.done $0x0  }
0xa0: {  	[sflag:s22] =	ssyncadd.s32 s3;
	_ =	sdelay $0x1  }
0xa1: {  	s23 =	simm.s32 $0x1B8B  }
0xa2: {  	_ =	swait.ge [sflag:s23], $0x1  }
0xa3: {  	[sflag:s23] =	ssyncset.done $0x0  }
0xa4: {  	s25 =	simm.s32 $0x1B8E;
	s24 =	sld [smem:$0x3FFE];
	[sflag:s23] =	ssyncadd.s32 $0xFFFFFFFF  }
0xa5: {  	s26 =	simm.s32 $execute0_lowered;
	[smem:$0x3FD2] =	sst s25  }
0xa6: {  	s4 =	sshll.u32 s26, $0x1;
	_ =	strace $0x80000049;
	[dreg:$0x1] =	wrdreg $0xFFFFFFFF  }
0xa7: {  	s28 =	simm.s32 $_size_execute0_lowered;
	s2 =	sadd.s32 s2, s4;
	[dreg:$0x0] =	wrdreg $0x0  }
0xa8: {  	s4 =	sshll.u32 s28, $0x1;
	[dreg:$0x2] =	wrdreg s2  }
0xa9: {  	[dreg:$0x3] =	wrdreg s4  }
0xaa: {  	[dreg:$0x4] =	wrdreg $0xC0  }
0xab: {  	_ =	task [dreg:s6], $0x5FFFF  }
0xac: {  	[dreg:$0x1] =	wrdreg $0xFFFFFFFF  }
0xad: {  	[dreg:$0x0] =	wrdreg $0x60  }
0xae: {  	[dreg:$0x2] =	wrdreg s24  }
0xaf: {  	[dreg:$0x3] =	wrdreg $0x0  }
0xb0: {  	[dreg:$0x4] =	wrdreg $0x9  }
0xb1: {  	_ =	task.clear_ibuf [dreg:s6], $0x5FFFF;
	_ =	strace $0x90000049  }
0xb2: {  	s29 =	simm.s32 $0x9;
	_ =	strace $0x8000004B  }
0xb3: {  	_ =	swait.ge [sflag:s29], $0x1  }
0xb4: {  	[sflag:s29] =	ssyncadd.s32 $0xFFFFFFFF  }
0xb5: {  	_ =	strace $0x9000004B  }
0xb6: {  	_ =	sfence  }
0xb7: {  	s30 =	sld [smem:$0x0];
	_ =	sdelay $0x2  }
0xb8: {  	s31 =	sshll.u32 s1, $0xD;
	s1 =	sshrl.u32 s1, $0x2  }
0xb9: {  	s3 =	sand.u32 $0x4000, s31;
	s1 =	sadd.s32 s1, s30  }
0xba: {  	s0 =	sor.u32 s3, s0;
	s1 =	sshll.u32 s1, $0x11  }
0xbb: {  	s0 =	sor.u32 s1, s0  }
0xbc: {  	s0 =	sadd.s32 $0x8F2B, s0  }
0xbd: {  	[sflag:s0] =	ssyncadd.remote.s32 $0x1  }
0xbe: {  	_ =	sfence.sel $0xFFFF  }
0xbf: {  	[dreg:$0x0] =	wrdreg $0xFFFFFFFF;
	(pc) =	sbr.abs _section_cstart, $3  }
0xc0: {  	[dreg:$0x1] =	wrdreg $0xFFFFFFFF  }
0xc1: {  	_ =	task.clear_ibuf [dreg:s6], $0x2FFFF;
	_ =	strace $0x9FFFFFFF  }
0xc2: {  	(tm) =	ssettm $0x7FFFFFFF  }
0xc3: {  	_ =	shalt  }
tec
execute0_lowered:
.L_overlay_start_1:
0x0: {  	(tag) =	ssettag $0x1  }
0x1: {  	s5 =	rddreg [dreg:$0x0];
	s0 =	srdreg.scid  }
0x2: {  	s2 =	rddreg [dreg:$0x1];
	s26 =	stileid.u32  }
0x3: {  	s3 =	simm.s32 $0x0;
	s17 =	simm.s32 $0x80;
	s18 =	simm.s32 $0x18D00  }
0x4: {  	s19 =	simm.s32 $0x18800;
	s20 =	simm.s32 $0x19D00;
	s21 =	simm.s32 $0x18900  }
0x5: {  	s22 =	simm.s32 $0x1AD00;
	s23 =	simm.s32 $0x4;
	s25 =	simm.s32 $0x0  }
0x6: {  	s6 =	sand.u32 $0x1, s0;
	s7 =	smul.u32 $0x18700, s26;
	s4 =	sadd.s32 $0x1EBE00, s5  }
0x7: {  	[smem:$0x7FF] =	sst s3;
	s12 =	sadd.s32 $0x24E400, s5;
	s13 =	smul.u32 $0x30E0, s26  }
0x8: {  	s30 =	sshll.u32 s26, $0x6;
	s15 =	smul.u32 $0x3180, s26;
	s24 =	sadd.s32 $0x16E900, s2  }
0x9: {  	p0 =	seq.s32 s26, $0xF;
	s10 =	smul.u32 $0x30D40, s6;
	_ =	strace $0x8000004A  }
0xa: {  	s9 =	ssub.s32 $0x2, s6;
	s29 =	smul.u32 $0x186A00, s6;
	s24 =	sshrl.u32 @p0 s24, $0x3  }
0xb: {  	s8 =	sshrl.u32 s7, $0x3;
	s28 =	sshrl.u32 s9, $0x1;
	s11 =	sadd.s32 s10, s5  }
0xc: {  	s8 =	sadd.s32 s8, s5;
	s14 =	ssub.s32 s9, s28;
	s5 =	sadd.s32 s7, s2  }
.Ltmp0:
0xd: {  	s7 =	sor.u32 $0x1C05, s30;
	s16 =	sshrl.u32 s29, $0x3;
	(pc) =	sbr.rel .LBB2_1-.Ltmp0, $4  }
0xe: {  	s9 =	sadd.s32 s4, s15;
	s13 =	sadd.s32 s13, s10;
	s15 =	simm.s32 $0x5  }
0xf: {  	s6 =	sadd.s32 $0x21D600, s8;
	s8 =	smul.u32 $0x18C, s26;
	s31 =	sadd.s32 s12, s16  }
0x10: {  	s10 =	sadd.s32 $0x18A200, s11;
	s11 =	sadd.s32 s12, s13;
	s13 =	smax.u32 s14, $0x1  }
0x11: {  	s14 =	sshrl.u32 s5, $0x3;
	s16 =	simm.s32 $0x18700;
	s12 =	sadd.s32 $0x2DD20, s31  }
.LBB2_5:
0x12: {  	_ =	swait.ge [sflag:s23], $0x1000  }
0x13: {  	[sflag:s23] =	ssyncset.done $0x0  }
0x14: {  	[sflag:s23] =	ssyncadd.s32 $0xFFFFF000  }
0x15: {  	_ =	swait.ge [sflag:s23], $0x1000  }
0x16: {  	[sflag:s23] =	ssyncset.done $0x0  }
0x17: {  	[sflag:s23] =	ssyncadd.s32 $0xFFFFF000  }
0x18: {  	_ =	swait.ge [sflag:s23], $0x1000  }
0x19: {  	[sflag:s23] =	ssyncset.done $0x0  }
0x1a: {  	[sflag:s23] =	ssyncadd.s32 $0xFFFFF000  }
0x1b: {  	s0 =	simm.s32 @p0 $0x5;
	[bflag:$0x0] =	sbarrier.arrive $0xFFFF  }
0x1c: {  	[hbm:s12], [sflag:s7] =	dma.local @p0 [spmem:s24], $0x3020  }
0x1d: {  	_ =	swait.ge @p0 [sflag:s0], $0x3020  }
0x1e: {  	s25 =	sadd.s32 $0x1, s25;
	[sflag:s0] =	ssyncset.done @p0 $0x0  }
0x1f: {  	p1 =	sne.s32 s25, s13;
	[sflag:s0] =	ssyncadd.s32 @p0 $0xFFFFCFE0;
	s0 =	sshrl.u32 @!p0 s5, $0x3  }
0x20: {  	[hbm:s11], [sflag:s7] =	dma.local @!p0 [spmem:s0], $0x30E0  }
.Ltmp1:
0x21: {  	_ = 	snop;
	(pc) =	sbr.rel @!p1 .LBB2_6-.Ltmp1, $4  }
0x22: {  	s0 =	simm.s32 @!p0 $0x5  }
0x23: {  	_ =	swait.ge @!p0 [sflag:s0], $0x30E0  }
0x24: {  	[sflag:s0] =	ssyncset.done @!p0 $0x0  }
0x25: {  	[sflag:s0] =	ssyncadd.s32 @!p0 $0xFFFFCF20  }
.LBB2_1:
0x26: {  	[spmem:s14], [sflag:s7] =	dma.local [hbm:s6], $0x30E0  }
0x27: {  	_ =	swait.ge [sflag:s15], $0x30E0  }
0x28: {  	[sflag:s15] =	ssyncset.done $0x0  }
0x29: {  	[sflag:s15] =	ssyncadd.s32 $0xFFFFCF20  }
0x2a: {  	[bflag:$0x0] =	sbarrier.arrive $0xFFFF  }
0x2b: {  	[tilespmem:s16], [sflag:$0x5] =	stream.linear.gather [hbm4b:s9+s3], $0x300, $0x38;
	[tilespmem:$0x1ED00] =	vst v63  }
0x2c: {  	_ =	swait.ge [sflag:s15], $0x300  }
0x2d: {  	[sflag:s15] =	ssyncset.done $0x0  }
0x2e: {  	[sflag:s15] =	ssyncadd.s32 $0xFFFFFD00  }
0x2f: {  	[tilespmem:s18], [sflag:$0x1] =	stream.indirect.gather [hbm4b:s10+s17], $0x20, s16, s17, $0xb8;
	[tilespmem:$0x1ED00] =	vst v63  }
.Ltmp2:
0x30: {  	_ = 	snop;
	(pc) =	sbr.rel .LBB2_2-.Ltmp2, $4  }
0x31: {  	_ = 	snop  }
0x32: {  	[tilespmem:s20], [sflag:$0x1] =	stream.indirect.gather [hbm4b:s10+s17], $0x20, s19, s17, $0xb8;
	[tilespmem:$0x1ED00] =	vst v63  }
0x33: {  	s30 =	simm.s32 $0x0  }
0x34: {  	[tilespmem:s22], [sflag:$0x1] =	stream.indirect.gather [hbm4b:s10+s17], $0x20, s21, s17, $0xb8;
	[tilespmem:$0x1ED00] =	vst v63  }
.LBB2_4:
0x35: {  	s0 =	smul.u32 $0xC000, s26  }
0x36: {  	s1 =	sadd.s32 $0x1, s26;
	s29 =	smul.u32 $0xC00, s26  }
0x37: {  	s26 =	sadd.s32 $0x3, s26;
	_ =	swait.ge [sflag:s1], $0x1000  }
0x38: {  	s0 =	sshrl.u32 s0, $0x2;
	[sflag:s1] =	ssyncset.done $0x0;
	s29 =	sshrl.u32 s29, $0x2  }
0x39: {  	s30 =	sor.u32 $0x18D00, s0;
	[sflag:s1] =	ssyncadd.s32 $0xFFFFF000;
	s31 =	sadd.s32 $0x18780, s29  }
0x3a: {  	[spmem:s2] =	stream.indirect.scatter.add.f32 [tilespmem:s30], [sflag:s26], $0x20, s31, s17, $0xb8;
	[tilespmem:$0x1ED00] =	vst v63  }
0x3b: {  	_ =	swait.ge [sflag:s1], $0x1000  }
0x3c: {  	p1 =	slt.u32 s28, $0x84;
	[sflag:s1] =	ssyncset.done $0x0  }
0x3d: {  	s30 =	sadd.s32 $0x19D00, s0;
	s31 =	sor.u32 $0x18880, s29;
	[sflag:s1] =	ssyncadd.s32 $0xFFFFF000  }
0x3e: {  	[spmem:s2] =	stream.indirect.scatter.add.f32 [tilespmem:s30], [sflag:s26], $0x20, s31, s17, $0xb8;
	[tilespmem:$0x1ED00] =	vst v63  }
.Ltmp3:
0x3f: {  	_ = 	snop;
	(pc) =	sbr.rel @!p1 .LBB2_5-.Ltmp3, $4  }
0x40: {  	_ =	swait.ge [sflag:s1], $0x1000  }
0x41: {  	s0 =	sadd.s32 $0x1AD00, s0;
	[sflag:s1] =	ssyncset.done $0x0  }
0x42: {  	s31 =	sadd.s32 $0x18980, s29;
	s30 =	smov.u32 s28;
	[sflag:s1] =	ssyncadd.s32 $0xFFFFF000  }
0x43: {  	[spmem:s2] =	stream.indirect.scatter.add.f32 [tilespmem:s0], [sflag:s26], $0x20, s31, s17, $0xb8;
	[tilespmem:$0x1ED00] =	vst v63  }
.LBB2_2:
0x44: {  	s26 =	sand.u32 $0x1, s30  }
0x45: {  	p1 =	seq.s32 s30, $0x0;
	s29 =	sxor.u32 $0x1, s26  }
0x46: {  	s28 =	sadd.s32 @!p1 $0x3, s29  }
0x47: {  	_ =	swait.ge @!p1 [sflag:s28], $0x1000  }
0x48: {  	[sflag:s28] =	ssyncset.done @!p1 $0x0  }
0x49: {  	p2 =	seq.s32 @!p1 s30, $0x83;
	[sflag:s28] =	ssyncadd.s32 @!p1 $0xFFFFF000  }
0x4a: {  	p2 =	por p1, !p2;
	_ =	swait.ge @!p1 [sflag:s28], $0x1000  }
.Ltmp4:
0x4b: {  	[sflag:s28] =	ssyncset.done @!p1 $0x0;
	(pc) =	sbr.rel @!p2 .LBB2_4-.Ltmp4, $4  }
0x4c: {  	[sflag:s28] =	ssyncadd.s32 @!p1 $0xFFFFF000  }
0x4d: {  	_ =	swait.ge @!p1 [sflag:s28], $0x1000  }
0x4e: {  	[sflag:s28] =	ssyncset.done @!p1 $0x0  }
0x4f: {  	[sflag:s28] =	ssyncadd.s32 @!p1 $0xFFFFF000;
	s28 =	simm.s32 @!p1 $0x84  }
0x50: {  	s28 =	sadd.s32 @!p1 $0x1, s30  }
0x51: {  	s28 =	simm.s32 @p1 $0x1  }
0x52: {  	s0 =	smul.u32 $0x3, s28  }
0x53: {  	s31 =	smul.u32 $0xC00, s29  }
0x54: {  	s30 =	sadd.s32 s8, s0  }
0x55: {  	s31 =	sshrl.u32 s31, $0x2;
	s30 =	sshll.u32 s30, $0x5  }
0x56: {  	s1 =	smul.u32 $0xC000, s29;
	s0 =	sadd.s32 $0x18700, s31;
	s30 =	sadd.s32 s4, s30  }
0x57: {  	[tilespmem:s0], [sflag:$0x5] =	stream.linear.gather [hbm4b:s30+s3], $0x300, $0x38;
	[tilespmem:$0x1ED00] =	vst v63  }
0x58: {  	_ =	swait.ge [sflag:s15], $0x300  }
0x59: {  	s30 =	sshrl.u32 s1, $0x2;
	[sflag:s15] =	ssyncset.done $0x0  }
0x5a: {  	s29 =	sadd.s32 $0x1, s29;
	s1 =	sor.u32 $0x18D00, s30;
	[sflag:s15] =	ssyncadd.s32 $0xFFFFFD00  }
0x5b: {  	[tilespmem:s1], [sflag:s29] =	stream.indirect.gather [hbm4b:s10+s17], $0x20, s0, s17, $0xb8;
	[tilespmem:$0x1ED00] =	vst v63  }
.Ltmp5:
0x5c: {  	_ = 	snop;
	(pc) =	sbr.rel .LBB2_4-.Ltmp5, $4  }
0x5d: {  	s0 =	sadd.s32 $0x19D00, s30;
	s1 =	sor.u32 $0x18800, s31  }
0x5e: {  	[tilespmem:s0], [sflag:s29] =	stream.indirect.gather [hbm4b:s10+s17], $0x20, s1, s17, $0xb8;
	[tilespmem:$0x1ED00] =	vst v63  }
0x5f: {  	s30 =	sadd.s32 $0x1AD00, s30;
	s31 =	sadd.s32 $0x18900, s31  }
0x60: {  	[tilespmem:s30], [sflag:s29] =	stream.indirect.gather [hbm4b:s10+s17], $0x20, s31, s17, $0xb8;
	[tilespmem:$0x1ED00] =	vst v63  }
.LBB2_6:
0x61: {  	_ =	sfence.sel $0x180000  }
0x62: {  	[bflag:$0x0] =	sbarrier.arrive $0xFFFF  }
0x63: {  	_ =	strace $0x9000004A  }
0x64: {  	s0 =	stileid.u32;
	[bflag:$0x2] =	sbarrier.arrive $0xFFFF  }
0x65: {  	p0 =	sne.s32 s0, $0x0;
	s0 =	rddreg [dreg:$0x2]  }
0x66: {  	s0 =	sadd.s32 @!p0 $0x100000, s0  }
0x67: {  	[sflag:s0] =	ssyncadd.tile.s32 @!p0 $0x1;
	_ =	shalt  }
.Lfunc_end2:
_tile_overlayer_lowered:
.L_overlay_start_2:
0x68: {  	(tag) =	ssettag $0x2  }
0x69: {  	s0 =	rddreg [dreg:$0x0];
	s2 =	stileid.u32  }
0x6a: {  	s1 =	rddreg [dreg:$0x1];
	p0 =	sne.s32 s2, $0x0  }
0x6b: {  	s3 =	rddreg [dreg:$0x2];
	[bflag:$0x3] =	sbarrier.arrive $0xFFFF;
	s2 =	simm.s32 @!p0 $0x1C05  }
0x6c: {  	[timem:s3], [sflag:s2] =	dma.local @!p0 [hbm:s0], s1  }
0x6d: {  	s0 =	simm.s32 @!p0 $0x5  }
0x6e: {  	_ =	swait.ge @!p0 [sflag:s0], s1  }
0x6f: {  	s1 =	ssub.s32 @!p0 $0x0, s1;
	[sflag:s0] =	ssyncset.done @!p0 $0x0  }
0x70: {  	[sflag:s0] =	ssyncadd.s32 @!p0 s1  }
0x71: {  	[bflag:$0x3] =	sbarrier.arrive $0xFFFF  }
0x72: {  	_ =	shalt  }

// kernel: kernel.19.cloned.1.call-start
scs
__scs_entry_jumppad:
0x0: {  	(pc) =	sbr.rel $0x88, $3  }
0x1: {  	(tag) =	ssettag $0x0;
	lr =	simm.s32 $0x1  }
0x2: {  	[smem:$0x3F8A] =	sst lr;
	_ =	strace $0xD0000000  }
0x3: {  	_ = 	snop  }
0x4: {  	_ = 	snop  }
0x5: {  	_ = 	snop  }
0x6: {  	_ = 	snop  }
0x7: {  	_ = 	snop  }
__scs_overlays_trampoline_lowered:
0x8: {  	[smem:$0x3F99] =	sst s0  }
0x9: {  	[smem:$0x3F9A] =	sst s1  }
0xa: {  	[smem:$0x3F9B] =	sst s2  }
0xb: {  	[smem:$0x3F9C] =	sst s3  }
0xc: {  	[smem:$0x3F9D] =	sst s4  }
0xd: {  	[smem:$0x3F9E] =	sst s5  }
0xe: {  	[smem:$0x3F9F] =	sst s6  }
0xf: {  	[smem:$0x3FA0] =	sst s7  }
0x10: {  	[smem:$0x3FA1] =	sst s8  }
0x11: {  	[smem:$0x3FA2] =	sst s9;
	s0 =	simm.s32 @!p0 $0x0  }
0x12: {  	s1 =	sld [smem:$0x3F88];
	s0 =	simm.s32 @p0 $0x1  }
0x13: {  	[smem:$0x3FA3] =	sst s0;
	s0 =	simm.s32 @!p1 $0x0  }
0x14: {  	s2 =	sld [smem:$0x3F87];
	s0 =	simm.s32 @p1 $0x1  }
0x15: {  	[smem:$0x3FA4] =	sst s0;
	s0 =	simm.s32 @!p2 $0x0  }
0x16: {  	s3 =	sld [smem:$0x3FDB];
	s0 =	simm.s32 @p2 $0x1  }
0x17: {  	s4 =	simm.s32 $0x1BF5;
	[smem:$0x3FA6] =	sst s0  }
0x18: {  	s0 =	sld [smem:$0x3F89];
	_ =	swait.ge [sflag:s4], $0x0  }
0x19: {  	s7 =	sld [smem:$0x3F8A]  }
0x1a: {  	s8 =	sadd.s32 $0xFFFFE003, lr  }
0x1b: {  	s9 =	sadd.s32 $0xFFFFFEF7, lr;
	s5 =	simm.s32 $0xFFFFFFFF;
	p2 =	slt.u32 s8, $0xFFFFF086  }
0x1c: {  	p1 =	slt.u32 s9, $0xF7A;
	s5 =	simm.s32 @!p2 $0x0  }
0x1d: {  	s5 =	simm.s32 @p1 $0x1;
	p0 =	seq.s32 s7, s2  }
0x1e: {  	s7 =	smul.u32 @!p0 $0xF7A, s2;
	p2 =	seq.s32 @!p0 s5, $0x0  }
0x1f: {  	s9 =	smul.u32 $0xF7A, s1;
	s8 =	simm.s32 @!p0 $0x1BF5;
	p2 =	por !p2, p0  }
0x20: {  	[sflag:s8] =	ssyncset.s32 @!p0 $0xFFFFF086;
	s6 =	sadd.s32 @!p0 s3, s7;
	s7 =	simm.s32 @!p0 $0x108  }
0x21: {  	s3 =	sadd.s32 s3, s9;
	s6 =	sadd.s32 @!p0 $0x88, s6;
	s7 =	simm.s32 @p2 $0x1082  }
0x22: {  	[simem:s7], [sflag:s8] =	dma.local @!p0 [hbm:s6], $0xF7A  }
0x23: {  	s9 =	sor.u32 $0xD0000000, s2;
	s6 =	simm.s32 $0x108;
	_ =	swait.ge @!p0 [sflag:s8], $0x0  }
0x24: {  	s3 =	sadd.s32 $0x88, s3;
	s6 =	simm.s32 @!p1 $0x1082;
	[sflag:s4] =	ssyncset.s32 $0xFFFFF086  }
0x25: {  	[simem:s6], [sflag:s4] =	dma.local [hbm:s3], $0xF7A  }
0x26: {  	[smem:$0x3F8A] =	sst s1;
	(tag) =	ssettag s2;
	_ =	strace s9  }
0x27: {  	s1 =	sld [smem:$0x3F9A]  }
0x28: {  	s2 =	sld [smem:$0x3F9B]  }
0x29: {  	s4 =	sld [smem:$0x3F9D]  }
0x2a: {  	p0 =	seq.s32 s5, $0x0;
	s5 =	sld [smem:$0x3F9E]  }
0x2b: {  	s6 =	sld [smem:$0x3F9F]  }
0x2c: {  	s7 =	sld [smem:$0x3FA0]  }
0x2d: {  	s3 =	simm.s32 $0x108;
	s8 =	sld [smem:$0x3FA1]  }
0x2e: {  	s3 =	simm.s32 @!p0 $0x1082;
	s9 =	sld [smem:$0x3FA2]  }
0x2f: {  	lr =	sadd.s32 s0, s3;
	s0 =	sld [smem:$0x3F99]  }
0x30: {  	s3 =	sld [smem:$0x3F9C]  }
0x31: {  	[smem:$0x3FA5] =	sst s10  }
0x32: {  	s10 =	sld [smem:$0x3FA3];
	_ =	sdelay $0x3  }
0x33: {  	p0 =	seq.s32 s10, $0x1;
	s10 =	sld [smem:$0x3FA5];
	_ =	sdelay $0x3  }
0x34: {  	[smem:$0x3FA5] =	sst s10  }
0x35: {  	s10 =	sld [smem:$0x3FA4];
	_ =	sdelay $0x3  }
0x36: {  	p1 =	seq.s32 s10, $0x1;
	s10 =	sld [smem:$0x3FA5];
	_ =	sdelay $0x3  }
0x37: {  	[smem:$0x3FA5] =	sst s10  }
0x38: {  	s10 =	sld [smem:$0x3FA6]  }
0x39: {  	_ = 	snop;
	(pc) =	sbr.ind lr, $3  }
0x3a: {  	_ = 	snop  }
0x3b: {  	_ = 	snop  }
0x3c: {  	p2 =	seq.s32 s10, $0x1;
	s10 =	sld [smem:$0x3FA5]  }
0x3d: {  	_ =	shalt  }
0x3e: {  	_ =	shalt  }
0x3f: {  	_ =	shalt  }
0x40: {  	_ =	shalt  }
0x41: {  	_ =	shalt  }
0x42: {  	_ =	shalt  }
0x43: {  	_ =	shalt  }
0x44: {  	_ =	shalt  }
0x45: {  	_ =	shalt  }
0x46: {  	_ =	shalt  }
0x47: {  	_ =	shalt  }
0x48: {  	_ =	shalt  }
0x49: {  	_ =	shalt  }
0x4a: {  	_ =	shalt  }
0x4b: {  	_ =	shalt  }
0x4c: {  	_ =	shalt  }
0x4d: {  	_ =	shalt  }
0x4e: {  	_ =	shalt  }
0x4f: {  	_ =	shalt  }
0x50: {  	_ =	shalt  }
0x51: {  	_ =	shalt  }
0x52: {  	_ =	shalt  }
0x53: {  	_ =	shalt  }
0x54: {  	_ =	shalt  }
0x55: {  	_ =	shalt  }
0x56: {  	_ =	shalt  }
0x57: {  	_ =	shalt  }
0x58: {  	_ =	shalt  }
0x59: {  	_ =	shalt  }
0x5a: {  	_ =	shalt  }
0x5b: {  	_ =	shalt  }
0x5c: {  	_ =	shalt  }
0x5d: {  	_ =	shalt  }
0x5e: {  	_ =	shalt  }
0x5f: {  	_ =	shalt  }
0x60: {  	_ =	shalt  }
0x61: {  	_ =	shalt  }
0x62: {  	_ =	shalt  }
0x63: {  	_ =	shalt  }
0x64: {  	_ =	shalt  }
0x65: {  	_ =	shalt  }
0x66: {  	_ =	shalt  }
0x67: {  	_ =	shalt  }
0x68: {  	_ =	shalt  }
0x69: {  	_ =	shalt  }
0x6a: {  	_ =	shalt  }
0x6b: {  	_ =	shalt  }
0x6c: {  	_ =	shalt  }
0x6d: {  	_ =	shalt  }
0x6e: {  	_ =	shalt  }
0x6f: {  	_ =	shalt  }
0x70: {  	_ =	shalt  }
0x71: {  	_ =	shalt  }
0x72: {  	_ =	shalt  }
0x73: {  	_ =	shalt  }
0x74: {  	_ =	shalt  }
0x75: {  	_ =	shalt  }
0x76: {  	_ =	shalt  }
0x77: {  	_ =	shalt  }
0x78: {  	_ =	shalt  }
0x79: {  	_ =	shalt  }
0x7a: {  	_ =	shalt  }
0x7b: {  	_ =	shalt  }
0x7c: {  	_ =	shalt  }
0x7d: {  	_ =	shalt  }
0x7e: {  	_ =	shalt  }
0x7f: {  	_ =	shalt  }
0x80: {  	_ =	shalt  }
0x81: {  	_ =	shalt  }
0x82: {  	_ =	shalt  }
0x83: {  	_ =	shalt  }
0x84: {  	_ =	shalt  }
0x85: {  	_ =	shalt  }
0x86: {  	_ =	shalt  }
0x87: {  	_ =	shalt  }
.Lfunc_end0:
.L_simem_size_0:
called_computation.2_lowered:
.L_overlay_start_0:
0x88: {  	s2 =	sld [smem:$0x3FD9]  }
0x89: {  	s3 =	sld [smem:$0x3FFE];
	_ =	sdelay $0x1  }
0x8a: {  	s1 =	srdreg.scid  }
0x8b: {  	s0 =	sand.u32 $0x1, s1  }
0x8c: {  	s16 =	sshll.u32 s0, $0xA;
	s2 =	sadd.s32 s3, s2  }
0x8d: {  	s2 =	sadd.s32 s2, s16  }
0x8e: {  	[smem:$0x3FB1] =	sst s2  }
0x8f: {  	_ = 	snop  }
0x90: {  	(tm) =	ssettm $0x1  }
0x91: {  	s17 =	sld [smem:$0x3FFB];
	_ =	sdelay $0x3  }
0x92: {  	_ =	strace s17  }
0x93: {  	s2 =	sld [smem:$0x3FFC];
	_ =	sdelay $0x3  }
0x94: {  	_ =	strace s2  }
0x95: {  	s2 =	sld [smem:$0x3FFD];
	_ =	sdelay $0x3  }
0x96: {  	_ =	strace s2  }
0x97: {  	_ =	strace $0x8FFFFFFF  }
0x98: {  	s18 =	sld [smem:$0x3FDB];
	_ =	sdelay $0x1  }
0x99: {  	s19 =	simm.s32 $_scs_section_size  }
0x9a: {  	s4 =	simm.s32 $_size__tile_overlayer_lowered;
	s5 =	simm.s32 $_tile_overlayer_lowered  }
0x9b: {  	s22 =	simm.s32 $0x1BFF;
	s21 =	sshll.u32 s5, $0x1;
	s2 =	sadd.s32 s19, s18  }
0x9c: {  	s6 =	simm.s32 $0x0;
	s20 =	sshll.u32 s4, $0x1;
	s4 =	sadd.s32 s21, s2  }
0x9d: {  	[timem:s6], [sflag:s22] =	dma.local [hbm:s4], s20  }
0x9e: {  	_ =	swait.ge [sflag:s22], s20  }
0x9f: {  	s3 =	ssub.s32 $0x0, s20;
	[sflag:s22] =	ssyncset.done $0x0  }
0xa0: {  	[sflag:s22] =	ssyncadd.s32 s3;
	_ =	sdelay $0x1  }
0xa1: {  	s23 =	simm.s32 $0x1B8B  }
0xa2: {  	_ =	swait.ge [sflag:s23], $0x1  }
0xa3: {  	[sflag:s23] =	ssyncset.done $0x0  }
0xa4: {  	s25 =	simm.s32 $0x1B8E;
	s24 =	sld [smem:$0x3FFE];
	[sflag:s23] =	ssyncadd.s32 $0xFFFFFFFF  }
0xa5: {  	s26 =	simm.s32 $execute0_lowered;
	[smem:$0x3FD2] =	sst s25  }
0xa6: {  	s4 =	sshll.u32 s26, $0x1;
	_ =	strace $0x8000004C;
	[dreg:$0x1] =	wrdreg $0xFFFFFFFF  }
0xa7: {  	s28 =	simm.s32 $_size_execute0_lowered;
	s2 =	sadd.s32 s2, s4;
	[dreg:$0x0] =	wrdreg $0x0  }
0xa8: {  	s4 =	sshll.u32 s28, $0x1;
	[dreg:$0x2] =	wrdreg s2  }
0xa9: {  	[dreg:$0x3] =	wrdreg s4  }
0xaa: {  	[dreg:$0x4] =	wrdreg $0xC0  }
0xab: {  	_ =	task [dreg:s6], $0x5FFFF  }
0xac: {  	[dreg:$0x1] =	wrdreg $0xFFFFFFFF  }
0xad: {  	[dreg:$0x0] =	wrdreg $0x60  }
0xae: {  	[dreg:$0x2] =	wrdreg s24  }
0xaf: {  	[dreg:$0x3] =	wrdreg $0x0  }
0xb0: {  	[dreg:$0x4] =	wrdreg $0x9  }
0xb1: {  	_ =	task.clear_ibuf [dreg:s6], $0x5FFFF;
	_ =	strace $0x9000004C  }
0xb2: {  	s29 =	simm.s32 $0x9;
	_ =	strace $0x8000004E  }
0xb3: {  	_ =	swait.ge [sflag:s29], $0x1  }
0xb4: {  	[sflag:s29] =	ssyncadd.s32 $0xFFFFFFFF  }
0xb5: {  	_ =	strace $0x9000004E  }
0xb6: {  	_ =	sfence  }
0xb7: {  	s30 =	sld [smem:$0x0];
	_ =	sdelay $0x2  }
0xb8: {  	s31 =	sshll.u32 s1, $0xD;
	s1 =	sshrl.u32 s1, $0x2  }
0xb9: {  	s3 =	sand.u32 $0x4000, s31;
	s1 =	sadd.s32 s1, s30  }
0xba: {  	s0 =	sor.u32 s3, s0;
	s1 =	sshll.u32 s1, $0x11  }
0xbb: {  	s0 =	sor.u32 s1, s0  }
0xbc: {  	s0 =	sadd.s32 $0x8F2B, s0  }
0xbd: {  	[sflag:s0] =	ssyncadd.remote.s32 $0x1  }
0xbe: {  	_ =	sfence.sel $0xFFFF  }
0xbf: {  	[dreg:$0x0] =	wrdreg $0xFFFFFFFF;
	(pc) =	sbr.abs _section_cstart, $3  }
0xc0: {  	[dreg:$0x1] =	wrdreg $0xFFFFFFFF  }
0xc1: {  	_ =	task.clear_ibuf [dreg:s6], $0x2FFFF;
	_ =	strace $0x9FFFFFFF  }
0xc2: {  	(tm) =	ssettm $0x7FFFFFFF  }
0xc3: {  	_ =	shalt  }
tec
execute0_lowered:
.L_overlay_start_1:
0x0: {  	(tag) =	ssettag $0x1  }
0x1: {  	s5 =	rddreg [dreg:$0x0];
	s0 =	srdreg.scid  }
0x2: {  	s2 =	rddreg [dreg:$0x1];
	s26 =	stileid.u32  }
0x3: {  	s3 =	simm.s32 $0x0;
	s17 =	simm.s32 $0x80;
	s18 =	simm.s32 $0x18D00  }
0x4: {  	s19 =	simm.s32 $0x18800;
	s20 =	simm.s32 $0x19D00;
	s21 =	simm.s32 $0x18900  }
0x5: {  	s22 =	simm.s32 $0x1AD00;
	s23 =	simm.s32 $0x4;
	s25 =	simm.s32 $0x0  }
0x6: {  	s6 =	sand.u32 $0x1, s0;
	s7 =	smul.u32 $0x18700, s26;
	s4 =	sadd.s32 $0x1EBE00, s5  }
0x7: {  	[smem:$0x7FF] =	sst s3;
	s12 =	sadd.s32 $0x24E400, s5;
	s13 =	smul.u32 $0x30E0, s26  }
0x8: {  	s30 =	sshll.u32 s26, $0x6;
	s15 =	smul.u32 $0x3180, s26;
	s24 =	sadd.s32 $0x16E900, s2  }
0x9: {  	p0 =	seq.s32 s26, $0xF;
	s10 =	smul.u32 $0x30D40, s6;
	_ =	strace $0x8000004D  }
0xa: {  	s9 =	ssub.s32 $0x2, s6;
	s29 =	smul.u32 $0x186A00, s6;
	s24 =	sshrl.u32 @p0 s24, $0x3  }
0xb: {  	s8 =	sshrl.u32 s7, $0x3;
	s28 =	sshrl.u32 s9, $0x1;
	s11 =	sadd.s32 s10, s5  }
0xc: {  	s8 =	sadd.s32 s8, s5;
	s14 =	ssub.s32 s9, s28;
	s5 =	sadd.s32 s7, s2  }
.Ltmp0:
0xd: {  	s7 =	sor.u32 $0x1C05, s30;
	s16 =	sshrl.u32 s29, $0x3;
	(pc) =	sbr.rel .LBB2_1-.Ltmp0, $4  }
0xe: {  	s9 =	sadd.s32 s4, s15;
	s13 =	sadd.s32 s13, s10;
	s15 =	simm.s32 $0x5  }
0xf: {  	s6 =	sadd.s32 $0x21D600, s8;
	s8 =	smul.u32 $0x18C, s26;
	s31 =	sadd.s32 s12, s16  }
0x10: {  	s10 =	sadd.s32 $0x18A200, s11;
	s11 =	sadd.s32 s12, s13;
	s13 =	smax.u32 s14, $0x1  }
0x11: {  	s14 =	sshrl.u32 s5, $0x3;
	s16 =	simm.s32 $0x18700;
	s12 =	sadd.s32 $0x2DD20, s31  }
.LBB2_5:
0x12: {  	_ =	swait.ge [sflag:s23], $0x1000  }
0x13: {  	[sflag:s23] =	ssyncset.done $0x0  }
0x14: {  	[sflag:s23] =	ssyncadd.s32 $0xFFFFF000  }
0x15: {  	_ =	swait.ge [sflag:s23], $0x1000  }
0x16: {  	[sflag:s23] =	ssyncset.done $0x0  }
0x17: {  	[sflag:s23] =	ssyncadd.s32 $0xFFFFF000  }
0x18: {  	_ =	swait.ge [sflag:s23], $0x1000  }
0x19: {  	[sflag:s23] =	ssyncset.done $0x0  }
0x1a: {  	[sflag:s23] =	ssyncadd.s32 $0xFFFFF000  }
0x1b: {  	s0 =	simm.s32 @p0 $0x5;
	[bflag:$0x0] =	sbarrier.arrive $0xFFFF  }
0x1c: {  	[hbm:s12], [sflag:s7] =	dma.local @p0 [spmem:s24], $0x3020  }
0x1d: {  	_ =	swait.ge @p0 [sflag:s0], $0x3020  }
0x1e: {  	s25 =	sadd.s32 $0x1, s25;
	[sflag:s0] =	ssyncset.done @p0 $0x0  }
0x1f: {  	p1 =	sne.s32 s25, s13;
	[sflag:s0] =	ssyncadd.s32 @p0 $0xFFFFCFE0;
	s0 =	sshrl.u32 @!p0 s5, $0x3  }
0x20: {  	[hbm:s11], [sflag:s7] =	dma.local @!p0 [spmem:s0], $0x30E0  }
.Ltmp1:
0x21: {  	_ = 	snop;
	(pc) =	sbr.rel @!p1 .LBB2_6-.Ltmp1, $4  }
0x22: {  	s0 =	simm.s32 @!p0 $0x5  }
0x23: {  	_ =	swait.ge @!p0 [sflag:s0], $0x30E0  }
0x24: {  	[sflag:s0] =	ssyncset.done @!p0 $0x0  }
0x25: {  	[sflag:s0] =	ssyncadd.s32 @!p0 $0xFFFFCF20  }
.LBB2_1:
0x26: {  	[spmem:s14], [sflag:s7] =	dma.local [hbm:s6], $0x30E0  }
0x27: {  	_ =	swait.ge [sflag:s15], $0x30E0  }
0x28: {  	[sflag:s15] =	ssyncset.done $0x0  }
0x29: {  	[sflag:s15] =	ssyncadd.s32 $0xFFFFCF20  }
0x2a: {  	[bflag:$0x0] =	sbarrier.arrive $0xFFFF  }
0x2b: {  	[tilespmem:s16], [sflag:$0x5] =	stream.linear.gather [hbm4b:s9+s3], $0x300, $0x38;
	[tilespmem:$0x1ED00] =	vst v63  }
0x2c: {  	_ =	swait.ge [sflag:s15], $0x300  }
0x2d: {  	[sflag:s15] =	ssyncset.done $0x0  }
0x2e: {  	[sflag:s15] =	ssyncadd.s32 $0xFFFFFD00  }
0x2f: {  	[tilespmem:s18], [sflag:$0x1] =	stream.indirect.gather [hbm4b:s10+s17], $0x20, s16, s17, $0xb8;
	[tilespmem:$0x1ED00] =	vst v63  }
.Ltmp2:
0x30: {  	_ = 	snop;
	(pc) =	sbr.rel .LBB2_2-.Ltmp2, $4  }
0x31: {  	_ = 	snop  }
0x32: {  	[tilespmem:s20], [sflag:$0x1] =	stream.indirect.gather [hbm4b:s10+s17], $0x20, s19, s17, $0xb8;
	[tilespmem:$0x1ED00] =	vst v63  }
0x33: {  	s30 =	simm.s32 $0x0  }
0x34: {  	[tilespmem:s22], [sflag:$0x1] =	stream.indirect.gather [hbm4b:s10+s17], $0x20, s21, s17, $0xb8;
	[tilespmem:$0x1ED00] =	vst v63  }
.LBB2_4:
0x35: {  	s0 =	smul.u32 $0xC000, s26  }
0x36: {  	s1 =	sadd.s32 $0x1, s26;
	s29 =	smul.u32 $0xC00, s26  }
0x37: {  	s26 =	sadd.s32 $0x3, s26;
	_ =	swait.ge [sflag:s1], $0x1000  }
0x38: {  	s0 =	sshrl.u32 s0, $0x2;
	[sflag:s1] =	ssyncset.done $0x0;
	s29 =	sshrl.u32 s29, $0x2  }
0x39: {  	s30 =	sor.u32 $0x18D00, s0;
	[sflag:s1] =	ssyncadd.s32 $0xFFFFF000;
	s31 =	sadd.s32 $0x18780, s29  }
0x3a: {  	[spmem:s2] =	stream.indirect.scatter.add.f32 [tilespmem:s30], [sflag:s26], $0x20, s31, s17, $0xb8;
	[tilespmem:$0x1ED00] =	vst v63  }
0x3b: {  	_ =	swait.ge [sflag:s1], $0x1000  }
0x3c: {  	p1 =	slt.u32 s28, $0x84;
	[sflag:s1] =	ssyncset.done $0x0  }
0x3d: {  	s30 =	sadd.s32 $0x19D00, s0;
	s31 =	sor.u32 $0x18880, s29;
	[sflag:s1] =	ssyncadd.s32 $0xFFFFF000  }
0x3e: {  	[spmem:s2] =	stream.indirect.scatter.add.f32 [tilespmem:s30], [sflag:s26], $0x20, s31, s17, $0xb8;
	[tilespmem:$0x1ED00] =	vst v63  }
.Ltmp3:
0x3f: {  	_ = 	snop;
	(pc) =	sbr.rel @!p1 .LBB2_5-.Ltmp3, $4  }
0x40: {  	_ =	swait.ge [sflag:s1], $0x1000  }
0x41: {  	s0 =	sadd.s32 $0x1AD00, s0;
	[sflag:s1] =	ssyncset.done $0x0  }
0x42: {  	s31 =	sadd.s32 $0x18980, s29;
	s30 =	smov.u32 s28;
	[sflag:s1] =	ssyncadd.s32 $0xFFFFF000  }
0x43: {  	[spmem:s2] =	stream.indirect.scatter.add.f32 [tilespmem:s0], [sflag:s26], $0x20, s31, s17, $0xb8;
	[tilespmem:$0x1ED00] =	vst v63  }
.LBB2_2:
0x44: {  	s26 =	sand.u32 $0x1, s30  }
0x45: {  	p1 =	seq.s32 s30, $0x0;
	s29 =	sxor.u32 $0x1, s26  }
0x46: {  	s28 =	sadd.s32 @!p1 $0x3, s29  }
0x47: {  	_ =	swait.ge @!p1 [sflag:s28], $0x1000  }
0x48: {  	[sflag:s28] =	ssyncset.done @!p1 $0x0  }
0x49: {  	p2 =	seq.s32 @!p1 s30, $0x83;
	[sflag:s28] =	ssyncadd.s32 @!p1 $0xFFFFF000  }
0x4a: {  	p2 =	por p1, !p2;
	_ =	swait.ge @!p1 [sflag:s28], $0x1000  }
.Ltmp4:
0x4b: {  	[sflag:s28] =	ssyncset.done @!p1 $0x0;
	(pc) =	sbr.rel @!p2 .LBB2_4-.Ltmp4, $4  }
0x4c: {  	[sflag:s28] =	ssyncadd.s32 @!p1 $0xFFFFF000  }
0x4d: {  	_ =	swait.ge @!p1 [sflag:s28], $0x1000  }
0x4e: {  	[sflag:s28] =	ssyncset.done @!p1 $0x0  }
0x4f: {  	[sflag:s28] =	ssyncadd.s32 @!p1 $0xFFFFF000;
	s28 =	simm.s32 @!p1 $0x84  }
0x50: {  	s28 =	sadd.s32 @!p1 $0x1, s30  }
0x51: {  	s28 =	simm.s32 @p1 $0x1  }
0x52: {  	s0 =	smul.u32 $0x3, s28  }
0x53: {  	s31 =	smul.u32 $0xC00, s29  }
0x54: {  	s30 =	sadd.s32 s8, s0  }
0x55: {  	s31 =	sshrl.u32 s31, $0x2;
	s30 =	sshll.u32 s30, $0x5  }
0x56: {  	s1 =	smul.u32 $0xC000, s29;
	s0 =	sadd.s32 $0x18700, s31;
	s30 =	sadd.s32 s4, s30  }
0x57: {  	[tilespmem:s0], [sflag:$0x5] =	stream.linear.gather [hbm4b:s30+s3], $0x300, $0x38;
	[tilespmem:$0x1ED00] =	vst v63  }
0x58: {  	_ =	swait.ge [sflag:s15], $0x300  }
0x59: {  	s30 =	sshrl.u32 s1, $0x2;
	[sflag:s15] =	ssyncset.done $0x0  }
0x5a: {  	s29 =	sadd.s32 $0x1, s29;
	s1 =	sor.u32 $0x18D00, s30;
	[sflag:s15] =	ssyncadd.s32 $0xFFFFFD00  }
0x5b: {  	[tilespmem:s1], [sflag:s29] =	stream.indirect.gather [hbm4b:s10+s17], $0x20, s0, s17, $0xb8;
	[tilespmem:$0x1ED00] =	vst v63  }
.Ltmp5:
0x5c: {  	_ = 	snop;
	(pc) =	sbr.rel .LBB2_4-.Ltmp5, $4  }
0x5d: {  	s0 =	sadd.s32 $0x19D00, s30;
	s1 =	sor.u32 $0x18800, s31  }
0x5e: {  	[tilespmem:s0], [sflag:s29] =	stream.indirect.gather [hbm4b:s10+s17], $0x20, s1, s17, $0xb8;
	[tilespmem:$0x1ED00] =	vst v63  }
0x5f: {  	s30 =	sadd.s32 $0x1AD00, s30;
	s31 =	sadd.s32 $0x18900, s31  }
0x60: {  	[tilespmem:s30], [sflag:s29] =	stream.indirect.gather [hbm4b:s10+s17], $0x20, s31, s17, $0xb8;
	[tilespmem:$0x1ED00] =	vst v63  }
.LBB2_6:
0x61: {  	_ =	sfence.sel $0x180000  }
0x62: {  	[bflag:$0x0] =	sbarrier.arrive $0xFFFF  }
0x63: {  	_ =	strace $0x9000004D  }
0x64: {  	s0 =	stileid.u32;
	[bflag:$0x2] =	sbarrier.arrive $0xFFFF  }
0x65: {  	p0 =	sne.s32 s0, $0x0;
	s0 =	rddreg [dreg:$0x2]  }
0x66: {  	s0 =	sadd.s32 @!p0 $0x100000, s0  }
0x67: {  	[sflag:s0] =	ssyncadd.tile.s32 @!p0 $0x1;
	_ =	shalt  }
.Lfunc_end2:
_tile_overlayer_lowered:
.L_overlay_start_2:
0x68: {  	(tag) =	ssettag $0x2  }
0x69: {  	s0 =	rddreg [dreg:$0x0];
	s2 =	stileid.u32  }
0x6a: {  	s1 =	rddreg [dreg:$0x1];
	p0 =	sne.s32 s2, $0x0  }
0x6b: {  	s3 =	rddreg [dreg:$0x2];
	[bflag:$0x3] =	sbarrier.arrive $0xFFFF;
	s2 =	simm.s32 @!p0 $0x1C05  }
0x6c: {  	[timem:s3], [sflag:s2] =	dma.local @!p0 [hbm:s0], s1  }
0x6d: {  	s0 =	simm.s32 @!p0 $0x5  }
0x6e: {  	_ =	swait.ge @!p0 [sflag:s0], s1  }
0x6f: {  	s1 =	ssub.s32 @!p0 $0x0, s1;
	[sflag:s0] =	ssyncset.done @!p0 $0x0  }
0x70: {  	[sflag:s0] =	ssyncadd.s32 @!p0 s1  }
0x71: {  	[bflag:$0x3] =	sbarrier.arrive $0xFFFF  }
0x72: {  	_ =	shalt  }

</sc_bundles>
